<compile_context>
chip_gen: v7x
topology: tpu7x:2x2x1
jax: 0.10.2.dev20260603
libtpu: 0.0.44.dev20260713+nightly
codegen_flags: <defaults>
</compile_context>

<pallas_src>
import functools

import jax
import jax.numpy as jnp
from jax import lax
from jax.experimental import pallas as pl
from jax.experimental.pallas import tpu as pltpu
from jax.experimental.pallas import tpu_sc as plsc

_NW = 10000
_NS = 10000
_NE = 160000
_D = 256
_HALF = 128
_DEGW = 16
_NTILES = 16
_EPT = _NE // _NTILES
_CHUNK = 128
_PCHUNK = 39
_NFULL = 2 * _PCHUNK
_TAIL = _EPT - _NFULL * _CHUNK
_SRCBUF = _PCHUNK * _CHUNK + _TAIL
_RPT = _NW // _NTILES

_f32 = jnp.float32


def _sc_aggregate(tabS, tabW, Erev, E, zeros):
    mesh = plsc.VectorSubcoreMesh(core_axis_name="c", subcore_axis_name="s")

    @functools.partial(
        pl.kernel,
        mesh=mesh,
        out_type=[jax.ShapeDtypeStruct((2, 2, _NW, _HALF), _f32),
                  jax.ShapeDtypeStruct((2, _NW, _DEGW), _f32)],
        scratch_types=[pltpu.VMEM((_SRCBUF,), jnp.int32),
                       pltpu.VMEM((2, _CHUNK), jnp.int32),
                       pltpu.VMEM((_TAIL,), jnp.int32),
                       pltpu.VMEM((2, _CHUNK, _HALF), _f32),
                       pltpu.VMEM((_CHUNK, _DEGW), _f32),
                       pltpu.VMEM_SHARED((_NW, _HALF), _f32),
                       pltpu.VMEM_SHARED((_NW, _DEGW), _f32),
                       pltpu.SemaphoreType.DMA,
                       pltpu.SemaphoreType.DMA,
                       pltpu.SemaphoreType.DMA,
                       pltpu.SemaphoreType.DMA],
        compiler_params=pltpu.CompilerParams(use_tc_tiling_on_sc=False),
    )
    def body(tabS_h, tabW_h, erev_h, e_h, zro_h, out_h, dout_h,
             srcv, dstv, tailv, rows, onesv, acc, dacc,
             semg, semd, sems, semo):
        c = lax.axis_index("c")
        s = lax.axis_index("s")
        rbase = s * _RPT
        ebase = s * _EPT

        onev = jnp.ones((16,), _f32)

        def fill(i, carry):
            onesv[i, pl.ds(0, 16)] = onev
            return carry

        lax.fori_loop(0, _CHUNK, fill, 0)

        for t in range(2):
            tab_h = tabS_h if t == 0 else tabW_h
            edge_h = erev_h if t == 0 else e_h
            tab_c = tab_h.at[pl.ds(c * _NW, _NW)]

            pltpu.sync_copy(zro_h, acc.at[pl.ds(rbase, _RPT)])
            pltpu.sync_copy(zro_h.at[:, pl.ds(0, _DEGW)],
                            dacc.at[pl.ds(rbase, _RPT)])
            plsc.subcore_barrier()

            def start_chunk(jloc, g, buf):
                pltpu.async_copy(
                    tab_c.at[srcv.at[pl.ds(jloc * _CHUNK, _CHUNK)]],
                    rows.at[buf], semg)
                pltpu.async_copy(
                    edge_h.at[1, pl.ds(ebase + g * _CHUNK, _CHUNK)],
                    dstv.at[buf], semd)

            def drain_chunk(buf):
                pltpu.make_async_copy(tab_h.at[pl.ds(0, _CHUNK)],
                                      rows.at[buf], semg).wait()
                pltpu.make_async_copy(edge_h.at[1, pl.ds(0, _CHUNK)],
                                      dstv.at[buf], semd).wait()

            def start_scatters(buf):
                pltpu.async_copy(rows.at[buf], acc.at[dstv.at[buf]],
                                 sems, add=True)
                pltpu.async_copy(onesv, dacc.at[dstv.at[buf]],
                                 semo, add=True)

            def drain_scatters():
                pltpu.make_async_copy(tab_h.at[pl.ds(0, _CHUNK)],
                                      rows.at[0], sems).wait()
                pltpu.make_async_copy(
                    zro_h.at[pl.ds(0, _CHUNK), pl.ds(0, _DEGW)],
                    onesv, semo).wait()

            for phase in range(2):
                gbase = phase * _PCHUNK
                npre = _PCHUNK * _CHUNK + (_TAIL if phase == 1 else 0)
                pltpu.sync_copy(
                    edge_h.at[0, pl.ds(ebase + gbase * _CHUNK, npre)],
                    srcv.at[pl.ds(0, npre)])

                start_chunk(0, gbase, 0)

                def pair(m, carry):
                    j = 2 * m
                    drain_chunk(0)

                    @pl.when(m > 0)
                    def _():
                        drain_scatters()

                    start_chunk(j + 1, gbase + j + 1, 1)
                    start_scatters(0)
                    drain_chunk(1)
                    drain_scatters()
                    start_chunk(j + 2, gbase + j + 2, 0)
                    start_scatters(1)
                    return carry

                lax.fori_loop(0, (_PCHUNK - 1) // 2, pair, 0)
                drain_chunk(0)
                drain_scatters()
                pltpu.sync_copy(rows.at[0], acc.at[dstv.at[0]], add=True)
                pltpu.sync_copy(onesv, dacc.at[dstv.at[0]], add=True)

            pltpu.sync_copy(
                edge_h.at[1, pl.ds(ebase + _NFULL * _CHUNK, _TAIL)], tailv)
            pltpu.async_copy(
                tab_c.at[srcv.at[pl.ds(_PCHUNK * _CHUNK, _TAIL)]],
                rows.at[0, pl.ds(0, _TAIL)], semg)
            pltpu.make_async_copy(tab_h.at[pl.ds(0, _TAIL)],
                                  rows.at[0, pl.ds(0, _TAIL)], semg).wait()
            pltpu.sync_copy(rows.at[0, pl.ds(0, _TAIL)], acc.at[tailv],
                            add=True)
            pltpu.sync_copy(onesv.at[pl.ds(0, _TAIL)], dacc.at[tailv],
                            add=True)

            plsc.subcore_barrier()
            pltpu.sync_copy(acc.at[pl.ds(rbase, _RPT)],
                            out_h.at[t, c, pl.ds(rbase, _RPT)])

            @pl.when(c == 0)
            def _():
                pltpu.sync_copy(dacc.at[pl.ds(rbase, _RPT)],
                                dout_h.at[t, pl.ds(rbase, _RPT)])
            plsc.subcore_barrier()

    return body(tabS, tabW, Erev, E, zeros)


_TCR = 1000


def _tc_body(xw, xs, aWA, aWB, aSA, aSB, dW, dS,
             W1, b1, W2, b2, Wg1, bg1, Wg2, bg2, W3, b3, W4, b4,
             outw, outs):
    def matT(x, w):
        return lax.dot_general(x, w[:], (((1,), (1,)), ((), ())),
                               preferred_element_type=_f32)

    hw = matT(xw[:], W1) + b1[:][None, :]
    hs = matT(xs[:], W2) + b2[:][None, :]

    sumS = jnp.concatenate([aWA[0, 0], aWB[0, 0]], axis=1)
    degw = dW[0, :, 0:1]
    tw = matT(matT(sumS, W2), Wg1)
    bias_w = matT(b2[:][None, :], Wg1) + bg1[:][None, :]
    nhw = (tw + degw * bias_w) / jnp.maximum(degw, 1.0)
    uw = matT(nhw + hw, W4) + b4[:][None, :]
    mw = jnp.max(uw, axis=1, keepdims=True)
    outw[:] = uw - (mw + jnp.log(jnp.sum(jnp.exp(uw - mw), axis=1,
                                         keepdims=True)))

    sumW = jnp.concatenate([aSA[0, 0], aSB[0, 0]], axis=1)
    degs = dS[0, :, 0:1]
    ts = matT(matT(sumW, W1), Wg2)
    bias_s = matT(b1[:][None, :], Wg2) + bg2[:][None, :]
    nhs = (ts + degs * bias_s) / jnp.maximum(degs, 1.0)
    us = matT(nhs + hs, W3) + b3[:][None, :]
    ms = jnp.max(us, axis=1, keepdims=True)
    outs[:] = us - (ms + jnp.log(jnp.sum(jnp.exp(us - ms), axis=1,
                                         keepdims=True)))


def _tc_dense(Xw, Xs, Agg, Deg,
              W1, b1, W2, b2, Wg1, bg1, Wg2, bg2, W3, b3, W4, b4):
    grid = (_NW // _TCR,)
    row_spec = pl.BlockSpec((_TCR, _D), lambda i: (i, 0))
    w_spec = pl.BlockSpec((_D, _D), lambda i: (0, 0))
    b_spec = pl.BlockSpec((_D,), lambda i: (0,))

    def agg_spec(t, k):
        return pl.BlockSpec((1, 1, _TCR, _HALF),
                            lambda i, t=t, k=k: (t, k, i, 0))

    def deg_spec(t):
        return pl.BlockSpec((1, _TCR, _DEGW), lambda i, t=t: (t, i, 0))

    return pl.pallas_call(
        _tc_body,
        grid=grid,
        in_specs=[row_spec, row_spec,
                  agg_spec(0, 0), agg_spec(0, 1), agg_spec(1, 0),
                  agg_spec(1, 1), deg_spec(0), deg_spec(1),
                  w_spec, b_spec, w_spec, b_spec, w_spec, b_spec,
                  w_spec, b_spec, w_spec, b_spec, w_spec, b_spec],
        out_specs=[row_spec, row_spec],
        out_shape=[jax.ShapeDtypeStruct((_NW, _D), _f32),
                   jax.ShapeDtypeStruct((_NS, _D), _f32)],
    )(Xw, Xs, Agg, Agg, Agg, Agg, Deg, Deg,
      W1, b1, W2, b2, Wg1, bg1, Wg2, bg2, W3, b3, W4, b4)


def kernel(Xw, Xs, E, Erev, W1, b1, W2, b2, Wg1, bg1, Wg2, bg2, W3, b3, W4, b4):
    tabS = jnp.concatenate([Xs[:, :_HALF], Xs[:, _HALF:]], axis=0)
    tabW = jnp.concatenate([Xw[:, :_HALF], Xw[:, _HALF:]], axis=0)
    zeros = jnp.zeros((_RPT, _HALF), _f32)

    Agg, Deg = _sc_aggregate(tabS, tabW, Erev.astype(jnp.int32),
                             E.astype(jnp.int32), zeros)

    ow, os_ = _tc_dense(Xw, Xs, Agg, Deg,
                        W1, b1, W2, b2, Wg1, bg1, Wg2, bg2, W3, b3, W4, b4)
    return (ow, os_)

# --- scband reference (transcript-rebuilt; emitter-appended) ---
"""Pipeline reference for scband-heter-sum-graph-68710886801481 (READ-ONLY COPY).

The authoritative reference and input builder live on the scoring server;
editing this copy changes nothing except your own understanding.
"""

import jax, jax.numpy as jnp
import numpy as np

NW = 10000
NS = 10000
NE = 160000
DW = 256
DS = 256
DH = 256


def _lin_init(key, out_dim, in_dim):
    return jax.random.normal(key, (out_dim, in_dim), dtype=jnp.float32) * (1.0 / np.sqrt(in_dim))


def setup_inputs(seed: int = 0) -> dict:
    key = jax.random.key(seed)
    ks = jax.random.split(key, 16)
    inp = {}
    inp['Xw'] = jax.random.normal(ks[0], (NW, DW), dtype=jnp.float32)
    inp['Xs'] = jax.random.normal(ks[1], (NS, DS), dtype=jnp.float32)
    # E: row 0 = word src indices (< NW), row 1 = sentence dst indices (< NS)
    inp['E'] = jax.random.randint(ks[2], (2, NE), 0, NW, dtype=jnp.int64)
    # Erev: row 0 = sentence src indices (< NS), row 1 = word dst indices (< NW)
    inp['Erev'] = jax.random.randint(ks[3], (2, NE), 0, NS, dtype=jnp.int64)
    # learned parameters (nn.Linear convention: W [out, in], y = x @ W.T + b)
    inp['W1'] = _lin_init(ks[4], DH, DW)
    inp['b1'] = jnp.zeros((DH,), jnp.float32)
    inp['W2'] = _lin_init(ks[5], DH, DS)
    inp['b2'] = jnp.zeros((DH,), jnp.float32)
    inp['Wg1'] = _lin_init(ks[6], DH, DH)
    inp['bg1'] = jnp.zeros((DH,), jnp.float32)
    inp['Wg2'] = _lin_init(ks[7], DH, DH)
    inp['bg2'] = jnp.zeros((DH,), jnp.float32)
    inp['W3'] = _lin_init(ks[8], DS, DH)
    inp['b3'] = jnp.zeros((DS,), jnp.float32)
    inp['W4'] = _lin_init(ks[9], DW, DH)
    inp['b4'] = jnp.zeros((DW,), jnp.float32)
    return inp


def _gcn(x, edge_index, W, b, num_out):
    # GCN layer: linear transform then degree-normalized scatter-add over dst nodes
    h = x @ W.T + b
    src = edge_index[0]
    dst = edge_index[1]
    msg = jnp.take(h, src, axis=0)
    agg = jax.ops.segment_sum(msg, dst, num_segments=num_out)
    deg = jax.ops.segment_sum(jnp.ones((msg.shape[0],), h.dtype), dst, num_segments=num_out)
    return agg / jnp.clip(deg, 1.0)[:, None]


def reference(Xw, Xs, E, Erev, W1, b1, W2, b2, Wg1, bg1, Wg2, bg2, W3, b3, W4, b4):
    Hw = Xw @ W1.T + b1
    Hs = Xs @ W2.T + b2
    nHw = _gcn(Hs, Erev, Wg1, bg1, Xw.shape[0])  # sentence -> word
    nHs = _gcn(Hw, E, Wg2, bg2, Xs.shape[0])     # word -> sentence
    Hw = (nHw + Hw) @ W4.T + b4
    Hs = (nHs + Hs) @ W3.T + b3
    Hw = jax.nn.log_softmax(Hw, axis=1)
    Hs = jax.nn.log_softmax(Hs, axis=1)
    return (Hw, Hs)

if __name__ == "__main__":
    import jax
    _d = setup_inputs()
    print(jax.jit(kernel)(*tuple(_d.values())))

</pallas_src>

<mosaic_0001>
#map = affine_map<(d0, d1) -> (0, 0)>
#map1 = affine_map<(d0, d1) -> (0, 0, 0, 0)>
#map2 = affine_map<(d0, d1) -> (0, 0, 0)>
module attributes {stable_mosaic.version = 14 : i64} {
  func.func @body(%arg0: i32, %arg1: i32, %arg2: memref<20000x128xf32, #tpu.memory_space<hbm>>, %arg3: memref<20000x128xf32, #tpu.memory_space<hbm>>, %arg4: memref<2x160000xi32, #tpu.memory_space<hbm>>, %arg5: memref<2x160000xi32, #tpu.memory_space<hbm>>, %arg6: memref<625x128xf32, #tpu.memory_space<hbm>>, %arg7: memref<2x2x10000x128xf32, #tpu.memory_space<hbm>>, %arg8: memref<2x10000x16xf32, #tpu.memory_space<hbm>>, %arg9: memref<5008xi32, #tpu.memory_space<vmem>>, %arg10: memref<2x128xi32, #tpu.memory_space<vmem>>, %arg11: memref<16xi32, #tpu.memory_space<vmem>>, %arg12: memref<2x128x128xf32, #tpu.memory_space<vmem>>, %arg13: memref<128x16xf32, #tpu.memory_space<vmem>>, %arg14: memref<10000x128xf32, #tpu.memory_space<vmem_shared>>, %arg15: memref<10000x16xf32, #tpu.memory_space<vmem_shared>>, %arg16: memref<!tpu.dma_semaphore, #tpu.memory_space<semaphore_mem>>, %arg17: memref<!tpu.dma_semaphore, #tpu.memory_space<semaphore_mem>>, %arg18: memref<!tpu.dma_semaphore, #tpu.memory_space<semaphore_mem>>, %arg19: memref<!tpu.dma_semaphore, #tpu.memory_space<semaphore_mem>>) attributes {dimension_semantics = [#tpu.dimension_semantics<core_parallel>, #tpu.dimension_semantics<subcore_parallel>], iteration_bounds = array<i64: 2, 16>, scalar_prefetch = 0 : i64, scratch_operands = 11 : i64, tpu.core_type = #tpu.core_type<sc_vector_subcore>, window_params = [{transform_indices = #map}, {transform_indices = #map}, {transform_indices = #map}, {transform_indices = #map}, {transform_indices = #map}, {transform_indices = #map1}, {transform_indices = #map2}]} {
    %mul3A = arith.constant 625 : i32
    %mul3A_0 = arith.muli %arg1, %mul3A : i32
    %mul3A_1 = arith.constant 10000 : i32
    %mul3A_2 = arith.muli %arg1, %mul3A_1 : i32
    %broadcast_in_dim3A = arith.constant 1.000000e+00 : f32
    %broadcast_in_dim3A_3 = vector.broadcast %broadcast_in_dim3A : f32 to vector<16xf32>
    %scan3A = arith.constant 0 : i32
    %scan3A_4 = arith.constant 0 : i32
    %scan3A_5 = arith.constant 128 : i32
    %scan3A_6 = arith.addi %scan3A_4, %scan3A_5 : i32
    %scan3A_7 = arith.constant 1 : i32
    scf.for %scan3A_437 = %scan3A_4 to %scan3A_6 step %scan3A_7  : i32 {
      %swap3A = arith.index_cast %scan3A_437 : i32 to index
      %swap3A_438 = arith.constant 0 : index
      %swap3A_439 = tpu.vector_load %arg13[%swap3A, %swap3A_438] {strides = array<i32>} : memref<128x16xf32, #tpu.memory_space<vmem>>, vector<1x16xf32>,
      %swap3A_440 = vector.shape_cast %swap3A_439 : vector<1x16xf32> to vector<16xf32>
      %swap3A_441 = vector.shape_cast %broadcast_in_dim3A_3 : vector<16xf32> to vector<1x16xf32>
      tpu.vector_store %arg13[%swap3A, %swap3A_438], %swap3A_441 {strides = array<i32>} : memref<128x16xf32, #tpu.memory_space<vmem>>, vector<1x16xf32>,
    }
    %scan3A_8 = arith.constant 128 : i32
    %mul3A_9 = arith.constant 10000 : i32
    %mul3A_10 = arith.muli %arg0, %mul3A_9 : i32
    "tpu.region"() ({
      %run_scoped3A_437 = tpu.sem_alloc : memref<!tpu.dma_semaphore, #tpu.memory_space<semaphore_mem>>
      %dma_start3A_438 = arith.constant 0 : i32
      %dma_start3A_439 = tpu.memref_slice %arg14[%mul3A_0, %dma_start3A_438] : memref<10000x128xf32, #tpu.memory_space<vmem_shared>> -> memref<625x128xf32, #tpu.memory_space<vmem_shared>>
      tpu.enqueue_dma source(%arg6 : memref<625x128xf32, #tpu.memory_space<hbm>>) target(%dma_start3A_439 : memref<625x128xf32, #tpu.memory_space<vmem_shared>>) target_semaphore(%run_scoped3A_437 : memref<!tpu.dma_semaphore, #tpu.memory_space<semaphore_mem>>)
      %dma_wait3A_440 = arith.constant 0 : i32
      %dma_wait3A_441 = tpu.memref_slice %arg14[%mul3A_0, %dma_wait3A_440] : memref<10000x128xf32, #tpu.memory_space<vmem_shared>> -> memref<625x128xf32, #tpu.memory_space<vmem_shared>>
      tpu.wait_dma2 semaphore(%run_scoped3A_437 : memref<!tpu.dma_semaphore, #tpu.memory_space<semaphore_mem>>) src(%arg6 : memref<625x128xf32, #tpu.memory_space<hbm>>) dst(%dma_wait3A_441 : memref<625x128xf32, #tpu.memory_space<vmem_shared>>)
      tpu.yield
    }) : () -> ()
    "tpu.region"() ({
      %run_scoped3A_437 = tpu.sem_alloc : memref<!tpu.dma_semaphore, #tpu.memory_space<semaphore_mem>>
      %dma_start3A_438 = arith.constant 0 : i32
      %dma_start3A_439 = tpu.memref_slice %arg15[%mul3A_0, %dma_start3A_438] : memref<10000x16xf32, #tpu.memory_space<vmem_shared>> -> memref<625x16xf32, #tpu.memory_space<vmem_shared>>
      %dma_start3A_440 = arith.constant 0 : i32
      %dma_start3A_441 = arith.constant 0 : i32
      %dma_start3A_442 = tpu.memref_slice %arg6[%dma_start3A_440, %dma_start3A_441] : memref<625x128xf32, #tpu.memory_space<hbm>> -> memref<625x16xf32, #tpu.memory_space<hbm>>
      tpu.enqueue_dma source(%dma_start3A_442 : memref<625x16xf32, #tpu.memory_space<hbm>>) target(%dma_start3A_439 : memref<625x16xf32, #tpu.memory_space<vmem_shared>>) target_semaphore(%run_scoped3A_437 : memref<!tpu.dma_semaphore, #tpu.memory_space<semaphore_mem>>)
      %dma_wait3A_443 = arith.constant 0 : i32
      %dma_wait3A_444 = tpu.memref_slice %arg15[%mul3A_0, %dma_wait3A_443] : memref<10000x16xf32, #tpu.memory_space<vmem_shared>> -> memref<625x16xf32, #tpu.memory_space<vmem_shared>>
      %dma_wait3A_445 = arith.constant 0 : i32
      %dma_wait3A_446 = arith.constant 0 : i32
      %dma_wait3A_447 = tpu.memref_slice %arg6[%dma_wait3A_445, %dma_wait3A_446] : memref<625x128xf32, #tpu.memory_space<hbm>> -> memref<625x16xf32, #tpu.memory_space<hbm>>
      tpu.wait_dma2 semaphore(%run_scoped3A_437 : memref<!tpu.dma_semaphore, #tpu.memory_space<semaphore_mem>>) src(%dma_wait3A_447 : memref<625x16xf32, #tpu.memory_space<hbm>>) dst(%dma_wait3A_444 : memref<625x16xf32, #tpu.memory_space<vmem_shared>>)
      tpu.yield
    }) : () -> ()
    %barrier3A = arith.constant 0 : index
    tpu.barrier barrier_id(%barrier3A)
    %add3A = arith.constant 0 : i32
    %add3A_11 = arith.addi %mul3A_2, %add3A : i32
    %run_scoped3A = arith.constant 0 : i32
    "tpu.region"() ({
      %run_scoped3A_437 = tpu.sem_alloc : memref<!tpu.dma_semaphore, #tpu.memory_space<semaphore_mem>>
      %dma_start3A_438 = arith.constant 0 : i32
      %dma_start3A_439 = tpu.memref_slice %arg9[%dma_start3A_438] : memref<5008xi32, #tpu.memory_space<vmem>> -> memref<4992xi32, #tpu.memory_space<vmem>>
      %dma_start3A_440 = tpu.memref_slice %arg4[%run_scoped3A, %add3A_11] : memref<2x160000xi32, #tpu.memory_space<hbm>> -> memref<1x4992xi32, #tpu.memory_space<hbm>>
      %dma_start3A_441 = tpu.memref_squeeze %dma_start3A_440 : memref<1x4992xi32, #tpu.memory_space<hbm>> -> memref<4992xi32, #tpu.memory_space<hbm>>
      %dma_start3A_442 = arith.constant 0 : i32
      %dma_start3A_443 = tpu.memref_slice %arg9[%dma_start3A_442] : memref<5008xi32, #tpu.memory_space<vmem>> -> memref<4992xi32, #tpu.memory_space<vmem>>
      %dma_start3A_444 = tpu.memref_slice %arg4[%run_scoped3A, %add3A_11] : memref<2x160000xi32, #tpu.memory_space<hbm>> -> memref<1x4992xi32, #tpu.memory_space<hbm>>
      %dma_start3A_445 = tpu.memref_squeeze %dma_start3A_444 : memref<1x4992xi32, #tpu.memory_space<hbm>> -> memref<4992xi32, #tpu.memory_space<hbm>>
      tpu.enqueue_dma source(%dma_start3A_445 : memref<4992xi32, #tpu.memory_space<hbm>>) target(%dma_start3A_443 : memref<4992xi32, #tpu.memory_space<vmem>>) target_semaphore(%run_scoped3A_437 : memref<!tpu.dma_semaphore, #tpu.memory_space<semaphore_mem>>)
      %dma_wait3A_446 = arith.constant 0 : i32
      %dma_wait3A_447 = tpu.memref_slice %arg9[%dma_wait3A_446] : memref<5008xi32, #tpu.memory_space<vmem>> -> memref<4992xi32, #tpu.memory_space<vmem>>
      %dma_wait3A_448 = tpu.memref_slice %arg4[%run_scoped3A, %add3A_11] : memref<2x160000xi32, #tpu.memory_space<hbm>> -> memref<1x4992xi32, #tpu.memory_space<hbm>>
      %dma_wait3A_449 = tpu.memref_squeeze %dma_wait3A_448 : memref<1x4992xi32, #tpu.memory_space<hbm>> -> memref<4992xi32, #tpu.memory_space<hbm>>
      %dma_wait3A_450 = arith.constant 0 : i32
      %dma_wait3A_451 = tpu.memref_slice %arg9[%dma_wait3A_450] : memref<5008xi32, #tpu.memory_space<vmem>> -> memref<4992xi32, #tpu.memory_space<vmem>>
      %dma_wait3A_452 = tpu.memref_slice %arg4[%run_scoped3A, %add3A_11] : memref<2x160000xi32, #tpu.memory_space<hbm>> -> memref<1x4992xi32, #tpu.memory_space<hbm>>
      %dma_wait3A_453 = tpu.memref_squeeze %dma_wait3A_452 : memref<1x4992xi32, #tpu.memory_space<hbm>> -> memref<4992xi32, #tpu.memory_space<hbm>>
      tpu.wait_dma2 semaphore(%run_scoped3A_437 : memref<!tpu.dma_semaphore, #tpu.memory_space<semaphore_mem>>) src(%dma_wait3A_453 : memref<4992xi32, #tpu.memory_space<hbm>>) dst(%dma_wait3A_451 : memref<4992xi32, #tpu.memory_space<vmem>>)
      tpu.yield
    }) : () -> ()
    %dma_start3A = arith.constant 0 : i32
    %dma_start3A_12 = arith.constant 0 : i32
    %dma_start3A_13 = arith.constant 0 : i32
    %dma_start3A_14 = tpu.memref_slice %arg12[%dma_start3A, %dma_start3A_12, %dma_start3A_13] : memref<2x128x128xf32, #tpu.memory_space<vmem>> -> memref<1x128x128xf32, #tpu.memory_space<vmem>>
    %dma_start3A_15 = tpu.memref_squeeze %dma_start3A_14 : memref<1x128x128xf32, #tpu.memory_space<vmem>> -> memref<128x128xf32, #tpu.memory_space<vmem>>
    %dma_start3A_16 = arith.constant 0 : i32
    %dma_start3A_17 = tpu.memref_slice %arg9[%dma_start3A_16] : memref<5008xi32, #tpu.memory_space<vmem>> -> memref<128xi32, #tpu.memory_space<vmem>>
    %dma_start3A_18 = arith.constant 0 : i32
    %dma_start3A_19 = tpu.memref_slice %arg2[%mul3A_10, %dma_start3A_18] : memref<20000x128xf32, #tpu.memory_space<hbm>> -> memref<10000x128xf32, #tpu.memory_space<hbm>>
    %dma_start3A_20 = arith.constant 0 : i32
    %dma_start3A_21 = arith.constant 0 : i32
    %dma_start3A_22 = tpu.memref_slice %dma_start3A_19[%dma_start3A_20, %dma_start3A_21] : memref<10000x128xf32, #tpu.memory_space<hbm>> -> memref<10000x128xf32, #tpu.memory_space<hbm>>
    tpu.enqueue_indirect_dma source(%dma_start3A_22 : memref<10000x128xf32, #tpu.memory_space<hbm>>) target(%dma_start3A_15 : memref<128x128xf32, #tpu.memory_space<vmem>>) offsets(%dma_start3A_17 : memref<128xi32, #tpu.memory_space<vmem>>) semaphore(%arg16 : memref<!tpu.dma_semaphore, #tpu.memory_space<semaphore_mem>>)
    %add3A_23 = arith.constant 0 : i32
    %add3A_24 = arith.addi %mul3A_2, %add3A_23 : i32
    %dma_start3A_25 = arith.constant 1 : i32
    %dma_start3A_26 = arith.constant 0 : i32
    %dma_start3A_27 = arith.constant 0 : i32
    %dma_start3A_28 = tpu.memref_slice %arg10[%dma_start3A_26, %dma_start3A_27] : memref<2x128xi32, #tpu.memory_space<vmem>> -> memref<1x128xi32, #tpu.memory_space<vmem>>
    %dma_start3A_29 = tpu.memref_squeeze %dma_start3A_28 : memref<1x128xi32, #tpu.memory_space<vmem>> -> memref<128xi32, #tpu.memory_space<vmem>>
    %dma_start3A_30 = tpu.memref_slice %arg4[%dma_start3A_25, %add3A_24] : memref<2x160000xi32, #tpu.memory_space<hbm>> -> memref<1x128xi32, #tpu.memory_space<hbm>>
    %dma_start3A_31 = tpu.memref_squeeze %dma_start3A_30 : memref<1x128xi32, #tpu.memory_space<hbm>> -> memref<128xi32, #tpu.memory_space<hbm>>
    %dma_start3A_32 = arith.constant 0 : i32
    %dma_start3A_33 = tpu.memref_slice %arg10[%dma_start3A_26, %dma_start3A_32] : memref<2x128xi32, #tpu.memory_space<vmem>> -> memref<1x128xi32, #tpu.memory_space<vmem>>
    %dma_start3A_34 = tpu.memref_squeeze %dma_start3A_33 : memref<1x128xi32, #tpu.memory_space<vmem>> -> memref<128xi32, #tpu.memory_space<vmem>>
    %dma_start3A_35 = tpu.memref_slice %arg4[%dma_start3A_25, %add3A_24] : memref<2x160000xi32, #tpu.memory_space<hbm>> -> memref<1x128xi32, #tpu.memory_space<hbm>>
    %dma_start3A_36 = tpu.memref_squeeze %dma_start3A_35 : memref<1x128xi32, #tpu.memory_space<hbm>> -> memref<128xi32, #tpu.memory_space<hbm>>
    tpu.enqueue_dma source(%dma_start3A_36 : memref<128xi32, #tpu.memory_space<hbm>>) target(%dma_start3A_34 : memref<128xi32, #tpu.memory_space<vmem>>) target_semaphore(%arg17 : memref<!tpu.dma_semaphore, #tpu.memory_space<semaphore_mem>>)
    %scan3A_37 = arith.constant 0 : i32
    %scan3A_38 = arith.constant 0 : i32
    %scan3A_39 = arith.constant 19 : i32
    %scan3A_40 = arith.addi %scan3A_38, %scan3A_39 : i32
    %scan3A_41 = arith.constant 1 : i32
    scf.for %scan3A_437 = %scan3A_38 to %scan3A_40 step %scan3A_41  : i32 {
      %mul3A_438 = arith.constant 2 : i32
      %mul3A_439 = arith.muli %mul3A_438, %scan3A_437 : i32
      %dma_wait3A_440 = arith.constant 0 : i32
      %dma_wait3A_441 = arith.constant 0 : i32
      %dma_wait3A_442 = arith.constant 0 : i32
      %dma_wait3A_443 = tpu.memref_slice %arg12[%dma_wait3A_440, %dma_wait3A_441, %dma_wait3A_442] : memref<2x128x128xf32, #tpu.memory_space<vmem>> -> memref<1x128x128xf32, #tpu.memory_space<vmem>>
      %dma_wait3A_444 = tpu.memref_squeeze %dma_wait3A_443 : memref<1x128x128xf32, #tpu.memory_space<vmem>> -> memref<128x128xf32, #tpu.memory_space<vmem>>
      %dma_wait3A_445 = arith.constant 0 : i32
      %dma_wait3A_446 = arith.constant 0 : i32
      %dma_wait3A_447 = tpu.memref_slice %arg2[%dma_wait3A_445, %dma_wait3A_446] : memref<20000x128xf32, #tpu.memory_space<hbm>> -> memref<128x128xf32, #tpu.memory_space<hbm>>
      %dma_wait3A_448 = arith.constant 0 : i32
      %dma_wait3A_449 = arith.constant 0 : i32
      %dma_wait3A_450 = tpu.memref_slice %arg12[%dma_wait3A_440, %dma_wait3A_448, %dma_wait3A_449] : memref<2x128x128xf32, #tpu.memory_space<vmem>> -> memref<1x128x128xf32, #tpu.memory_space<vmem>>
      %dma_wait3A_451 = tpu.memref_squeeze %dma_wait3A_450 : memref<1x128x128xf32, #tpu.memory_space<vmem>> -> memref<128x128xf32, #tpu.memory_space<vmem>>
      %dma_wait3A_452 = arith.constant 0 : i32
      %dma_wait3A_453 = arith.constant 0 : i32
      %dma_wait3A_454 = tpu.memref_slice %arg2[%dma_wait3A_452, %dma_wait3A_453] : memref<20000x128xf32, #tpu.memory_space<hbm>> -> memref<128x128xf32, #tpu.memory_space<hbm>>
      tpu.wait_dma2 semaphore(%arg16 : memref<!tpu.dma_semaphore, #tpu.memory_space<semaphore_mem>>) src(%dma_wait3A_454 : memref<128x128xf32, #tpu.memory_space<hbm>>) dst(%dma_wait3A_451 : memref<128x128xf32, #tpu.memory_space<vmem>>)
      %dma_wait3A_455 = arith.constant 1 : i32
      %dma_wait3A_456 = arith.constant 0 : i32
      %dma_wait3A_457 = arith.constant 0 : i32
      %dma_wait3A_458 = tpu.memref_slice %arg10[%dma_wait3A_456, %dma_wait3A_457] : memref<2x128xi32, #tpu.memory_space<vmem>> -> memref<1x128xi32, #tpu.memory_space<vmem>>
      %dma_wait3A_459 = tpu.memref_squeeze %dma_wait3A_458 : memref<1x128xi32, #tpu.memory_space<vmem>> -> memref<128xi32, #tpu.memory_space<vmem>>
      %dma_wait3A_460 = arith.constant 0 : i32
      %dma_wait3A_461 = tpu.memref_slice %arg4[%dma_wait3A_455, %dma_wait3A_460] : memref<2x160000xi32, #tpu.memory_space<hbm>> -> memref<1x128xi32, #tpu.memory_space<hbm>>
      %dma_wait3A_462 = tpu.memref_squeeze %dma_wait3A_461 : memref<1x128xi32, #tpu.memory_space<hbm>> -> memref<128xi32, #tpu.memory_space<hbm>>
      %dma_wait3A_463 = arith.constant 0 : i32
      %dma_wait3A_464 = tpu.memref_slice %arg10[%dma_wait3A_456, %dma_wait3A_463] : memref<2x128xi32, #tpu.memory_space<vmem>> -> memref<1x128xi32, #tpu.memory_space<vmem>>
      %dma_wait3A_465 = tpu.memref_squeeze %dma_wait3A_464 : memref<1x128xi32, #tpu.memory_space<vmem>> -> memref<128xi32, #tpu.memory_space<vmem>>
      %dma_wait3A_466 = arith.constant 0 : i32
      %dma_wait3A_467 = tpu.memref_slice %arg4[%dma_wait3A_455, %dma_wait3A_466] : memref<2x160000xi32, #tpu.memory_space<hbm>> -> memref<1x128xi32, #tpu.memory_space<hbm>>
      %dma_wait3A_468 = tpu.memref_squeeze %dma_wait3A_467 : memref<1x128xi32, #tpu.memory_space<hbm>> -> memref<128xi32, #tpu.memory_space<hbm>>
      tpu.wait_dma2 semaphore(%arg17 : memref<!tpu.dma_semaphore, #tpu.memory_space<semaphore_mem>>) src(%dma_wait3A_468 : memref<128xi32, #tpu.memory_space<hbm>>) dst(%dma_wait3A_465 : memref<128xi32, #tpu.memory_space<vmem>>)
      %gt3A = arith.constant 0 : i32
      %gt3A_469 = arith.cmpi sgt, %scan3A_437, %gt3A : i32
      %convert_element_type3A_470 = arith.extui %gt3A_469 : i1 to i32
      %cond3A_471 = arith.constant 0 : i32
      %cond3A_472 = arith.cmpi ne, %convert_element_type3A_470, %cond3A_471 : i32
      scf.if %cond3A_472 {
        %dma_wait3A_629 = arith.constant 0 : i32
        %dma_wait3A_630 = arith.constant 0 : i32
        %dma_wait3A_631 = arith.constant 0 : i32
        %dma_wait3A_632 = tpu.memref_slice %arg12[%dma_wait3A_629, %dma_wait3A_630, %dma_wait3A_631] : memref<2x128x128xf32, #tpu.memory_space<vmem>> -> memref<1x128x128xf32, #tpu.memory_space<vmem>>
        %dma_wait3A_633 = tpu.memref_squeeze %dma_wait3A_632 : memref<1x128x128xf32, #tpu.memory_space<vmem>> -> memref<128x128xf32, #tpu.memory_space<vmem>>
        %dma_wait3A_634 = arith.constant 0 : i32
        %dma_wait3A_635 = arith.constant 0 : i32
        %dma_wait3A_636 = tpu.memref_slice %arg2[%dma_wait3A_634, %dma_wait3A_635] : memref<20000x128xf32, #tpu.memory_space<hbm>> -> memref<128x128xf32, #tpu.memory_space<hbm>>
        %dma_wait3A_637 = arith.constant 0 : i32
        %dma_wait3A_638 = arith.constant 0 : i32
        %dma_wait3A_639 = tpu.memref_slice %arg12[%dma_wait3A_629, %dma_wait3A_637, %dma_wait3A_638] : memref<2x128x128xf32, #tpu.memory_space<vmem>> -> memref<1x128x128xf32, #tpu.memory_space<vmem>>
        %dma_wait3A_640 = tpu.memref_squeeze %dma_wait3A_639 : memref<1x128x128xf32, #tpu.memory_space<vmem>> -> memref<128x128xf32, #tpu.memory_space<vmem>>
        %dma_wait3A_641 = arith.constant 0 : i32
        %dma_wait3A_642 = arith.constant 0 : i32
        %dma_wait3A_643 = tpu.memref_slice %arg2[%dma_wait3A_641, %dma_wait3A_642] : memref<20000x128xf32, #tpu.memory_space<hbm>> -> memref<128x128xf32, #tpu.memory_space<hbm>>
        tpu.wait_dma2 semaphore(%arg18 : memref<!tpu.dma_semaphore, #tpu.memory_space<semaphore_mem>>) src(%dma_wait3A_643 : memref<128x128xf32, #tpu.memory_space<hbm>>) dst(%dma_wait3A_640 : memref<128x128xf32, #tpu.memory_space<vmem>>)
        %dma_wait3A_644 = arith.constant 0 : i32
        %dma_wait3A_645 = arith.constant 0 : i32
        %dma_wait3A_646 = tpu.memref_slice %arg6[%dma_wait3A_644, %dma_wait3A_645] : memref<625x128xf32, #tpu.memory_space<hbm>> -> memref<128x16xf32, #tpu.memory_space<hbm>>
        %dma_wait3A_647 = arith.constant 0 : i32
        %dma_wait3A_648 = arith.constant 0 : i32
        %dma_wait3A_649 = tpu.memref_slice %arg6[%dma_wait3A_647, %dma_wait3A_648] : memref<625x128xf32, #tpu.memory_space<hbm>> -> memref<128x16xf32, #tpu.memory_space<hbm>>
        tpu.wait_dma2 semaphore(%arg19 : memref<!tpu.dma_semaphore, #tpu.memory_space<semaphore_mem>>) src(%dma_wait3A_649 : memref<128x16xf32, #tpu.memory_space<hbm>>) dst(%arg13 : memref<128x16xf32, #tpu.memory_space<vmem>>)
      } else {
      }
      %add3A_473 = arith.constant 1 : i32
      %add3A_474 = arith.addi %mul3A_439, %add3A_473 : i32
      %add3A_475 = arith.constant 0 : i32
      %add3A_476 = arith.addi %add3A_475, %mul3A_439 : i32
      %add3A_477 = arith.constant 1 : i32
      %add3A_478 = arith.addi %add3A_476, %add3A_477 : i32
      %mul3A_479 = arith.constant 128 : i32
      %mul3A_480 = arith.muli %add3A_474, %mul3A_479 : i32
      %dma_start3A_481 = arith.constant 1 : i32
      %dma_start3A_482 = arith.constant 0 : i32
      %dma_start3A_483 = arith.constant 0 : i32
      %dma_start3A_484 = tpu.memref_slice %arg12[%dma_start3A_481, %dma_start3A_482, %dma_start3A_483] : memref<2x128x128xf32, #tpu.memory_space<vmem>> -> memref<1x128x128xf32, #tpu.memory_space<vmem>>
      %dma_start3A_485 = tpu.memref_squeeze %dma_start3A_484 : memref<1x128x128xf32, #tpu.memory_space<vmem>> -> memref<128x128xf32, #tpu.memory_space<vmem>>
      %dma_start3A_486 = tpu.memref_slice %arg9[%mul3A_480] : memref<5008xi32, #tpu.memory_space<vmem>> -> memref<128xi32, #tpu.memory_space<vmem>>
      %dma_start3A_487 = arith.constant 0 : i32
      %dma_start3A_488 = tpu.memref_slice %arg2[%mul3A_10, %dma_start3A_487] : memref<20000x128xf32, #tpu.memory_space<hbm>> -> memref<10000x128xf32, #tpu.memory_space<hbm>>
      %dma_start3A_489 = arith.constant 0 : i32
      %dma_start3A_490 = arith.constant 0 : i32
      %dma_start3A_491 = tpu.memref_slice %dma_start3A_488[%dma_start3A_489, %dma_start3A_490] : memref<10000x128xf32, #tpu.memory_space<hbm>> -> memref<10000x128xf32, #tpu.memory_space<hbm>>
      tpu.enqueue_indirect_dma source(%dma_start3A_491 : memref<10000x128xf32, #tpu.memory_space<hbm>>) target(%dma_start3A_485 : memref<128x128xf32, #tpu.memory_space<vmem>>) offsets(%dma_start3A_486 : memref<128xi32, #tpu.memory_space<vmem>>) semaphore(%arg16 : memref<!tpu.dma_semaphore, #tpu.memory_space<semaphore_mem>>)
      %mul3A_492 = arith.constant 128 : i32
      %mul3A_493 = arith.muli %add3A_478, %mul3A_492 : i32
      %add3A_494 = arith.addi %mul3A_2, %mul3A_493 : i32
      %dma_start3A_495 = arith.constant 1 : i32
      %dma_start3A_496 = arith.constant 1 : i32
      %dma_start3A_497 = arith.constant 0 : i32
      %dma_start3A_498 = tpu.memref_slice %arg10[%dma_start3A_496, %dma_start3A_497] : memref<2x128xi32, #tpu.memory_space<vmem>> -> memref<1x128xi32, #tpu.memory_space<vmem>>
      %dma_start3A_499 = tpu.memref_squeeze %dma_start3A_498 : memref<1x128xi32, #tpu.memory_space<vmem>> -> memref<128xi32, #tpu.memory_space<vmem>>
      %dma_start3A_500 = tpu.memref_slice %arg4[%dma_start3A_495, %add3A_494] : memref<2x160000xi32, #tpu.memory_space<hbm>> -> memref<1x128xi32, #tpu.memory_space<hbm>>
      %dma_start3A_501 = tpu.memref_squeeze %dma_start3A_500 : memref<1x128xi32, #tpu.memory_space<hbm>> -> memref<128xi32, #tpu.memory_space<hbm>>
      %dma_start3A_502 = arith.constant 0 : i32
      %dma_start3A_503 = tpu.memref_slice %arg10[%dma_start3A_496, %dma_start3A_502] : memref<2x128xi32, #tpu.memory_space<vmem>> -> memref<1x128xi32, #tpu.memory_space<vmem>>
      %dma_start3A_504 = tpu.memref_squeeze %dma_start3A_503 : memref<1x128xi32, #tpu.memory_space<vmem>> -> memref<128xi32, #tpu.memory_space<vmem>>
      %dma_start3A_505 = tpu.memref_slice %arg4[%dma_start3A_495, %add3A_494] : memref<2x160000xi32, #tpu.memory_space<hbm>> -> memref<1x128xi32, #tpu.memory_space<hbm>>
      %dma_start3A_506 = tpu.memref_squeeze %dma_start3A_505 : memref<1x128xi32, #tpu.memory_space<hbm>> -> memref<128xi32, #tpu.memory_space<hbm>>
      tpu.enqueue_dma source(%dma_start3A_506 : memref<128xi32, #tpu.memory_space<hbm>>) target(%dma_start3A_504 : memref<128xi32, #tpu.memory_space<vmem>>) target_semaphore(%arg17 : memref<!tpu.dma_semaphore, #tpu.memory_space<semaphore_mem>>)
      %dma_start3A_507 = arith.constant 0 : i32
      %dma_start3A_508 = arith.constant 0 : i32
      %dma_start3A_509 = arith.constant 0 : i32
      %dma_start3A_510 = arith.constant 0 : i32
      %dma_start3A_511 = tpu.memref_slice %arg12[%dma_start3A_507, %dma_start3A_509, %dma_start3A_510] : memref<2x128x128xf32, #tpu.memory_space<vmem>> -> memref<1x128x128xf32, #tpu.memory_space<vmem>>
      %dma_start3A_512 = tpu.memref_squeeze %dma_start3A_511 : memref<1x128x128xf32, #tpu.memory_space<vmem>> -> memref<128x128xf32, #tpu.memory_space<vmem>>
      %dma_start3A_513 = arith.constant 0 : i32
      %dma_start3A_514 = tpu.memref_slice %arg10[%dma_start3A_508, %dma_start3A_513] : memref<2x128xi32, #tpu.memory_space<vmem>> -> memref<1x128xi32, #tpu.memory_space<vmem>>
      %dma_start3A_515 = tpu.memref_squeeze %dma_start3A_514 : memref<1x128xi32, #tpu.memory_space<vmem>> -> memref<128xi32, #tpu.memory_space<vmem>>
      %dma_start3A_516 = arith.constant 0 : i32
      %dma_start3A_517 = arith.constant 0 : i32
      %dma_start3A_518 = tpu.memref_slice %arg14[%dma_start3A_516, %dma_start3A_517] : memref<10000x128xf32, #tpu.memory_space<vmem_shared>> -> memref<10000x128xf32, #tpu.memory_space<vmem_shared>>
      tpu.enqueue_indirect_dma source(%dma_start3A_512 : memref<128x128xf32, #tpu.memory_space<vmem>>) target(%dma_start3A_518 : memref<10000x128xf32, #tpu.memory_space<vmem_shared>>) offsets(%dma_start3A_515 : memref<128xi32, #tpu.memory_space<vmem>>) semaphore(%arg18 : memref<!tpu.dma_semaphore, #tpu.memory_space<semaphore_mem>>) {add = true}
      %dma_start3A_519 = arith.constant 0 : i32
      %dma_start3A_520 = arith.constant 0 : i32
      %dma_start3A_521 = tpu.memref_slice %arg10[%dma_start3A_519, %dma_start3A_520] : memref<2x128xi32, #tpu.memory_space<vmem>> -> memref<1x128xi32, #tpu.memory_space<vmem>>
      %dma_start3A_522 = tpu.memref_squeeze %dma_start3A_521 : memref<1x128xi32, #tpu.memory_space<vmem>> -> memref<128xi32, #tpu.memory_space<vmem>>
      %dma_start3A_523 = arith.constant 0 : i32
      %dma_start3A_524 = arith.constant 0 : i32
      %dma_start3A_525 = tpu.memref_slice %arg15[%dma_start3A_523, %dma_start3A_524] : memref<10000x16xf32, #tpu.memory_space<vmem_shared>> -> memref<10000x16xf32, #tpu.memory_space<vmem_shared>>
      tpu.enqueue_indirect_dma source(%arg13 : memref<128x16xf32, #tpu.memory_space<vmem>>) target(%dma_start3A_525 : memref<10000x16xf32, #tpu.memory_space<vmem_shared>>) offsets(%dma_start3A_522 : memref<128xi32, #tpu.memory_space<vmem>>) semaphore(%arg19 : memref<!tpu.dma_semaphore, #tpu.memory_space<semaphore_mem>>) {add = true}
      %dma_wait3A_526 = arith.constant 1 : i32
      %dma_wait3A_527 = arith.constant 0 : i32
      %dma_wait3A_528 = arith.constant 0 : i32
      %dma_wait3A_529 = tpu.memref_slice %arg12[%dma_wait3A_526, %dma_wait3A_527, %dma_wait3A_528] : memref<2x128x128xf32, #tpu.memory_space<vmem>> -> memref<1x128x128xf32, #tpu.memory_space<vmem>>
      %dma_wait3A_530 = tpu.memref_squeeze %dma_wait3A_529 : memref<1x128x128xf32, #tpu.memory_space<vmem>> -> memref<128x128xf32, #tpu.memory_space<vmem>>
      %dma_wait3A_531 = arith.constant 0 : i32
      %dma_wait3A_532 = arith.constant 0 : i32
      %dma_wait3A_533 = tpu.memref_slice %arg2[%dma_wait3A_531, %dma_wait3A_532] : memref<20000x128xf32, #tpu.memory_space<hbm>> -> memref<128x128xf32, #tpu.memory_space<hbm>>
      %dma_wait3A_534 = arith.constant 0 : i32
      %dma_wait3A_535 = arith.constant 0 : i32
      %dma_wait3A_536 = tpu.memref_slice %arg12[%dma_wait3A_526, %dma_wait3A_534, %dma_wait3A_535] : memref<2x128x128xf32, #tpu.memory_space<vmem>> -> memref<1x128x128xf32, #tpu.memory_space<vmem>>
      %dma_wait3A_537 = tpu.memref_squeeze %dma_wait3A_536 : memref<1x128x128xf32, #tpu.memory_space<vmem>> -> memref<128x128xf32, #tpu.memory_space<vmem>>
      %dma_wait3A_538 = arith.constant 0 : i32
      %dma_wait3A_539 = arith.constant 0 : i32
      %dma_wait3A_540 = tpu.memref_slice %arg2[%dma_wait3A_538, %dma_wait3A_539] : memref<20000x128xf32, #tpu.memory_space<hbm>> -> memref<128x128xf32, #tpu.memory_space<hbm>>
      tpu.wait_dma2 semaphore(%arg16 : memref<!tpu.dma_semaphore, #tpu.memory_space<semaphore_mem>>) src(%dma_wait3A_540 : memref<128x128xf32, #tpu.memory_space<hbm>>) dst(%dma_wait3A_537 : memref<128x128xf32, #tpu.memory_space<vmem>>)
      %dma_wait3A_541 = arith.constant 1 : i32
      %dma_wait3A_542 = arith.constant 1 : i32
      %dma_wait3A_543 = arith.constant 0 : i32
      %dma_wait3A_544 = tpu.memref_slice %arg10[%dma_wait3A_542, %dma_wait3A_543] : memref<2x128xi32, #tpu.memory_space<vmem>> -> memref<1x128xi32, #tpu.memory_space<vmem>>
      %dma_wait3A_545 = tpu.memref_squeeze %dma_wait3A_544 : memref<1x128xi32, #tpu.memory_space<vmem>> -> memref<128xi32, #tpu.memory_space<vmem>>
      %dma_wait3A_546 = arith.constant 0 : i32
      %dma_wait3A_547 = tpu.memref_slice %arg4[%dma_wait3A_541, %dma_wait3A_546] : memref<2x160000xi32, #tpu.memory_space<hbm>> -> memref<1x128xi32, #tpu.memory_space<hbm>>
      %dma_wait3A_548 = tpu.memref_squeeze %dma_wait3A_547 : memref<1x128xi32, #tpu.memory_space<hbm>> -> memref<128xi32, #tpu.memory_space<hbm>>
      %dma_wait3A_549 = arith.constant 0 : i32
      %dma_wait3A_550 = tpu.memref_slice %arg10[%dma_wait3A_542, %dma_wait3A_549] : memref<2x128xi32, #tpu.memory_space<vmem>> -> memref<1x128xi32, #tpu.memory_space<vmem>>
      %dma_wait3A_551 = tpu.memref_squeeze %dma_wait3A_550 : memref<1x128xi32, #tpu.memory_space<vmem>> -> memref<128xi32, #tpu.memory_space<vmem>>
      %dma_wait3A_552 = arith.constant 0 : i32
      %dma_wait3A_553 = tpu.memref_slice %arg4[%dma_wait3A_541, %dma_wait3A_552] : memref<2x160000xi32, #tpu.memory_space<hbm>> -> memref<1x128xi32, #tpu.memory_space<hbm>>
      %dma_wait3A_554 = tpu.memref_squeeze %dma_wait3A_553 : memref<1x128xi32, #tpu.memory_space<hbm>> -> memref<128xi32, #tpu.memory_space<hbm>>
      tpu.wait_dma2 semaphore(%arg17 : memref<!tpu.dma_semaphore, #tpu.memory_space<semaphore_mem>>) src(%dma_wait3A_554 : memref<128xi32, #tpu.memory_space<hbm>>) dst(%dma_wait3A_551 : memref<128xi32, #tpu.memory_space<vmem>>)
      %dma_wait3A_555 = arith.constant 0 : i32
      %dma_wait3A_556 = arith.constant 0 : i32
      %dma_wait3A_557 = arith.constant 0 : i32
      %dma_wait3A_558 = tpu.memref_slice %arg12[%dma_wait3A_555, %dma_wait3A_556, %dma_wait3A_557] : memref<2x128x128xf32, #tpu.memory_space<vmem>> -> memref<1x128x128xf32, #tpu.memory_space<vmem>>
      %dma_wait3A_559 = tpu.memref_squeeze %dma_wait3A_558 : memref<1x128x128xf32, #tpu.memory_space<vmem>> -> memref<128x128xf32, #tpu.memory_space<vmem>>
      %dma_wait3A_560 = arith.constant 0 : i32
      %dma_wait3A_561 = arith.constant 0 : i32
      %dma_wait3A_562 = tpu.memref_slice %arg2[%dma_wait3A_560, %dma_wait3A_561] : memref<20000x128xf32, #tpu.memory_space<hbm>> -> memref<128x128xf32, #tpu.memory_space<hbm>>
      %dma_wait3A_563 = arith.constant 0 : i32
      %dma_wait3A_564 = arith.constant 0 : i32
      %dma_wait3A_565 = tpu.memref_slice %arg12[%dma_wait3A_555, %dma_wait3A_563, %dma_wait3A_564] : memref<2x128x128xf32, #tpu.memory_space<vmem>> -> memref<1x128x128xf32, #tpu.memory_space<vmem>>
      %dma_wait3A_566 = tpu.memref_squeeze %dma_wait3A_565 : memref<1x128x128xf32, #tpu.memory_space<vmem>> -> memref<128x128xf32, #tpu.memory_space<vmem>>
      %dma_wait3A_567 = arith.constant 0 : i32
      %dma_wait3A_568 = arith.constant 0 : i32
      %dma_wait3A_569 = tpu.memref_slice %arg2[%dma_wait3A_567, %dma_wait3A_568] : memref<20000x128xf32, #tpu.memory_space<hbm>> -> memref<128x128xf32, #tpu.memory_space<hbm>>
      tpu.wait_dma2 semaphore(%arg18 : memref<!tpu.dma_semaphore, #tpu.memory_space<semaphore_mem>>) src(%dma_wait3A_569 : memref<128x128xf32, #tpu.memory_space<hbm>>) dst(%dma_wait3A_566 : memref<128x128xf32, #tpu.memory_space<vmem>>)
      %dma_wait3A_570 = arith.constant 0 : i32
      %dma_wait3A_571 = arith.constant 0 : i32
      %dma_wait3A_572 = tpu.memref_slice %arg6[%dma_wait3A_570, %dma_wait3A_571] : memref<625x128xf32, #tpu.memory_space<hbm>> -> memref<128x16xf32, #tpu.memory_space<hbm>>
      %dma_wait3A_573 = arith.constant 0 : i32
      %dma_wait3A_574 = arith.constant 0 : i32
      %dma_wait3A_575 = tpu.memref_slice %arg6[%dma_wait3A_573, %dma_wait3A_574] : memref<625x128xf32, #tpu.memory_space<hbm>> -> memref<128x16xf32, #tpu.memory_space<hbm>>
      tpu.wait_dma2 semaphore(%arg19 : memref<!tpu.dma_semaphore, #tpu.memory_space<semaphore_mem>>) src(%dma_wait3A_575 : memref<128x16xf32, #tpu.memory_space<hbm>>) dst(%arg13 : memref<128x16xf32, #tpu.memory_space<vmem>>)
      %add3A_576 = arith.constant 2 : i32
      %add3A_577 = arith.addi %mul3A_439, %add3A_576 : i32
      %add3A_578 = arith.constant 0 : i32
      %add3A_579 = arith.addi %add3A_578, %mul3A_439 : i32
      %add3A_580 = arith.constant 2 : i32
      %add3A_581 = arith.addi %add3A_579, %add3A_580 : i32
      %mul3A_582 = arith.constant 128 : i32
      %mul3A_583 = arith.muli %add3A_577, %mul3A_582 : i32
      %dma_start3A_584 = arith.constant 0 : i32
      %dma_start3A_585 = arith.constant 0 : i32
      %dma_start3A_586 = arith.constant 0 : i32
      %dma_start3A_587 = tpu.memref_slice %arg12[%dma_start3A_584, %dma_start3A_585, %dma_start3A_586] : memref<2x128x128xf32, #tpu.memory_space<vmem>> -> memref<1x128x128xf32, #tpu.memory_space<vmem>>
      %dma_start3A_588 = tpu.memref_squeeze %dma_start3A_587 : memref<1x128x128xf32, #tpu.memory_space<vmem>> -> memref<128x128xf32, #tpu.memory_space<vmem>>
      %dma_start3A_589 = tpu.memref_slice %arg9[%mul3A_583] : memref<5008xi32, #tpu.memory_space<vmem>> -> memref<128xi32, #tpu.memory_space<vmem>>
      %dma_start3A_590 = arith.constant 0 : i32
      %dma_start3A_591 = tpu.memref_slice %arg2[%mul3A_10, %dma_start3A_590] : memref<20000x128xf32, #tpu.memory_space<hbm>> -> memref<10000x128xf32, #tpu.memory_space<hbm>>
      %dma_start3A_592 = arith.constant 0 : i32
      %dma_start3A_593 = arith.constant 0 : i32
      %dma_start3A_594 = tpu.memref_slice %dma_start3A_591[%dma_start3A_592, %dma_start3A_593] : memref<10000x128xf32, #tpu.memory_space<hbm>> -> memref<10000x128xf32, #tpu.memory_space<hbm>>
      tpu.enqueue_indirect_dma source(%dma_start3A_594 : memref<10000x128xf32, #tpu.memory_space<hbm>>) target(%dma_start3A_588 : memref<128x128xf32, #tpu.memory_space<vmem>>) offsets(%dma_start3A_589 : memref<128xi32, #tpu.memory_space<vmem>>) semaphore(%arg16 : memref<!tpu.dma_semaphore, #tpu.memory_space<semaphore_mem>>)
      %mul3A_595 = arith.constant 128 : i32
      %mul3A_596 = arith.muli %add3A_581, %mul3A_595 : i32
      %add3A_597 = arith.addi %mul3A_2, %mul3A_596 : i32
      %dma_start3A_598 = arith.constant 1 : i32
      %dma_start3A_599 = arith.constant 0 : i32
      %dma_start3A_600 = arith.constant 0 : i32
      %dma_start3A_601 = tpu.memref_slice %arg10[%dma_start3A_599, %dma_start3A_600] : memref<2x128xi32, #tpu.memory_space<vmem>> -> memref<1x128xi32, #tpu.memory_space<vmem>>
      %dma_start3A_602 = tpu.memref_squeeze %dma_start3A_601 : memref<1x128xi32, #tpu.memory_space<vmem>> -> memref<128xi32, #tpu.memory_space<vmem>>
      %dma_start3A_603 = tpu.memref_slice %arg4[%dma_start3A_598, %add3A_597] : memref<2x160000xi32, #tpu.memory_space<hbm>> -> memref<1x128xi32, #tpu.memory_space<hbm>>
      %dma_start3A_604 = tpu.memref_squeeze %dma_start3A_603 : memref<1x128xi32, #tpu.memory_space<hbm>> -> memref<128xi32, #tpu.memory_space<hbm>>
      %dma_start3A_605 = arith.constant 0 : i32
      %dma_start3A_606 = tpu.memref_slice %arg10[%dma_start3A_599, %dma_start3A_605] : memref<2x128xi32, #tpu.memory_space<vmem>> -> memref<1x128xi32, #tpu.memory_space<vmem>>
      %dma_start3A_607 = tpu.memref_squeeze %dma_start3A_606 : memref<1x128xi32, #tpu.memory_space<vmem>> -> memref<128xi32, #tpu.memory_space<vmem>>
      %dma_start3A_608 = tpu.memref_slice %arg4[%dma_start3A_598, %add3A_597] : memref<2x160000xi32, #tpu.memory_space<hbm>> -> memref<1x128xi32, #tpu.memory_space<hbm>>
      %dma_start3A_609 = tpu.memref_squeeze %dma_start3A_608 : memref<1x128xi32, #tpu.memory_space<hbm>> -> memref<128xi32, #tpu.memory_space<hbm>>
      tpu.enqueue_dma source(%dma_start3A_609 : memref<128xi32, #tpu.memory_space<hbm>>) target(%dma_start3A_607 : memref<128xi32, #tpu.memory_space<vmem>>) target_semaphore(%arg17 : memref<!tpu.dma_semaphore, #tpu.memory_space<semaphore_mem>>)
      %dma_start3A_610 = arith.constant 1 : i32
      %dma_start3A_611 = arith.constant 1 : i32
      %dma_start3A_612 = arith.constant 0 : i32
      %dma_start3A_613 = arith.constant 0 : i32
      %dma_start3A_614 = tpu.memref_slice %arg12[%dma_start3A_610, %dma_start3A_612, %dma_start3A_613] : memref<2x128x128xf32, #tpu.memory_space<vmem>> -> memref<1x128x128xf32, #tpu.memory_space<vmem>>
      %dma_start3A_615 = tpu.memref_squeeze %dma_start3A_614 : memref<1x128x128xf32, #tpu.memory_space<vmem>> -> memref<128x128xf32, #tpu.memory_space<vmem>>
      %dma_start3A_616 = arith.constant 0 : i32
      %dma_start3A_617 = tpu.memref_slice %arg10[%dma_start3A_611, %dma_start3A_616] : memref<2x128xi32, #tpu.memory_space<vmem>> -> memref<1x128xi32, #tpu.memory_space<vmem>>
      %dma_start3A_618 = tpu.memref_squeeze %dma_start3A_617 : memref<1x128xi32, #tpu.memory_space<vmem>> -> memref<128xi32, #tpu.memory_space<vmem>>
      %dma_start3A_619 = arith.constant 0 : i32
      %dma_start3A_620 = arith.constant 0 : i32
      %dma_start3A_621 = tpu.memref_slice %arg14[%dma_start3A_619, %dma_start3A_620] : memref<10000x128xf32, #tpu.memory_space<vmem_shared>> -> memref<10000x128xf32, #tpu.memory_space<vmem_shared>>
      tpu.enqueue_indirect_dma source(%dma_start3A_615 : memref<128x128xf32, #tpu.memory_space<vmem>>) target(%dma_start3A_621 : memref<10000x128xf32, #tpu.memory_space<vmem_shared>>) offsets(%dma_start3A_618 : memref<128xi32, #tpu.memory_space<vmem>>) semaphore(%arg18 : memref<!tpu.dma_semaphore, #tpu.memory_space<semaphore_mem>>) {add = true}
      %dma_start3A_622 = arith.constant 1 : i32
      %dma_start3A_623 = arith.constant 0 : i32
      %dma_start3A_624 = tpu.memref_slice %arg10[%dma_start3A_622, %dma_start3A_623] : memref<2x128xi32, #tpu.memory_space<vmem>> -> memref<1x128xi32, #tpu.memory_space<vmem>>
      %dma_start3A_625 = tpu.memref_squeeze %dma_start3A_624 : memref<1x128xi32, #tpu.memory_space<vmem>> -> memref<128xi32, #tpu.memory_space<vmem>>
      %dma_start3A_626 = arith.constant 0 : i32
      %dma_start3A_627 = arith.constant 0 : i32
      %dma_start3A_628 = tpu.memref_slice %arg15[%dma_start3A_626, %dma_start3A_627] : memref<10000x16xf32, #tpu.memory_space<vmem_shared>> -> memref<10000x16xf32, #tpu.memory_space<vmem_shared>>
      tpu.enqueue_indirect_dma source(%arg13 : memref<128x16xf32, #tpu.memory_space<vmem>>) target(%dma_start3A_628 : memref<10000x16xf32, #tpu.memory_space<vmem_shared>>) offsets(%dma_start3A_625 : memref<128xi32, #tpu.memory_space<vmem>>) semaphore(%arg19 : memref<!tpu.dma_semaphore, #tpu.memory_space<semaphore_mem>>) {add = true}
    }
    %scan3A_42 = arith.constant 19 : i32
    %dma_wait3A = arith.constant 0 : i32
    %dma_wait3A_43 = arith.constant 0 : i32
    %dma_wait3A_44 = arith.constant 0 : i32
    %dma_wait3A_45 = tpu.memref_slice %arg12[%dma_wait3A, %dma_wait3A_43, %dma_wait3A_44] : memref<2x128x128xf32, #tpu.memory_space<vmem>> -> memref<1x128x128xf32, #tpu.memory_space<vmem>>
    %dma_wait3A_46 = tpu.memref_squeeze %dma_wait3A_45 : memref<1x128x128xf32, #tpu.memory_space<vmem>> -> memref<128x128xf32, #tpu.memory_space<vmem>>
    %dma_wait3A_47 = arith.constant 0 : i32
    %dma_wait3A_48 = arith.constant 0 : i32
    %dma_wait3A_49 = tpu.memref_slice %arg2[%dma_wait3A_47, %dma_wait3A_48] : memref<20000x128xf32, #tpu.memory_space<hbm>> -> memref<128x128xf32, #tpu.memory_space<hbm>>
    %dma_wait3A_50 = arith.constant 0 : i32
    %dma_wait3A_51 = arith.constant 0 : i32
    %dma_wait3A_52 = tpu.memref_slice %arg12[%dma_wait3A, %dma_wait3A_50, %dma_wait3A_51] : memref<2x128x128xf32, #tpu.memory_space<vmem>> -> memref<1x128x128xf32, #tpu.memory_space<vmem>>
    %dma_wait3A_53 = tpu.memref_squeeze %dma_wait3A_52 : memref<1x128x128xf32, #tpu.memory_space<vmem>> -> memref<128x128xf32, #tpu.memory_space<vmem>>
    %dma_wait3A_54 = arith.constant 0 : i32
    %dma_wait3A_55 = arith.constant 0 : i32
    %dma_wait3A_56 = tpu.memref_slice %arg2[%dma_wait3A_54, %dma_wait3A_55] : memref<20000x128xf32, #tpu.memory_space<hbm>> -> memref<128x128xf32, #tpu.memory_space<hbm>>
    tpu.wait_dma2 semaphore(%arg16 : memref<!tpu.dma_semaphore, #tpu.memory_space<semaphore_mem>>) src(%dma_wait3A_56 : memref<128x128xf32, #tpu.memory_space<hbm>>) dst(%dma_wait3A_53 : memref<128x128xf32, #tpu.memory_space<vmem>>)
    %dma_wait3A_57 = arith.constant 1 : i32
    %dma_wait3A_58 = arith.constant 0 : i32
    %dma_wait3A_59 = arith.constant 0 : i32
    %dma_wait3A_60 = tpu.memref_slice %arg10[%dma_wait3A_58, %dma_wait3A_59] : memref<2x128xi32, #tpu.memory_space<vmem>> -> memref<1x128xi32, #tpu.memory_space<vmem>>
    %dma_wait3A_61 = tpu.memref_squeeze %dma_wait3A_60 : memref<1x128xi32, #tpu.memory_space<vmem>> -> memref<128xi32, #tpu.memory_space<vmem>>
    %dma_wait3A_62 = arith.constant 0 : i32
    %dma_wait3A_63 = tpu.memref_slice %arg4[%dma_wait3A_57, %dma_wait3A_62] : memref<2x160000xi32, #tpu.memory_space<hbm>> -> memref<1x128xi32, #tpu.memory_space<hbm>>
    %dma_wait3A_64 = tpu.memref_squeeze %dma_wait3A_63 : memref<1x128xi32, #tpu.memory_space<hbm>> -> memref<128xi32, #tpu.memory_space<hbm>>
    %dma_wait3A_65 = arith.constant 0 : i32
    %dma_wait3A_66 = tpu.memref_slice %arg10[%dma_wait3A_58, %dma_wait3A_65] : memref<2x128xi32, #tpu.memory_space<vmem>> -> memref<1x128xi32, #tpu.memory_space<vmem>>
    %dma_wait3A_67 = tpu.memref_squeeze %dma_wait3A_66 : memref<1x128xi32, #tpu.memory_space<vmem>> -> memref<128xi32, #tpu.memory_space<vmem>>
    %dma_wait3A_68 = arith.constant 0 : i32
    %dma_wait3A_69 = tpu.memref_slice %arg4[%dma_wait3A_57, %dma_wait3A_68] : memref<2x160000xi32, #tpu.memory_space<hbm>> -> memref<1x128xi32, #tpu.memory_space<hbm>>
    %dma_wait3A_70 = tpu.memref_squeeze %dma_wait3A_69 : memref<1x128xi32, #tpu.memory_space<hbm>> -> memref<128xi32, #tpu.memory_space<hbm>>
    tpu.wait_dma2 semaphore(%arg17 : memref<!tpu.dma_semaphore, #tpu.memory_space<semaphore_mem>>) src(%dma_wait3A_70 : memref<128xi32, #tpu.memory_space<hbm>>) dst(%dma_wait3A_67 : memref<128xi32, #tpu.memory_space<vmem>>)
    %dma_wait3A_71 = arith.constant 0 : i32
    %dma_wait3A_72 = arith.constant 0 : i32
    %dma_wait3A_73 = arith.constant 0 : i32
    %dma_wait3A_74 = tpu.memref_slice %arg12[%dma_wait3A_71, %dma_wait3A_72, %dma_wait3A_73] : memref<2x128x128xf32, #tpu.memory_space<vmem>> -> memref<1x128x128xf32, #tpu.memory_space<vmem>>
    %dma_wait3A_75 = tpu.memref_squeeze %dma_wait3A_74 : memref<1x128x128xf32, #tpu.memory_space<vmem>> -> memref<128x128xf32, #tpu.memory_space<vmem>>
    %dma_wait3A_76 = arith.constant 0 : i32
    %dma_wait3A_77 = arith.constant 0 : i32
    %dma_wait3A_78 = tpu.memref_slice %arg2[%dma_wait3A_76, %dma_wait3A_77] : memref<20000x128xf32, #tpu.memory_space<hbm>> -> memref<128x128xf32, #tpu.memory_space<hbm>>
    %dma_wait3A_79 = arith.constant 0 : i32
    %dma_wait3A_80 = arith.constant 0 : i32
    %dma_wait3A_81 = tpu.memref_slice %arg12[%dma_wait3A_71, %dma_wait3A_79, %dma_wait3A_80] : memref<2x128x128xf32, #tpu.memory_space<vmem>> -> memref<1x128x128xf32, #tpu.memory_space<vmem>>
    %dma_wait3A_82 = tpu.memref_squeeze %dma_wait3A_81 : memref<1x128x128xf32, #tpu.memory_space<vmem>> -> memref<128x128xf32, #tpu.memory_space<vmem>>
    %dma_wait3A_83 = arith.constant 0 : i32
    %dma_wait3A_84 = arith.constant 0 : i32
    %dma_wait3A_85 = tpu.memref_slice %arg2[%dma_wait3A_83, %dma_wait3A_84] : memref<20000x128xf32, #tpu.memory_space<hbm>> -> memref<128x128xf32, #tpu.memory_space<hbm>>
    tpu.wait_dma2 semaphore(%arg18 : memref<!tpu.dma_semaphore, #tpu.memory_space<semaphore_mem>>) src(%dma_wait3A_85 : memref<128x128xf32, #tpu.memory_space<hbm>>) dst(%dma_wait3A_82 : memref<128x128xf32, #tpu.memory_space<vmem>>)
    %dma_wait3A_86 = arith.constant 0 : i32
    %dma_wait3A_87 = arith.constant 0 : i32
    %dma_wait3A_88 = tpu.memref_slice %arg6[%dma_wait3A_86, %dma_wait3A_87] : memref<625x128xf32, #tpu.memory_space<hbm>> -> memref<128x16xf32, #tpu.memory_space<hbm>>
    %dma_wait3A_89 = arith.constant 0 : i32
    %dma_wait3A_90 = arith.constant 0 : i32
    %dma_wait3A_91 = tpu.memref_slice %arg6[%dma_wait3A_89, %dma_wait3A_90] : memref<625x128xf32, #tpu.memory_space<hbm>> -> memref<128x16xf32, #tpu.memory_space<hbm>>
    tpu.wait_dma2 semaphore(%arg19 : memref<!tpu.dma_semaphore, #tpu.memory_space<semaphore_mem>>) src(%dma_wait3A_91 : memref<128x16xf32, #tpu.memory_space<hbm>>) dst(%arg13 : memref<128x16xf32, #tpu.memory_space<vmem>>)
    %run_scoped3A_92 = arith.constant 0 : i32
    %run_scoped3A_93 = arith.constant 0 : i32
    "tpu.region"() ({
      %run_scoped3A_437 = tpu.sem_alloc : memref<!tpu.dma_semaphore, #tpu.memory_space<semaphore_mem>>
      %dma_start3A_438 = arith.constant 0 : i32
      %dma_start3A_439 = arith.constant 0 : i32
      %dma_start3A_440 = tpu.memref_slice %arg12[%run_scoped3A_92, %dma_start3A_438, %dma_start3A_439] : memref<2x128x128xf32, #tpu.memory_space<vmem>> -> memref<1x128x128xf32, #tpu.memory_space<vmem>>
      %dma_start3A_441 = tpu.memref_squeeze %dma_start3A_440 : memref<1x128x128xf32, #tpu.memory_space<vmem>> -> memref<128x128xf32, #tpu.memory_space<vmem>>
      %dma_start3A_442 = arith.constant 0 : i32
      %dma_start3A_443 = tpu.memref_slice %arg10[%run_scoped3A_93, %dma_start3A_442] : memref<2x128xi32, #tpu.memory_space<vmem>> -> memref<1x128xi32, #tpu.memory_space<vmem>>
      %dma_start3A_444 = tpu.memref_squeeze %dma_start3A_443 : memref<1x128xi32, #tpu.memory_space<vmem>> -> memref<128xi32, #tpu.memory_space<vmem>>
      %dma_start3A_445 = arith.constant 0 : i32
      %dma_start3A_446 = arith.constant 0 : i32
      %dma_start3A_447 = tpu.memref_slice %arg14[%dma_start3A_445, %dma_start3A_446] : memref<10000x128xf32, #tpu.memory_space<vmem_shared>> -> memref<10000x128xf32, #tpu.memory_space<vmem_shared>>
      tpu.enqueue_indirect_dma source(%dma_start3A_441 : memref<128x128xf32, #tpu.memory_space<vmem>>) target(%dma_start3A_447 : memref<10000x128xf32, #tpu.memory_space<vmem_shared>>) offsets(%dma_start3A_444 : memref<128xi32, #tpu.memory_space<vmem>>) semaphore(%run_scoped3A_437 : memref<!tpu.dma_semaphore, #tpu.memory_space<semaphore_mem>>) {add = true}
      %dma_wait3A_448 = arith.constant 0 : i32
      %dma_wait3A_449 = arith.constant 0 : i32
      %dma_wait3A_450 = tpu.memref_slice %arg12[%run_scoped3A_92, %dma_wait3A_448, %dma_wait3A_449] : memref<2x128x128xf32, #tpu.memory_space<vmem>> -> memref<1x128x128xf32, #tpu.memory_space<vmem>>
      %dma_wait3A_451 = tpu.memref_squeeze %dma_wait3A_450 : memref<1x128x128xf32, #tpu.memory_space<vmem>> -> memref<128x128xf32, #tpu.memory_space<vmem>>
      %dma_wait3A_452 = arith.constant 0 : i32
      %dma_wait3A_453 = tpu.memref_slice %arg10[%run_scoped3A_93, %dma_wait3A_452] : memref<2x128xi32, #tpu.memory_space<vmem>> -> memref<1x128xi32, #tpu.memory_space<vmem>>
      %dma_wait3A_454 = tpu.memref_squeeze %dma_wait3A_453 : memref<1x128xi32, #tpu.memory_space<vmem>> -> memref<128xi32, #tpu.memory_space<vmem>>
      %dma_wait3A_455 = arith.constant 0 : i32
      %dma_wait3A_456 = arith.constant 0 : i32
      %dma_wait3A_457 = tpu.memref_slice %arg14[%dma_wait3A_455, %dma_wait3A_456] : memref<10000x128xf32, #tpu.memory_space<vmem_shared>> -> memref<10000x128xf32, #tpu.memory_space<vmem_shared>>
      tpu.wait_indirect_dma semaphore(%run_scoped3A_437 : memref<!tpu.dma_semaphore, #tpu.memory_space<semaphore_mem>>) src(%dma_wait3A_451 : memref<128x128xf32, #tpu.memory_space<vmem>>) dst(%dma_wait3A_457 : memref<10000x128xf32, #tpu.memory_space<vmem_shared>>)
      tpu.yield
    }) : () -> ()
    %run_scoped3A_94 = arith.constant 0 : i32
    "tpu.region"() ({
      %run_scoped3A_437 = tpu.sem_alloc : memref<!tpu.dma_semaphore, #tpu.memory_space<semaphore_mem>>
      %dma_start3A_438 = arith.constant 0 : i32
      %dma_start3A_439 = tpu.memref_slice %arg10[%run_scoped3A_94, %dma_start3A_438] : memref<2x128xi32, #tpu.memory_space<vmem>> -> memref<1x128xi32, #tpu.memory_space<vmem>>
      %dma_start3A_440 = tpu.memref_squeeze %dma_start3A_439 : memref<1x128xi32, #tpu.memory_space<vmem>> -> memref<128xi32, #tpu.memory_space<vmem>>
      %dma_start3A_441 = arith.constant 0 : i32
      %dma_start3A_442 = arith.constant 0 : i32
      %dma_start3A_443 = tpu.memref_slice %arg15[%dma_start3A_441, %dma_start3A_442] : memref<10000x16xf32, #tpu.memory_space<vmem_shared>> -> memref<10000x16xf32, #tpu.memory_space<vmem_shared>>
      tpu.enqueue_indirect_dma source(%arg13 : memref<128x16xf32, #tpu.memory_space<vmem>>) target(%dma_start3A_443 : memref<10000x16xf32, #tpu.memory_space<vmem_shared>>) offsets(%dma_start3A_440 : memref<128xi32, #tpu.memory_space<vmem>>) semaphore(%run_scoped3A_437 : memref<!tpu.dma_semaphore, #tpu.memory_space<semaphore_mem>>) {add = true}
      %dma_wait3A_444 = arith.constant 0 : i32
      %dma_wait3A_445 = tpu.memref_slice %arg10[%run_scoped3A_94, %dma_wait3A_444] : memref<2x128xi32, #tpu.memory_space<vmem>> -> memref<1x128xi32, #tpu.memory_space<vmem>>
      %dma_wait3A_446 = tpu.memref_squeeze %dma_wait3A_445 : memref<1x128xi32, #tpu.memory_space<vmem>> -> memref<128xi32, #tpu.memory_space<vmem>>
      %dma_wait3A_447 = arith.constant 0 : i32
      %dma_wait3A_448 = arith.constant 0 : i32
      %dma_wait3A_449 = tpu.memref_slice %arg15[%dma_wait3A_447, %dma_wait3A_448] : memref<10000x16xf32, #tpu.memory_space<vmem_shared>> -> memref<10000x16xf32, #tpu.memory_space<vmem_shared>>
      tpu.wait_indirect_dma semaphore(%run_scoped3A_437 : memref<!tpu.dma_semaphore, #tpu.memory_space<semaphore_mem>>) src(%arg13 : memref<128x16xf32, #tpu.memory_space<vmem>>) dst(%dma_wait3A_449 : memref<10000x16xf32, #tpu.memory_space<vmem_shared>>)
      tpu.yield
    }) : () -> ()
    %add3A_95 = arith.constant 4992 : i32
    %add3A_96 = arith.addi %mul3A_2, %add3A_95 : i32
    %run_scoped3A_97 = arith.constant 0 : i32
    "tpu.region"() ({
      %run_scoped3A_437 = tpu.sem_alloc : memref<!tpu.dma_semaphore, #tpu.memory_space<semaphore_mem>>
      %dma_start3A_438 = arith.constant 0 : i32
      %dma_start3A_439 = tpu.memref_slice %arg9[%dma_start3A_438] : memref<5008xi32, #tpu.memory_space<vmem>> -> memref<5008xi32, #tpu.memory_space<vmem>>
      %dma_start3A_440 = tpu.memref_slice %arg4[%run_scoped3A_97, %add3A_96] : memref<2x160000xi32, #tpu.memory_space<hbm>> -> memref<1x5008xi32, #tpu.memory_space<hbm>>
      %dma_start3A_441 = tpu.memref_squeeze %dma_start3A_440 : memref<1x5008xi32, #tpu.memory_space<hbm>> -> memref<5008xi32, #tpu.memory_space<hbm>>
      %dma_start3A_442 = arith.constant 0 : i32
      %dma_start3A_443 = tpu.memref_slice %arg9[%dma_start3A_442] : memref<5008xi32, #tpu.memory_space<vmem>> -> memref<5008xi32, #tpu.memory_space<vmem>>
      %dma_start3A_444 = tpu.memref_slice %arg4[%run_scoped3A_97, %add3A_96] : memref<2x160000xi32, #tpu.memory_space<hbm>> -> memref<1x5008xi32, #tpu.memory_space<hbm>>
      %dma_start3A_445 = tpu.memref_squeeze %dma_start3A_444 : memref<1x5008xi32, #tpu.memory_space<hbm>> -> memref<5008xi32, #tpu.memory_space<hbm>>
      tpu.enqueue_dma source(%dma_start3A_445 : memref<5008xi32, #tpu.memory_space<hbm>>) target(%dma_start3A_443 : memref<5008xi32, #tpu.memory_space<vmem>>) target_semaphore(%run_scoped3A_437 : memref<!tpu.dma_semaphore, #tpu.memory_space<semaphore_mem>>)
      %dma_wait3A_446 = arith.constant 0 : i32
      %dma_wait3A_447 = tpu.memref_slice %arg9[%dma_wait3A_446] : memref<5008xi32, #tpu.memory_space<vmem>> -> memref<5008xi32, #tpu.memory_space<vmem>>
      %dma_wait3A_448 = tpu.memref_slice %arg4[%run_scoped3A_97, %add3A_96] : memref<2x160000xi32, #tpu.memory_space<hbm>> -> memref<1x5008xi32, #tpu.memory_space<hbm>>
      %dma_wait3A_449 = tpu.memref_squeeze %dma_wait3A_448 : memref<1x5008xi32, #tpu.memory_space<hbm>> -> memref<5008xi32, #tpu.memory_space<hbm>>
      %dma_wait3A_450 = arith.constant 0 : i32
      %dma_wait3A_451 = tpu.memref_slice %arg9[%dma_wait3A_450] : memref<5008xi32, #tpu.memory_space<vmem>> -> memref<5008xi32, #tpu.memory_space<vmem>>
      %dma_wait3A_452 = tpu.memref_slice %arg4[%run_scoped3A_97, %add3A_96] : memref<2x160000xi32, #tpu.memory_space<hbm>> -> memref<1x5008xi32, #tpu.memory_space<hbm>>
      %dma_wait3A_453 = tpu.memref_squeeze %dma_wait3A_452 : memref<1x5008xi32, #tpu.memory_space<hbm>> -> memref<5008xi32, #tpu.memory_space<hbm>>
      tpu.wait_dma2 semaphore(%run_scoped3A_437 : memref<!tpu.dma_semaphore, #tpu.memory_space<semaphore_mem>>) src(%dma_wait3A_453 : memref<5008xi32, #tpu.memory_space<hbm>>) dst(%dma_wait3A_451 : memref<5008xi32, #tpu.memory_space<vmem>>)
      tpu.yield
    }) : () -> ()
    %dma_start3A_98 = arith.constant 0 : i32
    %dma_start3A_99 = arith.constant 0 : i32
    %dma_start3A_100 = arith.constant 0 : i32
    %dma_start3A_101 = tpu.memref_slice %arg12[%dma_start3A_98, %dma_start3A_99, %dma_start3A_100] : memref<2x128x128xf32, #tpu.memory_space<vmem>> -> memref<1x128x128xf32, #tpu.memory_space<vmem>>
    %dma_start3A_102 = tpu.memref_squeeze %dma_start3A_101 : memref<1x128x128xf32, #tpu.memory_space<vmem>> -> memref<128x128xf32, #tpu.memory_space<vmem>>
    %dma_start3A_103 = arith.constant 0 : i32
    %dma_start3A_104 = tpu.memref_slice %arg9[%dma_start3A_103] : memref<5008xi32, #tpu.memory_space<vmem>> -> memref<128xi32, #tpu.memory_space<vmem>>
    %dma_start3A_105 = arith.constant 0 : i32
    %dma_start3A_106 = tpu.memref_slice %arg2[%mul3A_10, %dma_start3A_105] : memref<20000x128xf32, #tpu.memory_space<hbm>> -> memref<10000x128xf32, #tpu.memory_space<hbm>>
    %dma_start3A_107 = arith.constant 0 : i32
    %dma_start3A_108 = arith.constant 0 : i32
    %dma_start3A_109 = tpu.memref_slice %dma_start3A_106[%dma_start3A_107, %dma_start3A_108] : memref<10000x128xf32, #tpu.memory_space<hbm>> -> memref<10000x128xf32, #tpu.memory_space<hbm>>
    tpu.enqueue_indirect_dma source(%dma_start3A_109 : memref<10000x128xf32, #tpu.memory_space<hbm>>) target(%dma_start3A_102 : memref<128x128xf32, #tpu.memory_space<vmem>>) offsets(%dma_start3A_104 : memref<128xi32, #tpu.memory_space<vmem>>) semaphore(%arg16 : memref<!tpu.dma_semaphore, #tpu.memory_space<semaphore_mem>>)
    %add3A_110 = arith.constant 4992 : i32
    %add3A_111 = arith.addi %mul3A_2, %add3A_110 : i32
    %dma_start3A_112 = arith.constant 1 : i32
    %dma_start3A_113 = arith.constant 0 : i32
    %dma_start3A_114 = arith.constant 0 : i32
    %dma_start3A_115 = tpu.memref_slice %arg10[%dma_start3A_113, %dma_start3A_114] : memref<2x128xi32, #tpu.memory_space<vmem>> -> memref<1x128xi32, #tpu.memory_space<vmem>>
    %dma_start3A_116 = tpu.memref_squeeze %dma_start3A_115 : memref<1x128xi32, #tpu.memory_space<vmem>> -> memref<128xi32, #tpu.memory_space<vmem>>
    %dma_start3A_117 = tpu.memref_slice %arg4[%dma_start3A_112, %add3A_111] : memref<2x160000xi32, #tpu.memory_space<hbm>> -> memref<1x128xi32, #tpu.memory_space<hbm>>
    %dma_start3A_118 = tpu.memref_squeeze %dma_start3A_117 : memref<1x128xi32, #tpu.memory_space<hbm>> -> memref<128xi32, #tpu.memory_space<hbm>>
    %dma_start3A_119 = arith.constant 0 : i32
    %dma_start3A_120 = tpu.memref_slice %arg10[%dma_start3A_113, %dma_start3A_119] : memref<2x128xi32, #tpu.memory_space<vmem>> -> memref<1x128xi32, #tpu.memory_space<vmem>>
    %dma_start3A_121 = tpu.memref_squeeze %dma_start3A_120 : memref<1x128xi32, #tpu.memory_space<vmem>> -> memref<128xi32, #tpu.memory_space<vmem>>
    %dma_start3A_122 = tpu.memref_slice %arg4[%dma_start3A_112, %add3A_111] : memref<2x160000xi32, #tpu.memory_space<hbm>> -> memref<1x128xi32, #tpu.memory_space<hbm>>
    %dma_start3A_123 = tpu.memref_squeeze %dma_start3A_122 : memref<1x128xi32, #tpu.memory_space<hbm>> -> memref<128xi32, #tpu.memory_space<hbm>>
    tpu.enqueue_dma source(%dma_start3A_123 : memref<128xi32, #tpu.memory_space<hbm>>) target(%dma_start3A_121 : memref<128xi32, #tpu.memory_space<vmem>>) target_semaphore(%arg17 : memref<!tpu.dma_semaphore, #tpu.memory_space<semaphore_mem>>)
    %scan3A_124 = arith.constant 0 : i32
    %scan3A_125 = arith.constant 0 : i32
    %scan3A_126 = arith.constant 19 : i32
    %scan3A_127 = arith.addi %scan3A_125, %scan3A_126 : i32
    %scan3A_128 = arith.constant 1 : i32
    scf.for %scan3A_437 = %scan3A_125 to %scan3A_127 step %scan3A_128  : i32 {
      %mul3A_438 = arith.constant 2 : i32
      %mul3A_439 = arith.muli %mul3A_438, %scan3A_437 : i32
      %dma_wait3A_440 = arith.constant 0 : i32
      %dma_wait3A_441 = arith.constant 0 : i32
      %dma_wait3A_442 = arith.constant 0 : i32
      %dma_wait3A_443 = tpu.memref_slice %arg12[%dma_wait3A_440, %dma_wait3A_441, %dma_wait3A_442] : memref<2x128x128xf32, #tpu.memory_space<vmem>> -> memref<1x128x128xf32, #tpu.memory_space<vmem>>
      %dma_wait3A_444 = tpu.memref_squeeze %dma_wait3A_443 : memref<1x128x128xf32, #tpu.memory_space<vmem>> -> memref<128x128xf32, #tpu.memory_space<vmem>>
      %dma_wait3A_445 = arith.constant 0 : i32
      %dma_wait3A_446 = arith.constant 0 : i32
      %dma_wait3A_447 = tpu.memref_slice %arg2[%dma_wait3A_445, %dma_wait3A_446] : memref<20000x128xf32, #tpu.memory_space<hbm>> -> memref<128x128xf32, #tpu.memory_space<hbm>>
      %dma_wait3A_448 = arith.constant 0 : i32
      %dma_wait3A_449 = arith.constant 0 : i32
      %dma_wait3A_450 = tpu.memref_slice %arg12[%dma_wait3A_440, %dma_wait3A_448, %dma_wait3A_449] : memref<2x128x128xf32, #tpu.memory_space<vmem>> -> memref<1x128x128xf32, #tpu.memory_space<vmem>>
      %dma_wait3A_451 = tpu.memref_squeeze %dma_wait3A_450 : memref<1x128x128xf32, #tpu.memory_space<vmem>> -> memref<128x128xf32, #tpu.memory_space<vmem>>
      %dma_wait3A_452 = arith.constant 0 : i32
      %dma_wait3A_453 = arith.constant 0 : i32
      %dma_wait3A_454 = tpu.memref_slice %arg2[%dma_wait3A_452, %dma_wait3A_453] : memref<20000x128xf32, #tpu.memory_space<hbm>> -> memref<128x128xf32, #tpu.memory_space<hbm>>
      tpu.wait_dma2 semaphore(%arg16 : memref<!tpu.dma_semaphore, #tpu.memory_space<semaphore_mem>>) src(%dma_wait3A_454 : memref<128x128xf32, #tpu.memory_space<hbm>>) dst(%dma_wait3A_451 : memref<128x128xf32, #tpu.memory_space<vmem>>)
      %dma_wait3A_455 = arith.constant 1 : i32
      %dma_wait3A_456 = arith.constant 0 : i32
      %dma_wait3A_457 = arith.constant 0 : i32
      %dma_wait3A_458 = tpu.memref_slice %arg10[%dma_wait3A_456, %dma_wait3A_457] : memref<2x128xi32, #tpu.memory_space<vmem>> -> memref<1x128xi32, #tpu.memory_space<vmem>>
      %dma_wait3A_459 = tpu.memref_squeeze %dma_wait3A_458 : memref<1x128xi32, #tpu.memory_space<vmem>> -> memref<128xi32, #tpu.memory_space<vmem>>
      %dma_wait3A_460 = arith.constant 0 : i32
      %dma_wait3A_461 = tpu.memref_slice %arg4[%dma_wait3A_455, %dma_wait3A_460] : memref<2x160000xi32, #tpu.memory_space<hbm>> -> memref<1x128xi32, #tpu.memory_space<hbm>>
      %dma_wait3A_462 = tpu.memref_squeeze %dma_wait3A_461 : memref<1x128xi32, #tpu.memory_space<hbm>> -> memref<128xi32, #tpu.memory_space<hbm>>
      %dma_wait3A_463 = arith.constant 0 : i32
      %dma_wait3A_464 = tpu.memref_slice %arg10[%dma_wait3A_456, %dma_wait3A_463] : memref<2x128xi32, #tpu.memory_space<vmem>> -> memref<1x128xi32, #tpu.memory_space<vmem>>
      %dma_wait3A_465 = tpu.memref_squeeze %dma_wait3A_464 : memref<1x128xi32, #tpu.memory_space<vmem>> -> memref<128xi32, #tpu.memory_space<vmem>>
      %dma_wait3A_466 = arith.constant 0 : i32
      %dma_wait3A_467 = tpu.memref_slice %arg4[%dma_wait3A_455, %dma_wait3A_466] : memref<2x160000xi32, #tpu.memory_space<hbm>> -> memref<1x128xi32, #tpu.memory_space<hbm>>
      %dma_wait3A_468 = tpu.memref_squeeze %dma_wait3A_467 : memref<1x128xi32, #tpu.memory_space<hbm>> -> memref<128xi32, #tpu.memory_space<hbm>>
      tpu.wait_dma2 semaphore(%arg17 : memref<!tpu.dma_semaphore, #tpu.memory_space<semaphore_mem>>) src(%dma_wait3A_468 : memref<128xi32, #tpu.memory_space<hbm>>) dst(%dma_wait3A_465 : memref<128xi32, #tpu.memory_space<vmem>>)
      %gt3A = arith.constant 0 : i32
      %gt3A_469 = arith.cmpi sgt, %scan3A_437, %gt3A : i32
      %convert_element_type3A_470 = arith.extui %gt3A_469 : i1 to i32
      %cond3A_471 = arith.constant 0 : i32
      %cond3A_472 = arith.cmpi ne, %convert_element_type3A_470, %cond3A_471 : i32
      scf.if %cond3A_472 {
        %dma_wait3A_629 = arith.constant 0 : i32
        %dma_wait3A_630 = arith.constant 0 : i32
        %dma_wait3A_631 = arith.constant 0 : i32
        %dma_wait3A_632 = tpu.memref_slice %arg12[%dma_wait3A_629, %dma_wait3A_630, %dma_wait3A_631] : memref<2x128x128xf32, #tpu.memory_space<vmem>> -> memref<1x128x128xf32, #tpu.memory_space<vmem>>
        %dma_wait3A_633 = tpu.memref_squeeze %dma_wait3A_632 : memref<1x128x128xf32, #tpu.memory_space<vmem>> -> memref<128x128xf32, #tpu.memory_space<vmem>>
        %dma_wait3A_634 = arith.constant 0 : i32
        %dma_wait3A_635 = arith.constant 0 : i32
        %dma_wait3A_636 = tpu.memref_slice %arg2[%dma_wait3A_634, %dma_wait3A_635] : memref<20000x128xf32, #tpu.memory_space<hbm>> -> memref<128x128xf32, #tpu.memory_space<hbm>>
        %dma_wait3A_637 = arith.constant 0 : i32
        %dma_wait3A_638 = arith.constant 0 : i32
        %dma_wait3A_639 = tpu.memref_slice %arg12[%dma_wait3A_629, %dma_wait3A_637, %dma_wait3A_638] : memref<2x128x128xf32, #tpu.memory_space<vmem>> -> memref<1x128x128xf32, #tpu.memory_space<vmem>>
        %dma_wait3A_640 = tpu.memref_squeeze %dma_wait3A_639 : memref<1x128x128xf32, #tpu.memory_space<vmem>> -> memref<128x128xf32, #tpu.memory_space<vmem>>
        %dma_wait3A_641 = arith.constant 0 : i32
        %dma_wait3A_642 = arith.constant 0 : i32
        %dma_wait3A_643 = tpu.memref_slice %arg2[%dma_wait3A_641, %dma_wait3A_642] : memref<20000x128xf32, #tpu.memory_space<hbm>> -> memref<128x128xf32, #tpu.memory_space<hbm>>
        tpu.wait_dma2 semaphore(%arg18 : memref<!tpu.dma_semaphore, #tpu.memory_space<semaphore_mem>>) src(%dma_wait3A_643 : memref<128x128xf32, #tpu.memory_space<hbm>>) dst(%dma_wait3A_640 : memref<128x128xf32, #tpu.memory_space<vmem>>)
        %dma_wait3A_644 = arith.constant 0 : i32
        %dma_wait3A_645 = arith.constant 0 : i32
        %dma_wait3A_646 = tpu.memref_slice %arg6[%dma_wait3A_644, %dma_wait3A_645] : memref<625x128xf32, #tpu.memory_space<hbm>> -> memref<128x16xf32, #tpu.memory_space<hbm>>
        %dma_wait3A_647 = arith.constant 0 : i32
        %dma_wait3A_648 = arith.constant 0 : i32
        %dma_wait3A_649 = tpu.memref_slice %arg6[%dma_wait3A_647, %dma_wait3A_648] : memref<625x128xf32, #tpu.memory_space<hbm>> -> memref<128x16xf32, #tpu.memory_space<hbm>>
        tpu.wait_dma2 semaphore(%arg19 : memref<!tpu.dma_semaphore, #tpu.memory_space<semaphore_mem>>) src(%dma_wait3A_649 : memref<128x16xf32, #tpu.memory_space<hbm>>) dst(%arg13 : memref<128x16xf32, #tpu.memory_space<vmem>>)
      } else {
      }
      %add3A_473 = arith.constant 1 : i32
      %add3A_474 = arith.addi %mul3A_439, %add3A_473 : i32
      %add3A_475 = arith.constant 39 : i32
      %add3A_476 = arith.addi %add3A_475, %mul3A_439 : i32
      %add3A_477 = arith.constant 1 : i32
      %add3A_478 = arith.addi %add3A_476, %add3A_477 : i32
      %mul3A_479 = arith.constant 128 : i32
      %mul3A_480 = arith.muli %add3A_474, %mul3A_479 : i32
      %dma_start3A_481 = arith.constant 1 : i32
      %dma_start3A_482 = arith.constant 0 : i32
      %dma_start3A_483 = arith.constant 0 : i32
      %dma_start3A_484 = tpu.memref_slice %arg12[%dma_start3A_481, %dma_start3A_482, %dma_start3A_483] : memref<2x128x128xf32, #tpu.memory_space<vmem>> -> memref<1x128x128xf32, #tpu.memory_space<vmem>>
      %dma_start3A_485 = tpu.memref_squeeze %dma_start3A_484 : memref<1x128x128xf32, #tpu.memory_space<vmem>> -> memref<128x128xf32, #tpu.memory_space<vmem>>
      %dma_start3A_486 = tpu.memref_slice %arg9[%mul3A_480] : memref<5008xi32, #tpu.memory_space<vmem>> -> memref<128xi32, #tpu.memory_space<vmem>>
      %dma_start3A_487 = arith.constant 0 : i32
      %dma_start3A_488 = tpu.memref_slice %arg2[%mul3A_10, %dma_start3A_487] : memref<20000x128xf32, #tpu.memory_space<hbm>> -> memref<10000x128xf32, #tpu.memory_space<hbm>>
      %dma_start3A_489 = arith.constant 0 : i32
      %dma_start3A_490 = arith.constant 0 : i32
      %dma_start3A_491 = tpu.memref_slice %dma_start3A_488[%dma_start3A_489, %dma_start3A_490] : memref<10000x128xf32, #tpu.memory_space<hbm>> -> memref<10000x128xf32, #tpu.memory_space<hbm>>
      tpu.enqueue_indirect_dma source(%dma_start3A_491 : memref<10000x128xf32, #tpu.memory_space<hbm>>) target(%dma_start3A_485 : memref<128x128xf32, #tpu.memory_space<vmem>>) offsets(%dma_start3A_486 : memref<128xi32, #tpu.memory_space<vmem>>) semaphore(%arg16 : memref<!tpu.dma_semaphore, #tpu.memory_space<semaphore_mem>>)
      %mul3A_492 = arith.constant 128 : i32
      %mul3A_493 = arith.muli %add3A_478, %mul3A_492 : i32
      %add3A_494 = arith.addi %mul3A_2, %mul3A_493 : i32
      %dma_start3A_495 = arith.constant 1 : i32
      %dma_start3A_496 = arith.constant 1 : i32
      %dma_start3A_497 = arith.constant 0 : i32
      %dma_start3A_498 = tpu.memref_slice %arg10[%dma_start3A_496, %dma_start3A_497] : memref<2x128xi32, #tpu.memory_space<vmem>> -> memref<1x128xi32, #tpu.memory_space<vmem>>
      %dma_start3A_499 = tpu.memref_squeeze %dma_start3A_498 : memref<1x128xi32, #tpu.memory_space<vmem>> -> memref<128xi32, #tpu.memory_space<vmem>>
      %dma_start3A_500 = tpu.memref_slice %arg4[%dma_start3A_495, %add3A_494] : memref<2x160000xi32, #tpu.memory_space<hbm>> -> memref<1x128xi32, #tpu.memory_space<hbm>>
      %dma_start3A_501 = tpu.memref_squeeze %dma_start3A_500 : memref<1x128xi32, #tpu.memory_space<hbm>> -> memref<128xi32, #tpu.memory_space<hbm>>
      %dma_start3A_502 = arith.constant 0 : i32
      %dma_start3A_503 = tpu.memref_slice %arg10[%dma_start3A_496, %dma_start3A_502] : memref<2x128xi32, #tpu.memory_space<vmem>> -> memref<1x128xi32, #tpu.memory_space<vmem>>
      %dma_start3A_504 = tpu.memref_squeeze %dma_start3A_503 : memref<1x128xi32, #tpu.memory_space<vmem>> -> memref<128xi32, #tpu.memory_space<vmem>>
      %dma_start3A_505 = tpu.memref_slice %arg4[%dma_start3A_495, %add3A_494] : memref<2x160000xi32, #tpu.memory_space<hbm>> -> memref<1x128xi32, #tpu.memory_space<hbm>>
      %dma_start3A_506 = tpu.memref_squeeze %dma_start3A_505 : memref<1x128xi32, #tpu.memory_space<hbm>> -> memref<128xi32, #tpu.memory_space<hbm>>
      tpu.enqueue_dma source(%dma_start3A_506 : memref<128xi32, #tpu.memory_space<hbm>>) target(%dma_start3A_504 : memref<128xi32, #tpu.memory_space<vmem>>) target_semaphore(%arg17 : memref<!tpu.dma_semaphore, #tpu.memory_space<semaphore_mem>>)
      %dma_start3A_507 = arith.constant 0 : i32
      %dma_start3A_508 = arith.constant 0 : i32
      %dma_start3A_509 = arith.constant 0 : i32
      %dma_start3A_510 = arith.constant 0 : i32
      %dma_start3A_511 = tpu.memref_slice %arg12[%dma_start3A_507, %dma_start3A_509, %dma_start3A_510] : memref<2x128x128xf32, #tpu.memory_space<vmem>> -> memref<1x128x128xf32, #tpu.memory_space<vmem>>
      %dma_start3A_512 = tpu.memref_squeeze %dma_start3A_511 : memref<1x128x128xf32, #tpu.memory_space<vmem>> -> memref<128x128xf32, #tpu.memory_space<vmem>>
      %dma_start3A_513 = arith.constant 0 : i32
      %dma_start3A_514 = tpu.memref_slice %arg10[%dma_start3A_508, %dma_start3A_513] : memref<2x128xi32, #tpu.memory_space<vmem>> -> memref<1x128xi32, #tpu.memory_space<vmem>>
      %dma_start3A_515 = tpu.memref_squeeze %dma_start3A_514 : memref<1x128xi32, #tpu.memory_space<vmem>> -> memref<128xi32, #tpu.memory_space<vmem>>
      %dma_start3A_516 = arith.constant 0 : i32
      %dma_start3A_517 = arith.constant 0 : i32
      %dma_start3A_518 = tpu.memref_slice %arg14[%dma_start3A_516, %dma_start3A_517] : memref<10000x128xf32, #tpu.memory_space<vmem_shared>> -> memref<10000x128xf32, #tpu.memory_space<vmem_shared>>
      tpu.enqueue_indirect_dma source(%dma_start3A_512 : memref<128x128xf32, #tpu.memory_space<vmem>>) target(%dma_start3A_518 : memref<10000x128xf32, #tpu.memory_space<vmem_shared>>) offsets(%dma_start3A_515 : memref<128xi32, #tpu.memory_space<vmem>>) semaphore(%arg18 : memref<!tpu.dma_semaphore, #tpu.memory_space<semaphore_mem>>) {add = true}
      %dma_start3A_519 = arith.constant 0 : i32
      %dma_start3A_520 = arith.constant 0 : i32
      %dma_start3A_521 = tpu.memref_slice %arg10[%dma_start3A_519, %dma_start3A_520] : memref<2x128xi32, #tpu.memory_space<vmem>> -> memref<1x128xi32, #tpu.memory_space<vmem>>
      %dma_start3A_522 = tpu.memref_squeeze %dma_start3A_521 : memref<1x128xi32, #tpu.memory_space<vmem>> -> memref<128xi32, #tpu.memory_space<vmem>>
      %dma_start3A_523 = arith.constant 0 : i32
      %dma_start3A_524 = arith.constant 0 : i32
      %dma_start3A_525 = tpu.memref_slice %arg15[%dma_start3A_523, %dma_start3A_524] : memref<10000x16xf32, #tpu.memory_space<vmem_shared>> -> memref<10000x16xf32, #tpu.memory_space<vmem_shared>>
      tpu.enqueue_indirect_dma source(%arg13 : memref<128x16xf32, #tpu.memory_space<vmem>>) target(%dma_start3A_525 : memref<10000x16xf32, #tpu.memory_space<vmem_shared>>) offsets(%dma_start3A_522 : memref<128xi32, #tpu.memory_space<vmem>>) semaphore(%arg19 : memref<!tpu.dma_semaphore, #tpu.memory_space<semaphore_mem>>) {add = true}
      %dma_wait3A_526 = arith.constant 1 : i32
      %dma_wait3A_527 = arith.constant 0 : i32
      %dma_wait3A_528 = arith.constant 0 : i32
      %dma_wait3A_529 = tpu.memref_slice %arg12[%dma_wait3A_526, %dma_wait3A_527, %dma_wait3A_528] : memref<2x128x128xf32, #tpu.memory_space<vmem>> -> memref<1x128x128xf32, #tpu.memory_space<vmem>>
      %dma_wait3A_530 = tpu.memref_squeeze %dma_wait3A_529 : memref<1x128x128xf32, #tpu.memory_space<vmem>> -> memref<128x128xf32, #tpu.memory_space<vmem>>
      %dma_wait3A_531 = arith.constant 0 : i32
      %dma_wait3A_532 = arith.constant 0 : i32
      %dma_wait3A_533 = tpu.memref_slice %arg2[%dma_wait3A_531, %dma_wait3A_532] : memref<20000x128xf32, #tpu.memory_space<hbm>> -> memref<128x128xf32, #tpu.memory_space<hbm>>
      %dma_wait3A_534 = arith.constant 0 : i32
      %dma_wait3A_535 = arith.constant 0 : i32
      %dma_wait3A_536 = tpu.memref_slice %arg12[%dma_wait3A_526, %dma_wait3A_534, %dma_wait3A_535] : memref<2x128x128xf32, #tpu.memory_space<vmem>> -> memref<1x128x128xf32, #tpu.memory_space<vmem>>
      %dma_wait3A_537 = tpu.memref_squeeze %dma_wait3A_536 : memref<1x128x128xf32, #tpu.memory_space<vmem>> -> memref<128x128xf32, #tpu.memory_space<vmem>>
      %dma_wait3A_538 = arith.constant 0 : i32
      %dma_wait3A_539 = arith.constant 0 : i32
      %dma_wait3A_540 = tpu.memref_slice %arg2[%dma_wait3A_538, %dma_wait3A_539] : memref<20000x128xf32, #tpu.memory_space<hbm>> -> memref<128x128xf32, #tpu.memory_space<hbm>>
      tpu.wait_dma2 semaphore(%arg16 : memref<!tpu.dma_semaphore, #tpu.memory_space<semaphore_mem>>) src(%dma_wait3A_540 : memref<128x128xf32, #tpu.memory_space<hbm>>) dst(%dma_wait3A_537 : memref<128x128xf32, #tpu.memory_space<vmem>>)
      %dma_wait3A_541 = arith.constant 1 : i32
      %dma_wait3A_542 = arith.constant 1 : i32
      %dma_wait3A_543 = arith.constant 0 : i32
      %dma_wait3A_544 = tpu.memref_slice %arg10[%dma_wait3A_542, %dma_wait3A_543] : memref<2x128xi32, #tpu.memory_space<vmem>> -> memref<1x128xi32, #tpu.memory_space<vmem>>
      %dma_wait3A_545 = tpu.memref_squeeze %dma_wait3A_544 : memref<1x128xi32, #tpu.memory_space<vmem>> -> memref<128xi32, #tpu.memory_space<vmem>>
      %dma_wait3A_546 = arith.constant 0 : i32
      %dma_wait3A_547 = tpu.memref_slice %arg4[%dma_wait3A_541, %dma_wait3A_546] : memref<2x160000xi32, #tpu.memory_space<hbm>> -> memref<1x128xi32, #tpu.memory_space<hbm>>
      %dma_wait3A_548 = tpu.memref_squeeze %dma_wait3A_547 : memref<1x128xi32, #tpu.memory_space<hbm>> -> memref<128xi32, #tpu.memory_space<hbm>>
      %dma_wait3A_549 = arith.constant 0 : i32
      %dma_wait3A_550 = tpu.memref_slice %arg10[%dma_wait3A_542, %dma_wait3A_549] : memref<2x128xi32, #tpu.memory_space<vmem>> -> memref<1x128xi32, #tpu.memory_space<vmem>>
      %dma_wait3A_551 = tpu.memref_squeeze %dma_wait3A_550 : memref<1x128xi32, #tpu.memory_space<vmem>> -> memref<128xi32, #tpu.memory_space<vmem>>
      %dma_wait3A_552 = arith.constant 0 : i32
      %dma_wait3A_553 = tpu.memref_slice %arg4[%dma_wait3A_541, %dma_wait3A_552] : memref<2x160000xi32, #tpu.memory_space<hbm>> -> memref<1x128xi32, #tpu.memory_space<hbm>>
      %dma_wait3A_554 = tpu.memref_squeeze %dma_wait3A_553 : memref<1x128xi32, #tpu.memory_space<hbm>> -> memref<128xi32, #tpu.memory_space<hbm>>
      tpu.wait_dma2 semaphore(%arg17 : memref<!tpu.dma_semaphore, #tpu.memory_space<semaphore_mem>>) src(%dma_wait3A_554 : memref<128xi32, #tpu.memory_space<hbm>>) dst(%dma_wait3A_551 : memref<128xi32, #tpu.memory_space<vmem>>)
      %dma_wait3A_555 = arith.constant 0 : i32
      %dma_wait3A_556 = arith.constant 0 : i32
      %dma_wait3A_557 = arith.constant 0 : i32
      %dma_wait3A_558 = tpu.memref_slice %arg12[%dma_wait3A_555, %dma_wait3A_556, %dma_wait3A_557] : memref<2x128x128xf32, #tpu.memory_space<vmem>> -> memref<1x128x128xf32, #tpu.memory_space<vmem>>
      %dma_wait3A_559 = tpu.memref_squeeze %dma_wait3A_558 : memref<1x128x128xf32, #tpu.memory_space<vmem>> -> memref<128x128xf32, #tpu.memory_space<vmem>>
      %dma_wait3A_560 = arith.constant 0 : i32
      %dma_wait3A_561 = arith.constant 0 : i32
      %dma_wait3A_562 = tpu.memref_slice %arg2[%dma_wait3A_560, %dma_wait3A_561] : memref<20000x128xf32, #tpu.memory_space<hbm>> -> memref<128x128xf32, #tpu.memory_space<hbm>>
      %dma_wait3A_563 = arith.constant 0 : i32
      %dma_wait3A_564 = arith.constant 0 : i32
      %dma_wait3A_565 = tpu.memref_slice %arg12[%dma_wait3A_555, %dma_wait3A_563, %dma_wait3A_564] : memref<2x128x128xf32, #tpu.memory_space<vmem>> -> memref<1x128x128xf32, #tpu.memory_space<vmem>>
      %dma_wait3A_566 = tpu.memref_squeeze %dma_wait3A_565 : memref<1x128x128xf32, #tpu.memory_space<vmem>> -> memref<128x128xf32, #tpu.memory_space<vmem>>
      %dma_wait3A_567 = arith.constant 0 : i32
      %dma_wait3A_568 = arith.constant 0 : i32
      %dma_wait3A_569 = tpu.memref_slice %arg2[%dma_wait3A_567, %dma_wait3A_568] : memref<20000x128xf32, #tpu.memory_space<hbm>> -> memref<128x128xf32, #tpu.memory_space<hbm>>
      tpu.wait_dma2 semaphore(%arg18 : memref<!tpu.dma_semaphore, #tpu.memory_space<semaphore_mem>>) src(%dma_wait3A_569 : memref<128x128xf32, #tpu.memory_space<hbm>>) dst(%dma_wait3A_566 : memref<128x128xf32, #tpu.memory_space<vmem>>)
      %dma_wait3A_570 = arith.constant 0 : i32
      %dma_wait3A_571 = arith.constant 0 : i32
      %dma_wait3A_572 = tpu.memref_slice %arg6[%dma_wait3A_570, %dma_wait3A_571] : memref<625x128xf32, #tpu.memory_space<hbm>> -> memref<128x16xf32, #tpu.memory_space<hbm>>
      %dma_wait3A_573 = arith.constant 0 : i32
      %dma_wait3A_574 = arith.constant 0 : i32
      %dma_wait3A_575 = tpu.memref_slice %arg6[%dma_wait3A_573, %dma_wait3A_574] : memref<625x128xf32, #tpu.memory_space<hbm>> -> memref<128x16xf32, #tpu.memory_space<hbm>>
      tpu.wait_dma2 semaphore(%arg19 : memref<!tpu.dma_semaphore, #tpu.memory_space<semaphore_mem>>) src(%dma_wait3A_575 : memref<128x16xf32, #tpu.memory_space<hbm>>) dst(%arg13 : memref<128x16xf32, #tpu.memory_space<vmem>>)
      %add3A_576 = arith.constant 2 : i32
      %add3A_577 = arith.addi %mul3A_439, %add3A_576 : i32
      %add3A_578 = arith.constant 39 : i32
      %add3A_579 = arith.addi %add3A_578, %mul3A_439 : i32
      %add3A_580 = arith.constant 2 : i32
      %add3A_581 = arith.addi %add3A_579, %add3A_580 : i32
      %mul3A_582 = arith.constant 128 : i32
      %mul3A_583 = arith.muli %add3A_577, %mul3A_582 : i32
      %dma_start3A_584 = arith.constant 0 : i32
      %dma_start3A_585 = arith.constant 0 : i32
      %dma_start3A_586 = arith.constant 0 : i32
      %dma_start3A_587 = tpu.memref_slice %arg12[%dma_start3A_584, %dma_start3A_585, %dma_start3A_586] : memref<2x128x128xf32, #tpu.memory_space<vmem>> -> memref<1x128x128xf32, #tpu.memory_space<vmem>>
      %dma_start3A_588 = tpu.memref_squeeze %dma_start3A_587 : memref<1x128x128xf32, #tpu.memory_space<vmem>> -> memref<128x128xf32, #tpu.memory_space<vmem>>
      %dma_start3A_589 = tpu.memref_slice %arg9[%mul3A_583] : memref<5008xi32, #tpu.memory_space<vmem>> -> memref<128xi32, #tpu.memory_space<vmem>>
      %dma_start3A_590 = arith.constant 0 : i32
      %dma_start3A_591 = tpu.memref_slice %arg2[%mul3A_10, %dma_start3A_590] : memref<20000x128xf32, #tpu.memory_space<hbm>> -> memref<10000x128xf32, #tpu.memory_space<hbm>>
      %dma_start3A_592 = arith.constant 0 : i32
      %dma_start3A_593 = arith.constant 0 : i32
      %dma_start3A_594 = tpu.memref_slice %dma_start3A_591[%dma_start3A_592, %dma_start3A_593] : memref<10000x128xf32, #tpu.memory_space<hbm>> -> memref<10000x128xf32, #tpu.memory_space<hbm>>
      tpu.enqueue_indirect_dma source(%dma_start3A_594 : memref<10000x128xf32, #tpu.memory_space<hbm>>) target(%dma_start3A_588 : memref<128x128xf32, #tpu.memory_space<vmem>>) offsets(%dma_start3A_589 : memref<128xi32, #tpu.memory_space<vmem>>) semaphore(%arg16 : memref<!tpu.dma_semaphore, #tpu.memory_space<semaphore_mem>>)
      %mul3A_595 = arith.constant 128 : i32
      %mul3A_596 = arith.muli %add3A_581, %mul3A_595 : i32
      %add3A_597 = arith.addi %mul3A_2, %mul3A_596 : i32
      %dma_start3A_598 = arith.constant 1 : i32
      %dma_start3A_599 = arith.constant 0 : i32
      %dma_start3A_600 = arith.constant 0 : i32
      %dma_start3A_601 = tpu.memref_slice %arg10[%dma_start3A_599, %dma_start3A_600] : memref<2x128xi32, #tpu.memory_space<vmem>> -> memref<1x128xi32, #tpu.memory_space<vmem>>
      %dma_start3A_602 = tpu.memref_squeeze %dma_start3A_601 : memref<1x128xi32, #tpu.memory_space<vmem>> -> memref<128xi32, #tpu.memory_space<vmem>>
      %dma_start3A_603 = tpu.memref_slice %arg4[%dma_start3A_598, %add3A_597] : memref<2x160000xi32, #tpu.memory_space<hbm>> -> memref<1x128xi32, #tpu.memory_space<hbm>>
      %dma_start3A_604 = tpu.memref_squeeze %dma_start3A_603 : memref<1x128xi32, #tpu.memory_space<hbm>> -> memref<128xi32, #tpu.memory_space<hbm>>
      %dma_start3A_605 = arith.constant 0 : i32
      %dma_start3A_606 = tpu.memref_slice %arg10[%dma_start3A_599, %dma_start3A_605] : memref<2x128xi32, #tpu.memory_space<vmem>> -> memref<1x128xi32, #tpu.memory_space<vmem>>
      %dma_start3A_607 = tpu.memref_squeeze %dma_start3A_606 : memref<1x128xi32, #tpu.memory_space<vmem>> -> memref<128xi32, #tpu.memory_space<vmem>>
      %dma_start3A_608 = tpu.memref_slice %arg4[%dma_start3A_598, %add3A_597] : memref<2x160000xi32, #tpu.memory_space<hbm>> -> memref<1x128xi32, #tpu.memory_space<hbm>>
      %dma_start3A_609 = tpu.memref_squeeze %dma_start3A_608 : memref<1x128xi32, #tpu.memory_space<hbm>> -> memref<128xi32, #tpu.memory_space<hbm>>
      tpu.enqueue_dma source(%dma_start3A_609 : memref<128xi32, #tpu.memory_space<hbm>>) target(%dma_start3A_607 : memref<128xi32, #tpu.memory_space<vmem>>) target_semaphore(%arg17 : memref<!tpu.dma_semaphore, #tpu.memory_space<semaphore_mem>>)
      %dma_start3A_610 = arith.constant 1 : i32
      %dma_start3A_611 = arith.constant 1 : i32
      %dma_start3A_612 = arith.constant 0 : i32
      %dma_start3A_613 = arith.constant 0 : i32
      %dma_start3A_614 = tpu.memref_slice %arg12[%dma_start3A_610, %dma_start3A_612, %dma_start3A_613] : memref<2x128x128xf32, #tpu.memory_space<vmem>> -> memref<1x128x128xf32, #tpu.memory_space<vmem>>
      %dma_start3A_615 = tpu.memref_squeeze %dma_start3A_614 : memref<1x128x128xf32, #tpu.memory_space<vmem>> -> memref<128x128xf32, #tpu.memory_space<vmem>>
      %dma_start3A_616 = arith.constant 0 : i32
      %dma_start3A_617 = tpu.memref_slice %arg10[%dma_start3A_611, %dma_start3A_616] : memref<2x128xi32, #tpu.memory_space<vmem>> -> memref<1x128xi32, #tpu.memory_space<vmem>>
      %dma_start3A_618 = tpu.memref_squeeze %dma_start3A_617 : memref<1x128xi32, #tpu.memory_space<vmem>> -> memref<128xi32, #tpu.memory_space<vmem>>
      %dma_start3A_619 = arith.constant 0 : i32
      %dma_start3A_620 = arith.constant 0 : i32
      %dma_start3A_621 = tpu.memref_slice %arg14[%dma_start3A_619, %dma_start3A_620] : memref<10000x128xf32, #tpu.memory_space<vmem_shared>> -> memref<10000x128xf32, #tpu.memory_space<vmem_shared>>
      tpu.enqueue_indirect_dma source(%dma_start3A_615 : memref<128x128xf32, #tpu.memory_space<vmem>>) target(%dma_start3A_621 : memref<10000x128xf32, #tpu.memory_space<vmem_shared>>) offsets(%dma_start3A_618 : memref<128xi32, #tpu.memory_space<vmem>>) semaphore(%arg18 : memref<!tpu.dma_semaphore, #tpu.memory_space<semaphore_mem>>) {add = true}
      %dma_start3A_622 = arith.constant 1 : i32
      %dma_start3A_623 = arith.constant 0 : i32
      %dma_start3A_624 = tpu.memref_slice %arg10[%dma_start3A_622, %dma_start3A_623] : memref<2x128xi32, #tpu.memory_space<vmem>> -> memref<1x128xi32, #tpu.memory_space<vmem>>
      %dma_start3A_625 = tpu.memref_squeeze %dma_start3A_624 : memref<1x128xi32, #tpu.memory_space<vmem>> -> memref<128xi32, #tpu.memory_space<vmem>>
      %dma_start3A_626 = arith.constant 0 : i32
      %dma_start3A_627 = arith.constant 0 : i32
      %dma_start3A_628 = tpu.memref_slice %arg15[%dma_start3A_626, %dma_start3A_627] : memref<10000x16xf32, #tpu.memory_space<vmem_shared>> -> memref<10000x16xf32, #tpu.memory_space<vmem_shared>>
      tpu.enqueue_indirect_dma source(%arg13 : memref<128x16xf32, #tpu.memory_space<vmem>>) target(%dma_start3A_628 : memref<10000x16xf32, #tpu.memory_space<vmem_shared>>) offsets(%dma_start3A_625 : memref<128xi32, #tpu.memory_space<vmem>>) semaphore(%arg19 : memref<!tpu.dma_semaphore, #tpu.memory_space<semaphore_mem>>) {add = true}
    }
    %scan3A_129 = arith.constant 19 : i32
    %dma_wait3A_130 = arith.constant 0 : i32
    %dma_wait3A_131 = arith.constant 0 : i32
    %dma_wait3A_132 = arith.constant 0 : i32
    %dma_wait3A_133 = tpu.memref_slice %arg12[%dma_wait3A_130, %dma_wait3A_131, %dma_wait3A_132] : memref<2x128x128xf32, #tpu.memory_space<vmem>> -> memref<1x128x128xf32, #tpu.memory_space<vmem>>
    %dma_wait3A_134 = tpu.memref_squeeze %dma_wait3A_133 : memref<1x128x128xf32, #tpu.memory_space<vmem>> -> memref<128x128xf32, #tpu.memory_space<vmem>>
    %dma_wait3A_135 = arith.constant 0 : i32
    %dma_wait3A_136 = arith.constant 0 : i32
    %dma_wait3A_137 = tpu.memref_slice %arg2[%dma_wait3A_135, %dma_wait3A_136] : memref<20000x128xf32, #tpu.memory_space<hbm>> -> memref<128x128xf32, #tpu.memory_space<hbm>>
    %dma_wait3A_138 = arith.constant 0 : i32
    %dma_wait3A_139 = arith.constant 0 : i32
    %dma_wait3A_140 = tpu.memref_slice %arg12[%dma_wait3A_130, %dma_wait3A_138, %dma_wait3A_139] : memref<2x128x128xf32, #tpu.memory_space<vmem>> -> memref<1x128x128xf32, #tpu.memory_space<vmem>>
    %dma_wait3A_141 = tpu.memref_squeeze %dma_wait3A_140 : memref<1x128x128xf32, #tpu.memory_space<vmem>> -> memref<128x128xf32, #tpu.memory_space<vmem>>
    %dma_wait3A_142 = arith.constant 0 : i32
    %dma_wait3A_143 = arith.constant 0 : i32
    %dma_wait3A_144 = tpu.memref_slice %arg2[%dma_wait3A_142, %dma_wait3A_143] : memref<20000x128xf32, #tpu.memory_space<hbm>> -> memref<128x128xf32, #tpu.memory_space<hbm>>
    tpu.wait_dma2 semaphore(%arg16 : memref<!tpu.dma_semaphore, #tpu.memory_space<semaphore_mem>>) src(%dma_wait3A_144 : memref<128x128xf32, #tpu.memory_space<hbm>>) dst(%dma_wait3A_141 : memref<128x128xf32, #tpu.memory_space<vmem>>)
    %dma_wait3A_145 = arith.constant 1 : i32
    %dma_wait3A_146 = arith.constant 0 : i32
    %dma_wait3A_147 = arith.constant 0 : i32
    %dma_wait3A_148 = tpu.memref_slice %arg10[%dma_wait3A_146, %dma_wait3A_147] : memref<2x128xi32, #tpu.memory_space<vmem>> -> memref<1x128xi32, #tpu.memory_space<vmem>>
    %dma_wait3A_149 = tpu.memref_squeeze %dma_wait3A_148 : memref<1x128xi32, #tpu.memory_space<vmem>> -> memref<128xi32, #tpu.memory_space<vmem>>
    %dma_wait3A_150 = arith.constant 0 : i32
    %dma_wait3A_151 = tpu.memref_slice %arg4[%dma_wait3A_145, %dma_wait3A_150] : memref<2x160000xi32, #tpu.memory_space<hbm>> -> memref<1x128xi32, #tpu.memory_space<hbm>>
    %dma_wait3A_152 = tpu.memref_squeeze %dma_wait3A_151 : memref<1x128xi32, #tpu.memory_space<hbm>> -> memref<128xi32, #tpu.memory_space<hbm>>
    %dma_wait3A_153 = arith.constant 0 : i32
    %dma_wait3A_154 = tpu.memref_slice %arg10[%dma_wait3A_146, %dma_wait3A_153] : memref<2x128xi32, #tpu.memory_space<vmem>> -> memref<1x128xi32, #tpu.memory_space<vmem>>
    %dma_wait3A_155 = tpu.memref_squeeze %dma_wait3A_154 : memref<1x128xi32, #tpu.memory_space<vmem>> -> memref<128xi32, #tpu.memory_space<vmem>>
    %dma_wait3A_156 = arith.constant 0 : i32
    %dma_wait3A_157 = tpu.memref_slice %arg4[%dma_wait3A_145, %dma_wait3A_156] : memref<2x160000xi32, #tpu.memory_space<hbm>> -> memref<1x128xi32, #tpu.memory_space<hbm>>
    %dma_wait3A_158 = tpu.memref_squeeze %dma_wait3A_157 : memref<1x128xi32, #tpu.memory_space<hbm>> -> memref<128xi32, #tpu.memory_space<hbm>>
    tpu.wait_dma2 semaphore(%arg17 : memref<!tpu.dma_semaphore, #tpu.memory_space<semaphore_mem>>) src(%dma_wait3A_158 : memref<128xi32, #tpu.memory_space<hbm>>) dst(%dma_wait3A_155 : memref<128xi32, #tpu.memory_space<vmem>>)
    %dma_wait3A_159 = arith.constant 0 : i32
    %dma_wait3A_160 = arith.constant 0 : i32
    %dma_wait3A_161 = arith.constant 0 : i32
    %dma_wait3A_162 = tpu.memref_slice %arg12[%dma_wait3A_159, %dma_wait3A_160, %dma_wait3A_161] : memref<2x128x128xf32, #tpu.memory_space<vmem>> -> memref<1x128x128xf32, #tpu.memory_space<vmem>>
    %dma_wait3A_163 = tpu.memref_squeeze %dma_wait3A_162 : memref<1x128x128xf32, #tpu.memory_space<vmem>> -> memref<128x128xf32, #tpu.memory_space<vmem>>
    %dma_wait3A_164 = arith.constant 0 : i32
    %dma_wait3A_165 = arith.constant 0 : i32
    %dma_wait3A_166 = tpu.memref_slice %arg2[%dma_wait3A_164, %dma_wait3A_165] : memref<20000x128xf32, #tpu.memory_space<hbm>> -> memref<128x128xf32, #tpu.memory_space<hbm>>
    %dma_wait3A_167 = arith.constant 0 : i32
    %dma_wait3A_168 = arith.constant 0 : i32
    %dma_wait3A_169 = tpu.memref_slice %arg12[%dma_wait3A_159, %dma_wait3A_167, %dma_wait3A_168] : memref<2x128x128xf32, #tpu.memory_space<vmem>> -> memref<1x128x128xf32, #tpu.memory_space<vmem>>
    %dma_wait3A_170 = tpu.memref_squeeze %dma_wait3A_169 : memref<1x128x128xf32, #tpu.memory_space<vmem>> -> memref<128x128xf32, #tpu.memory_space<vmem>>
    %dma_wait3A_171 = arith.constant 0 : i32
    %dma_wait3A_172 = arith.constant 0 : i32
    %dma_wait3A_173 = tpu.memref_slice %arg2[%dma_wait3A_171, %dma_wait3A_172] : memref<20000x128xf32, #tpu.memory_space<hbm>> -> memref<128x128xf32, #tpu.memory_space<hbm>>
    tpu.wait_dma2 semaphore(%arg18 : memref<!tpu.dma_semaphore, #tpu.memory_space<semaphore_mem>>) src(%dma_wait3A_173 : memref<128x128xf32, #tpu.memory_space<hbm>>) dst(%dma_wait3A_170 : memref<128x128xf32, #tpu.memory_space<vmem>>)
    %dma_wait3A_174 = arith.constant 0 : i32
    %dma_wait3A_175 = arith.constant 0 : i32
    %dma_wait3A_176 = tpu.memref_slice %arg6[%dma_wait3A_174, %dma_wait3A_175] : memref<625x128xf32, #tpu.memory_space<hbm>> -> memref<128x16xf32, #tpu.memory_space<hbm>>
    %dma_wait3A_177 = arith.constant 0 : i32
    %dma_wait3A_178 = arith.constant 0 : i32
    %dma_wait3A_179 = tpu.memref_slice %arg6[%dma_wait3A_177, %dma_wait3A_178] : memref<625x128xf32, #tpu.memory_space<hbm>> -> memref<128x16xf32, #tpu.memory_space<hbm>>
    tpu.wait_dma2 semaphore(%arg19 : memref<!tpu.dma_semaphore, #tpu.memory_space<semaphore_mem>>) src(%dma_wait3A_179 : memref<128x16xf32, #tpu.memory_space<hbm>>) dst(%arg13 : memref<128x16xf32, #tpu.memory_space<vmem>>)
    %run_scoped3A_180 = arith.constant 0 : i32
    %run_scoped3A_181 = arith.constant 0 : i32
    "tpu.region"() ({
      %run_scoped3A_437 = tpu.sem_alloc : memref<!tpu.dma_semaphore, #tpu.memory_space<semaphore_mem>>
      %dma_start3A_438 = arith.constant 0 : i32
      %dma_start3A_439 = arith.constant 0 : i32
      %dma_start3A_440 = tpu.memref_slice %arg12[%run_scoped3A_180, %dma_start3A_438, %dma_start3A_439] : memref<2x128x128xf32, #tpu.memory_space<vmem>> -> memref<1x128x128xf32, #tpu.memory_space<vmem>>
      %dma_start3A_441 = tpu.memref_squeeze %dma_start3A_440 : memref<1x128x128xf32, #tpu.memory_space<vmem>> -> memref<128x128xf32, #tpu.memory_space<vmem>>
      %dma_start3A_442 = arith.constant 0 : i32
      %dma_start3A_443 = tpu.memref_slice %arg10[%run_scoped3A_181, %dma_start3A_442] : memref<2x128xi32, #tpu.memory_space<vmem>> -> memref<1x128xi32, #tpu.memory_space<vmem>>
      %dma_start3A_444 = tpu.memref_squeeze %dma_start3A_443 : memref<1x128xi32, #tpu.memory_space<vmem>> -> memref<128xi32, #tpu.memory_space<vmem>>
      %dma_start3A_445 = arith.constant 0 : i32
      %dma_start3A_446 = arith.constant 0 : i32
      %dma_start3A_447 = tpu.memref_slice %arg14[%dma_start3A_445, %dma_start3A_446] : memref<10000x128xf32, #tpu.memory_space<vmem_shared>> -> memref<10000x128xf32, #tpu.memory_space<vmem_shared>>
      tpu.enqueue_indirect_dma source(%dma_start3A_441 : memref<128x128xf32, #tpu.memory_space<vmem>>) target(%dma_start3A_447 : memref<10000x128xf32, #tpu.memory_space<vmem_shared>>) offsets(%dma_start3A_444 : memref<128xi32, #tpu.memory_space<vmem>>) semaphore(%run_scoped3A_437 : memref<!tpu.dma_semaphore, #tpu.memory_space<semaphore_mem>>) {add = true}
      %dma_wait3A_448 = arith.constant 0 : i32
      %dma_wait3A_449 = arith.constant 0 : i32
      %dma_wait3A_450 = tpu.memref_slice %arg12[%run_scoped3A_180, %dma_wait3A_448, %dma_wait3A_449] : memref<2x128x128xf32, #tpu.memory_space<vmem>> -> memref<1x128x128xf32, #tpu.memory_space<vmem>>
      %dma_wait3A_451 = tpu.memref_squeeze %dma_wait3A_450 : memref<1x128x128xf32, #tpu.memory_space<vmem>> -> memref<128x128xf32, #tpu.memory_space<vmem>>
      %dma_wait3A_452 = arith.constant 0 : i32
      %dma_wait3A_453 = tpu.memref_slice %arg10[%run_scoped3A_181, %dma_wait3A_452] : memref<2x128xi32, #tpu.memory_space<vmem>> -> memref<1x128xi32, #tpu.memory_space<vmem>>
      %dma_wait3A_454 = tpu.memref_squeeze %dma_wait3A_453 : memref<1x128xi32, #tpu.memory_space<vmem>> -> memref<128xi32, #tpu.memory_space<vmem>>
      %dma_wait3A_455 = arith.constant 0 : i32
      %dma_wait3A_456 = arith.constant 0 : i32
      %dma_wait3A_457 = tpu.memref_slice %arg14[%dma_wait3A_455, %dma_wait3A_456] : memref<10000x128xf32, #tpu.memory_space<vmem_shared>> -> memref<10000x128xf32, #tpu.memory_space<vmem_shared>>
      tpu.wait_indirect_dma semaphore(%run_scoped3A_437 : memref<!tpu.dma_semaphore, #tpu.memory_space<semaphore_mem>>) src(%dma_wait3A_451 : memref<128x128xf32, #tpu.memory_space<vmem>>) dst(%dma_wait3A_457 : memref<10000x128xf32, #tpu.memory_space<vmem_shared>>)
      tpu.yield
    }) : () -> ()
    %run_scoped3A_182 = arith.constant 0 : i32
    "tpu.region"() ({
      %run_scoped3A_437 = tpu.sem_alloc : memref<!tpu.dma_semaphore, #tpu.memory_space<semaphore_mem>>
      %dma_start3A_438 = arith.constant 0 : i32
      %dma_start3A_439 = tpu.memref_slice %arg10[%run_scoped3A_182, %dma_start3A_438] : memref<2x128xi32, #tpu.memory_space<vmem>> -> memref<1x128xi32, #tpu.memory_space<vmem>>
      %dma_start3A_440 = tpu.memref_squeeze %dma_start3A_439 : memref<1x128xi32, #tpu.memory_space<vmem>> -> memref<128xi32, #tpu.memory_space<vmem>>
      %dma_start3A_441 = arith.constant 0 : i32
      %dma_start3A_442 = arith.constant 0 : i32
      %dma_start3A_443 = tpu.memref_slice %arg15[%dma_start3A_441, %dma_start3A_442] : memref<10000x16xf32, #tpu.memory_space<vmem_shared>> -> memref<10000x16xf32, #tpu.memory_space<vmem_shared>>
      tpu.enqueue_indirect_dma source(%arg13 : memref<128x16xf32, #tpu.memory_space<vmem>>) target(%dma_start3A_443 : memref<10000x16xf32, #tpu.memory_space<vmem_shared>>) offsets(%dma_start3A_440 : memref<128xi32, #tpu.memory_space<vmem>>) semaphore(%run_scoped3A_437 : memref<!tpu.dma_semaphore, #tpu.memory_space<semaphore_mem>>) {add = true}
      %dma_wait3A_444 = arith.constant 0 : i32
      %dma_wait3A_445 = tpu.memref_slice %arg10[%run_scoped3A_182, %dma_wait3A_444] : memref<2x128xi32, #tpu.memory_space<vmem>> -> memref<1x128xi32, #tpu.memory_space<vmem>>
      %dma_wait3A_446 = tpu.memref_squeeze %dma_wait3A_445 : memref<1x128xi32, #tpu.memory_space<vmem>> -> memref<128xi32, #tpu.memory_space<vmem>>
      %dma_wait3A_447 = arith.constant 0 : i32
      %dma_wait3A_448 = arith.constant 0 : i32
      %dma_wait3A_449 = tpu.memref_slice %arg15[%dma_wait3A_447, %dma_wait3A_448] : memref<10000x16xf32, #tpu.memory_space<vmem_shared>> -> memref<10000x16xf32, #tpu.memory_space<vmem_shared>>
      tpu.wait_indirect_dma semaphore(%run_scoped3A_437 : memref<!tpu.dma_semaphore, #tpu.memory_space<semaphore_mem>>) src(%arg13 : memref<128x16xf32, #tpu.memory_space<vmem>>) dst(%dma_wait3A_449 : memref<10000x16xf32, #tpu.memory_space<vmem_shared>>)
      tpu.yield
    }) : () -> ()
    %add3A_183 = arith.constant 9984 : i32
    %add3A_184 = arith.addi %mul3A_2, %add3A_183 : i32
    %run_scoped3A_185 = arith.constant 1 : i32
    "tpu.region"() ({
      %run_scoped3A_437 = tpu.sem_alloc : memref<!tpu.dma_semaphore, #tpu.memory_space<semaphore_mem>>
      %dma_start3A_438 = tpu.memref_slice %arg4[%run_scoped3A_185, %add3A_184] : memref<2x160000xi32, #tpu.memory_space<hbm>> -> memref<1x16xi32, #tpu.memory_space<hbm>>
      %dma_start3A_439 = tpu.memref_squeeze %dma_start3A_438 : memref<1x16xi32, #tpu.memory_space<hbm>> -> memref<16xi32, #tpu.memory_space<hbm>>
      %dma_start3A_440 = tpu.memref_slice %arg4[%run_scoped3A_185, %add3A_184] : memref<2x160000xi32, #tpu.memory_space<hbm>> -> memref<1x16xi32, #tpu.memory_space<hbm>>
      %dma_start3A_441 = tpu.memref_squeeze %dma_start3A_440 : memref<1x16xi32, #tpu.memory_space<hbm>> -> memref<16xi32, #tpu.memory_space<hbm>>
      tpu.enqueue_dma source(%dma_start3A_441 : memref<16xi32, #tpu.memory_space<hbm>>) target(%arg11 : memref<16xi32, #tpu.memory_space<vmem>>) target_semaphore(%run_scoped3A_437 : memref<!tpu.dma_semaphore, #tpu.memory_space<semaphore_mem>>)
      %dma_wait3A_442 = tpu.memref_slice %arg4[%run_scoped3A_185, %add3A_184] : memref<2x160000xi32, #tpu.memory_space<hbm>> -> memref<1x16xi32, #tpu.memory_space<hbm>>
      %dma_wait3A_443 = tpu.memref_squeeze %dma_wait3A_442 : memref<1x16xi32, #tpu.memory_space<hbm>> -> memref<16xi32, #tpu.memory_space<hbm>>
      %dma_wait3A_444 = tpu.memref_slice %arg4[%run_scoped3A_185, %add3A_184] : memref<2x160000xi32, #tpu.memory_space<hbm>> -> memref<1x16xi32, #tpu.memory_space<hbm>>
      %dma_wait3A_445 = tpu.memref_squeeze %dma_wait3A_444 : memref<1x16xi32, #tpu.memory_space<hbm>> -> memref<16xi32, #tpu.memory_space<hbm>>
      tpu.wait_dma2 semaphore(%run_scoped3A_437 : memref<!tpu.dma_semaphore, #tpu.memory_space<semaphore_mem>>) src(%dma_wait3A_445 : memref<16xi32, #tpu.memory_space<hbm>>) dst(%arg11 : memref<16xi32, #tpu.memory_space<vmem>>)
      tpu.yield
    }) : () -> ()
    %dma_start3A_186 = arith.constant 0 : i32
    %dma_start3A_187 = arith.constant 0 : i32
    %dma_start3A_188 = arith.constant 0 : i32
    %dma_start3A_189 = tpu.memref_slice %arg12[%dma_start3A_186, %dma_start3A_187, %dma_start3A_188] : memref<2x128x128xf32, #tpu.memory_space<vmem>> -> memref<1x16x128xf32, #tpu.memory_space<vmem>>
    %dma_start3A_190 = tpu.memref_squeeze %dma_start3A_189 : memref<1x16x128xf32, #tpu.memory_space<vmem>> -> memref<16x128xf32, #tpu.memory_space<vmem>>
    %dma_start3A_191 = arith.constant 4992 : i32
    %dma_start3A_192 = tpu.memref_slice %arg9[%dma_start3A_191] : memref<5008xi32, #tpu.memory_space<vmem>> -> memref<16xi32, #tpu.memory_space<vmem>>
    %dma_start3A_193 = arith.constant 0 : i32
    %dma_start3A_194 = tpu.memref_slice %arg2[%mul3A_10, %dma_start3A_193] : memref<20000x128xf32, #tpu.memory_space<hbm>> -> memref<10000x128xf32, #tpu.memory_space<hbm>>
    %dma_start3A_195 = arith.constant 0 : i32
    %dma_start3A_196 = arith.constant 0 : i32
    %dma_start3A_197 = tpu.memref_slice %dma_start3A_194[%dma_start3A_195, %dma_start3A_196] : memref<10000x128xf32, #tpu.memory_space<hbm>> -> memref<10000x128xf32, #tpu.memory_space<hbm>>
    tpu.enqueue_indirect_dma source(%dma_start3A_197 : memref<10000x128xf32, #tpu.memory_space<hbm>>) target(%dma_start3A_190 : memref<16x128xf32, #tpu.memory_space<vmem>>) offsets(%dma_start3A_192 : memref<16xi32, #tpu.memory_space<vmem>>) semaphore(%arg16 : memref<!tpu.dma_semaphore, #tpu.memory_space<semaphore_mem>>)
    %dma_wait3A_198 = arith.constant 0 : i32
    %dma_wait3A_199 = arith.constant 0 : i32
    %dma_wait3A_200 = arith.constant 0 : i32
    %dma_wait3A_201 = tpu.memref_slice %arg12[%dma_wait3A_198, %dma_wait3A_199, %dma_wait3A_200] : memref<2x128x128xf32, #tpu.memory_space<vmem>> -> memref<1x16x128xf32, #tpu.memory_space<vmem>>
    %dma_wait3A_202 = tpu.memref_squeeze %dma_wait3A_201 : memref<1x16x128xf32, #tpu.memory_space<vmem>> -> memref<16x128xf32, #tpu.memory_space<vmem>>
    %dma_wait3A_203 = arith.constant 0 : i32
    %dma_wait3A_204 = arith.constant 0 : i32
    %dma_wait3A_205 = tpu.memref_slice %arg2[%dma_wait3A_203, %dma_wait3A_204] : memref<20000x128xf32, #tpu.memory_space<hbm>> -> memref<16x128xf32, #tpu.memory_space<hbm>>
    %dma_wait3A_206 = arith.constant 0 : i32
    %dma_wait3A_207 = arith.constant 0 : i32
    %dma_wait3A_208 = tpu.memref_slice %arg12[%dma_wait3A_198, %dma_wait3A_206, %dma_wait3A_207] : memref<2x128x128xf32, #tpu.memory_space<vmem>> -> memref<1x16x128xf32, #tpu.memory_space<vmem>>
    %dma_wait3A_209 = tpu.memref_squeeze %dma_wait3A_208 : memref<1x16x128xf32, #tpu.memory_space<vmem>> -> memref<16x128xf32, #tpu.memory_space<vmem>>
    %dma_wait3A_210 = arith.constant 0 : i32
    %dma_wait3A_211 = arith.constant 0 : i32
    %dma_wait3A_212 = tpu.memref_slice %arg2[%dma_wait3A_210, %dma_wait3A_211] : memref<20000x128xf32, #tpu.memory_space<hbm>> -> memref<16x128xf32, #tpu.memory_space<hbm>>
    tpu.wait_dma2 semaphore(%arg16 : memref<!tpu.dma_semaphore, #tpu.memory_space<semaphore_mem>>) src(%dma_wait3A_212 : memref<16x128xf32, #tpu.memory_space<hbm>>) dst(%dma_wait3A_209 : memref<16x128xf32, #tpu.memory_space<vmem>>)
    %run_scoped3A_213 = arith.constant 0 : i32
    "tpu.region"() ({
      %run_scoped3A_437 = tpu.sem_alloc : memref<!tpu.dma_semaphore, #tpu.memory_space<semaphore_mem>>
      %dma_start3A_438 = arith.constant 0 : i32
      %dma_start3A_439 = arith.constant 0 : i32
      %dma_start3A_440 = tpu.memref_slice %arg12[%run_scoped3A_213, %dma_start3A_438, %dma_start3A_439] : memref<2x128x128xf32, #tpu.memory_space<vmem>> -> memref<1x16x128xf32, #tpu.memory_space<vmem>>
      %dma_start3A_441 = tpu.memref_squeeze %dma_start3A_440 : memref<1x16x128xf32, #tpu.memory_space<vmem>> -> memref<16x128xf32, #tpu.memory_space<vmem>>
      %dma_start3A_442 = arith.constant 0 : i32
      %dma_start3A_443 = arith.constant 0 : i32
      %dma_start3A_444 = tpu.memref_slice %arg14[%dma_start3A_442, %dma_start3A_443] : memref<10000x128xf32, #tpu.memory_space<vmem_shared>> -> memref<10000x128xf32, #tpu.memory_space<vmem_shared>>
      tpu.enqueue_indirect_dma source(%dma_start3A_441 : memref<16x128xf32, #tpu.memory_space<vmem>>) target(%dma_start3A_444 : memref<10000x128xf32, #tpu.memory_space<vmem_shared>>) offsets(%arg11 : memref<16xi32, #tpu.memory_space<vmem>>) semaphore(%run_scoped3A_437 : memref<!tpu.dma_semaphore, #tpu.memory_space<semaphore_mem>>) {add = true}
      %dma_wait3A_445 = arith.constant 0 : i32
      %dma_wait3A_446 = arith.constant 0 : i32
      %dma_wait3A_447 = tpu.memref_slice %arg12[%run_scoped3A_213, %dma_wait3A_445, %dma_wait3A_446] : memref<2x128x128xf32, #tpu.memory_space<vmem>> -> memref<1x16x128xf32, #tpu.memory_space<vmem>>
      %dma_wait3A_448 = tpu.memref_squeeze %dma_wait3A_447 : memref<1x16x128xf32, #tpu.memory_space<vmem>> -> memref<16x128xf32, #tpu.memory_space<vmem>>
      %dma_wait3A_449 = arith.constant 0 : i32
      %dma_wait3A_450 = arith.constant 0 : i32
      %dma_wait3A_451 = tpu.memref_slice %arg14[%dma_wait3A_449, %dma_wait3A_450] : memref<10000x128xf32, #tpu.memory_space<vmem_shared>> -> memref<10000x128xf32, #tpu.memory_space<vmem_shared>>
      tpu.wait_indirect_dma semaphore(%run_scoped3A_437 : memref<!tpu.dma_semaphore, #tpu.memory_space<semaphore_mem>>) src(%dma_wait3A_448 : memref<16x128xf32, #tpu.memory_space<vmem>>) dst(%dma_wait3A_451 : memref<10000x128xf32, #tpu.memory_space<vmem_shared>>)
      tpu.yield
    }) : () -> ()
    "tpu.region"() ({
      %run_scoped3A_437 = tpu.sem_alloc : memref<!tpu.dma_semaphore, #tpu.memory_space<semaphore_mem>>
      %dma_start3A_438 = arith.constant 0 : i32
      %dma_start3A_439 = arith.constant 0 : i32
      %dma_start3A_440 = tpu.memref_slice %arg13[%dma_start3A_438, %dma_start3A_439] : memref<128x16xf32, #tpu.memory_space<vmem>> -> memref<16x16xf32, #tpu.memory_space<vmem>>
      %dma_start3A_441 = arith.constant 0 : i32
      %dma_start3A_442 = arith.constant 0 : i32
      %dma_start3A_443 = tpu.memref_slice %arg15[%dma_start3A_441, %dma_start3A_442] : memref<10000x16xf32, #tpu.memory_space<vmem_shared>> -> memref<10000x16xf32, #tpu.memory_space<vmem_shared>>
      tpu.enqueue_indirect_dma source(%dma_start3A_440 : memref<16x16xf32, #tpu.memory_space<vmem>>) target(%dma_start3A_443 : memref<10000x16xf32, #tpu.memory_space<vmem_shared>>) offsets(%arg11 : memref<16xi32, #tpu.memory_space<vmem>>) semaphore(%run_scoped3A_437 : memref<!tpu.dma_semaphore, #tpu.memory_space<semaphore_mem>>) {add = true}
      %dma_wait3A_444 = arith.constant 0 : i32
      %dma_wait3A_445 = arith.constant 0 : i32
      %dma_wait3A_446 = tpu.memref_slice %arg13[%dma_wait3A_444, %dma_wait3A_445] : memref<128x16xf32, #tpu.memory_space<vmem>> -> memref<16x16xf32, #tpu.memory_space<vmem>>
      %dma_wait3A_447 = arith.constant 0 : i32
      %dma_wait3A_448 = arith.constant 0 : i32
      %dma_wait3A_449 = tpu.memref_slice %arg15[%dma_wait3A_447, %dma_wait3A_448] : memref<10000x16xf32, #tpu.memory_space<vmem_shared>> -> memref<10000x16xf32, #tpu.memory_space<vmem_shared>>
      tpu.wait_indirect_dma semaphore(%run_scoped3A_437 : memref<!tpu.dma_semaphore, #tpu.memory_space<semaphore_mem>>) src(%dma_wait3A_446 : memref<16x16xf32, #tpu.memory_space<vmem>>) dst(%dma_wait3A_449 : memref<10000x16xf32, #tpu.memory_space<vmem_shared>>)
      tpu.yield
    }) : () -> ()
    %barrier3A_214 = arith.constant 0 : index
    tpu.barrier barrier_id(%barrier3A_214)
    %run_scoped3A_215 = arith.constant 0 : i32
    "tpu.region"() ({
      %run_scoped3A_437 = tpu.sem_alloc : memref<!tpu.dma_semaphore, #tpu.memory_space<semaphore_mem>>
      %dma_start3A_438 = arith.constant 0 : i32
      %dma_start3A_439 = tpu.memref_slice %arg7[%run_scoped3A_215, %arg0, %mul3A_0, %dma_start3A_438] : memref<2x2x10000x128xf32, #tpu.memory_space<hbm>> -> memref<1x1x625x128xf32, #tpu.memory_space<hbm>>
      %dma_start3A_440 = tpu.memref_squeeze %dma_start3A_439 : memref<1x1x625x128xf32, #tpu.memory_space<hbm>> -> memref<625x128xf32, #tpu.memory_space<hbm>>
      %dma_start3A_441 = arith.constant 0 : i32
      %dma_start3A_442 = tpu.memref_slice %arg14[%mul3A_0, %dma_start3A_441] : memref<10000x128xf32, #tpu.memory_space<vmem_shared>> -> memref<625x128xf32, #tpu.memory_space<vmem_shared>>
      tpu.enqueue_dma source(%dma_start3A_442 : memref<625x128xf32, #tpu.memory_space<vmem_shared>>) target(%dma_start3A_440 : memref<625x128xf32, #tpu.memory_space<hbm>>) target_semaphore(%run_scoped3A_437 : memref<!tpu.dma_semaphore, #tpu.memory_space<semaphore_mem>>)
      %dma_wait3A_443 = arith.constant 0 : i32
      %dma_wait3A_444 = tpu.memref_slice %arg7[%run_scoped3A_215, %arg0, %mul3A_0, %dma_wait3A_443] : memref<2x2x10000x128xf32, #tpu.memory_space<hbm>> -> memref<1x1x625x128xf32, #tpu.memory_space<hbm>>
      %dma_wait3A_445 = tpu.memref_squeeze %dma_wait3A_444 : memref<1x1x625x128xf32, #tpu.memory_space<hbm>> -> memref<625x128xf32, #tpu.memory_space<hbm>>
      %dma_wait3A_446 = arith.constant 0 : i32
      %dma_wait3A_447 = tpu.memref_slice %arg14[%mul3A_0, %dma_wait3A_446] : memref<10000x128xf32, #tpu.memory_space<vmem_shared>> -> memref<625x128xf32, #tpu.memory_space<vmem_shared>>
      tpu.wait_dma2 semaphore(%run_scoped3A_437 : memref<!tpu.dma_semaphore, #tpu.memory_space<semaphore_mem>>) src(%dma_wait3A_447 : memref<625x128xf32, #tpu.memory_space<vmem_shared>>) dst(%dma_wait3A_445 : memref<625x128xf32, #tpu.memory_space<hbm>>)
      tpu.yield
    }) : () -> ()
    %eq3A = arith.constant 0 : i32
    %eq3A_216 = arith.cmpi eq, %arg0, %eq3A : i32
    %convert_element_type3A = arith.extui %eq3A_216 : i1 to i32
    %cond3A = arith.constant 0 : i32
    %cond3A_217 = arith.cmpi ne, %convert_element_type3A, %cond3A : i32
    scf.if %cond3A_217 {
      %run_scoped3A_437 = arith.constant 0 : i32
      "tpu.region"() ({
        %run_scoped3A_438 = tpu.sem_alloc : memref<!tpu.dma_semaphore, #tpu.memory_space<semaphore_mem>>
        %dma_start3A_439 = arith.constant 0 : i32
        %dma_start3A_440 = tpu.memref_slice %arg8[%run_scoped3A_437, %mul3A_0, %dma_start3A_439] : memref<2x10000x16xf32, #tpu.memory_space<hbm>> -> memref<1x625x16xf32, #tpu.memory_space<hbm>>
        %dma_start3A_441 = tpu.memref_squeeze %dma_start3A_440 : memref<1x625x16xf32, #tpu.memory_space<hbm>> -> memref<625x16xf32, #tpu.memory_space<hbm>>
        %dma_start3A_442 = arith.constant 0 : i32
        %dma_start3A_443 = tpu.memref_slice %arg15[%mul3A_0, %dma_start3A_442] : memref<10000x16xf32, #tpu.memory_space<vmem_shared>> -> memref<625x16xf32, #tpu.memory_space<vmem_shared>>
        tpu.enqueue_dma source(%dma_start3A_443 : memref<625x16xf32, #tpu.memory_space<vmem_shared>>) target(%dma_start3A_441 : memref<625x16xf32, #tpu.memory_space<hbm>>) target_semaphore(%run_scoped3A_438 : memref<!tpu.dma_semaphore, #tpu.memory_space<semaphore_mem>>)
        %dma_wait3A_444 = arith.constant 0 : i32
        %dma_wait3A_445 = tpu.memref_slice %arg8[%run_scoped3A_437, %mul3A_0, %dma_wait3A_444] : memref<2x10000x16xf32, #tpu.memory_space<hbm>> -> memref<1x625x16xf32, #tpu.memory_space<hbm>>
        %dma_wait3A_446 = tpu.memref_squeeze %dma_wait3A_445 : memref<1x625x16xf32, #tpu.memory_space<hbm>> -> memref<625x16xf32, #tpu.memory_space<hbm>>
        %dma_wait3A_447 = arith.constant 0 : i32
        %dma_wait3A_448 = tpu.memref_slice %arg15[%mul3A_0, %dma_wait3A_447] : memref<10000x16xf32, #tpu.memory_space<vmem_shared>> -> memref<625x16xf32, #tpu.memory_space<vmem_shared>>
        tpu.wait_dma2 semaphore(%run_scoped3A_438 : memref<!tpu.dma_semaphore, #tpu.memory_space<semaphore_mem>>) src(%dma_wait3A_448 : memref<625x16xf32, #tpu.memory_space<vmem_shared>>) dst(%dma_wait3A_446 : memref<625x16xf32, #tpu.memory_space<hbm>>)
        tpu.yield
      }) : () -> ()
    } else {
    }
    %barrier3A_218 = arith.constant 0 : index
    tpu.barrier barrier_id(%barrier3A_218)
    %mul3A_219 = arith.constant 10000 : i32
    %mul3A_220 = arith.muli %arg0, %mul3A_219 : i32
    "tpu.region"() ({
      %run_scoped3A_437 = tpu.sem_alloc : memref<!tpu.dma_semaphore, #tpu.memory_space<semaphore_mem>>
      %dma_start3A_438 = arith.constant 0 : i32
      %dma_start3A_439 = tpu.memref_slice %arg14[%mul3A_0, %dma_start3A_438] : memref<10000x128xf32, #tpu.memory_space<vmem_shared>> -> memref<625x128xf32, #tpu.memory_space<vmem_shared>>
      tpu.enqueue_dma source(%arg6 : memref<625x128xf32, #tpu.memory_space<hbm>>) target(%dma_start3A_439 : memref<625x128xf32, #tpu.memory_space<vmem_shared>>) target_semaphore(%run_scoped3A_437 : memref<!tpu.dma_semaphore, #tpu.memory_space<semaphore_mem>>)
      %dma_wait3A_440 = arith.constant 0 : i32
      %dma_wait3A_441 = tpu.memref_slice %arg14[%mul3A_0, %dma_wait3A_440] : memref<10000x128xf32, #tpu.memory_space<vmem_shared>> -> memref<625x128xf32, #tpu.memory_space<vmem_shared>>
      tpu.wait_dma2 semaphore(%run_scoped3A_437 : memref<!tpu.dma_semaphore, #tpu.memory_space<semaphore_mem>>) src(%arg6 : memref<625x128xf32, #tpu.memory_space<hbm>>) dst(%dma_wait3A_441 : memref<625x128xf32, #tpu.memory_space<vmem_shared>>)
      tpu.yield
    }) : () -> ()
    "tpu.region"() ({
      %run_scoped3A_437 = tpu.sem_alloc : memref<!tpu.dma_semaphore, #tpu.memory_space<semaphore_mem>>
      %dma_start3A_438 = arith.constant 0 : i32
      %dma_start3A_439 = tpu.memref_slice %arg15[%mul3A_0, %dma_start3A_438] : memref<10000x16xf32, #tpu.memory_space<vmem_shared>> -> memref<625x16xf32, #tpu.memory_space<vmem_shared>>
      %dma_start3A_440 = arith.constant 0 : i32
      %dma_start3A_441 = arith.constant 0 : i32
      %dma_start3A_442 = tpu.memref_slice %arg6[%dma_start3A_440, %dma_start3A_441] : memref<625x128xf32, #tpu.memory_space<hbm>> -> memref<625x16xf32, #tpu.memory_space<hbm>>
      tpu.enqueue_dma source(%dma_start3A_442 : memref<625x16xf32, #tpu.memory_space<hbm>>) target(%dma_start3A_439 : memref<625x16xf32, #tpu.memory_space<vmem_shared>>) target_semaphore(%run_scoped3A_437 : memref<!tpu.dma_semaphore, #tpu.memory_space<semaphore_mem>>)
      %dma_wait3A_443 = arith.constant 0 : i32
      %dma_wait3A_444 = tpu.memref_slice %arg15[%mul3A_0, %dma_wait3A_443] : memref<10000x16xf32, #tpu.memory_space<vmem_shared>> -> memref<625x16xf32, #tpu.memory_space<vmem_shared>>
      %dma_wait3A_445 = arith.constant 0 : i32
      %dma_wait3A_446 = arith.constant 0 : i32
      %dma_wait3A_447 = tpu.memref_slice %arg6[%dma_wait3A_445, %dma_wait3A_446] : memref<625x128xf32, #tpu.memory_space<hbm>> -> memref<625x16xf32, #tpu.memory_space<hbm>>
      tpu.wait_dma2 semaphore(%run_scoped3A_437 : memref<!tpu.dma_semaphore, #tpu.memory_space<semaphore_mem>>) src(%dma_wait3A_447 : memref<625x16xf32, #tpu.memory_space<hbm>>) dst(%dma_wait3A_444 : memref<625x16xf32, #tpu.memory_space<vmem_shared>>)
      tpu.yield
    }) : () -> ()
    %barrier3A_221 = arith.constant 0 : index
    tpu.barrier barrier_id(%barrier3A_221)
    %add3A_222 = arith.constant 0 : i32
    %add3A_223 = arith.addi %mul3A_2, %add3A_222 : i32
    %run_scoped3A_224 = arith.constant 0 : i32
    "tpu.region"() ({
      %run_scoped3A_437 = tpu.sem_alloc : memref<!tpu.dma_semaphore, #tpu.memory_space<semaphore_mem>>
      %dma_start3A_438 = arith.constant 0 : i32
      %dma_start3A_439 = tpu.memref_slice %arg9[%dma_start3A_438] : memref<5008xi32, #tpu.memory_space<vmem>> -> memref<4992xi32, #tpu.memory_space<vmem>>
      %dma_start3A_440 = tpu.memref_slice %arg5[%run_scoped3A_224, %add3A_223] : memref<2x160000xi32, #tpu.memory_space<hbm>> -> memref<1x4992xi32, #tpu.memory_space<hbm>>
      %dma_start3A_441 = tpu.memref_squeeze %dma_start3A_440 : memref<1x4992xi32, #tpu.memory_space<hbm>> -> memref<4992xi32, #tpu.memory_space<hbm>>
      %dma_start3A_442 = arith.constant 0 : i32
      %dma_start3A_443 = tpu.memref_slice %arg9[%dma_start3A_442] : memref<5008xi32, #tpu.memory_space<vmem>> -> memref<4992xi32, #tpu.memory_space<vmem>>
      %dma_start3A_444 = tpu.memref_slice %arg5[%run_scoped3A_224, %add3A_223] : memref<2x160000xi32, #tpu.memory_space<hbm>> -> memref<1x4992xi32, #tpu.memory_space<hbm>>
      %dma_start3A_445 = tpu.memref_squeeze %dma_start3A_444 : memref<1x4992xi32, #tpu.memory_space<hbm>> -> memref<4992xi32, #tpu.memory_space<hbm>>
      tpu.enqueue_dma source(%dma_start3A_445 : memref<4992xi32, #tpu.memory_space<hbm>>) target(%dma_start3A_443 : memref<4992xi32, #tpu.memory_space<vmem>>) target_semaphore(%run_scoped3A_437 : memref<!tpu.dma_semaphore, #tpu.memory_space<semaphore_mem>>)
      %dma_wait3A_446 = arith.constant 0 : i32
      %dma_wait3A_447 = tpu.memref_slice %arg9[%dma_wait3A_446] : memref<5008xi32, #tpu.memory_space<vmem>> -> memref<4992xi32, #tpu.memory_space<vmem>>
      %dma_wait3A_448 = tpu.memref_slice %arg5[%run_scoped3A_224, %add3A_223] : memref<2x160000xi32, #tpu.memory_space<hbm>> -> memref<1x4992xi32, #tpu.memory_space<hbm>>
      %dma_wait3A_449 = tpu.memref_squeeze %dma_wait3A_448 : memref<1x4992xi32, #tpu.memory_space<hbm>> -> memref<4992xi32, #tpu.memory_space<hbm>>
      %dma_wait3A_450 = arith.constant 0 : i32
      %dma_wait3A_451 = tpu.memref_slice %arg9[%dma_wait3A_450] : memref<5008xi32, #tpu.memory_space<vmem>> -> memref<4992xi32, #tpu.memory_space<vmem>>
      %dma_wait3A_452 = tpu.memref_slice %arg5[%run_scoped3A_224, %add3A_223] : memref<2x160000xi32, #tpu.memory_space<hbm>> -> memref<1x4992xi32, #tpu.memory_space<hbm>>
      %dma_wait3A_453 = tpu.memref_squeeze %dma_wait3A_452 : memref<1x4992xi32, #tpu.memory_space<hbm>> -> memref<4992xi32, #tpu.memory_space<hbm>>
      tpu.wait_dma2 semaphore(%run_scoped3A_437 : memref<!tpu.dma_semaphore, #tpu.memory_space<semaphore_mem>>) src(%dma_wait3A_453 : memref<4992xi32, #tpu.memory_space<hbm>>) dst(%dma_wait3A_451 : memref<4992xi32, #tpu.memory_space<vmem>>)
      tpu.yield
    }) : () -> ()
    %dma_start3A_225 = arith.constant 0 : i32
    %dma_start3A_226 = arith.constant 0 : i32
    %dma_start3A_227 = arith.constant 0 : i32
    %dma_start3A_228 = tpu.memref_slice %arg12[%dma_start3A_225, %dma_start3A_226, %dma_start3A_227] : memref<2x128x128xf32, #tpu.memory_space<vmem>> -> memref<1x128x128xf32, #tpu.memory_space<vmem>>
    %dma_start3A_229 = tpu.memref_squeeze %dma_start3A_228 : memref<1x128x128xf32, #tpu.memory_space<vmem>> -> memref<128x128xf32, #tpu.memory_space<vmem>>
    %dma_start3A_230 = arith.constant 0 : i32
    %dma_start3A_231 = tpu.memref_slice %arg9[%dma_start3A_230] : memref<5008xi32, #tpu.memory_space<vmem>> -> memref<128xi32, #tpu.memory_space<vmem>>
    %dma_start3A_232 = arith.constant 0 : i32
    %dma_start3A_233 = tpu.memref_slice %arg3[%mul3A_220, %dma_start3A_232] : memref<20000x128xf32, #tpu.memory_space<hbm>> -> memref<10000x128xf32, #tpu.memory_space<hbm>>
    %dma_start3A_234 = arith.constant 0 : i32
    %dma_start3A_235 = arith.constant 0 : i32
    %dma_start3A_236 = tpu.memref_slice %dma_start3A_233[%dma_start3A_234, %dma_start3A_235] : memref<10000x128xf32, #tpu.memory_space<hbm>> -> memref<10000x128xf32, #tpu.memory_space<hbm>>
    tpu.enqueue_indirect_dma source(%dma_start3A_236 : memref<10000x128xf32, #tpu.memory_space<hbm>>) target(%dma_start3A_229 : memref<128x128xf32, #tpu.memory_space<vmem>>) offsets(%dma_start3A_231 : memref<128xi32, #tpu.memory_space<vmem>>) semaphore(%arg16 : memref<!tpu.dma_semaphore, #tpu.memory_space<semaphore_mem>>)
    %add3A_237 = arith.constant 0 : i32
    %add3A_238 = arith.addi %mul3A_2, %add3A_237 : i32
    %dma_start3A_239 = arith.constant 1 : i32
    %dma_start3A_240 = arith.constant 0 : i32
    %dma_start3A_241 = arith.constant 0 : i32
    %dma_start3A_242 = tpu.memref_slice %arg10[%dma_start3A_240, %dma_start3A_241] : memref<2x128xi32, #tpu.memory_space<vmem>> -> memref<1x128xi32, #tpu.memory_space<vmem>>
    %dma_start3A_243 = tpu.memref_squeeze %dma_start3A_242 : memref<1x128xi32, #tpu.memory_space<vmem>> -> memref<128xi32, #tpu.memory_space<vmem>>
    %dma_start3A_244 = tpu.memref_slice %arg5[%dma_start3A_239, %add3A_238] : memref<2x160000xi32, #tpu.memory_space<hbm>> -> memref<1x128xi32, #tpu.memory_space<hbm>>
    %dma_start3A_245 = tpu.memref_squeeze %dma_start3A_244 : memref<1x128xi32, #tpu.memory_space<hbm>> -> memref<128xi32, #tpu.memory_space<hbm>>
    %dma_start3A_246 = arith.constant 0 : i32
    %dma_start3A_247 = tpu.memref_slice %arg10[%dma_start3A_240, %dma_start3A_246] : memref<2x128xi32, #tpu.memory_space<vmem>> -> memref<1x128xi32, #tpu.memory_space<vmem>>
    %dma_start3A_248 = tpu.memref_squeeze %dma_start3A_247 : memref<1x128xi32, #tpu.memory_space<vmem>> -> memref<128xi32, #tpu.memory_space<vmem>>
    %dma_start3A_249 = tpu.memref_slice %arg5[%dma_start3A_239, %add3A_238] : memref<2x160000xi32, #tpu.memory_space<hbm>> -> memref<1x128xi32, #tpu.memory_space<hbm>>
    %dma_start3A_250 = tpu.memref_squeeze %dma_start3A_249 : memref<1x128xi32, #tpu.memory_space<hbm>> -> memref<128xi32, #tpu.memory_space<hbm>>
    tpu.enqueue_dma source(%dma_start3A_250 : memref<128xi32, #tpu.memory_space<hbm>>) target(%dma_start3A_248 : memref<128xi32, #tpu.memory_space<vmem>>) target_semaphore(%arg17 : memref<!tpu.dma_semaphore, #tpu.memory_space<semaphore_mem>>)
    %scan3A_251 = arith.constant 0 : i32
    %scan3A_252 = arith.constant 0 : i32
    %scan3A_253 = arith.constant 19 : i32
    %scan3A_254 = arith.addi %scan3A_252, %scan3A_253 : i32
    %scan3A_255 = arith.constant 1 : i32
    scf.for %scan3A_437 = %scan3A_252 to %scan3A_254 step %scan3A_255  : i32 {
      %mul3A_438 = arith.constant 2 : i32
      %mul3A_439 = arith.muli %mul3A_438, %scan3A_437 : i32
      %dma_wait3A_440 = arith.constant 0 : i32
      %dma_wait3A_441 = arith.constant 0 : i32
      %dma_wait3A_442 = arith.constant 0 : i32
      %dma_wait3A_443 = tpu.memref_slice %arg12[%dma_wait3A_440, %dma_wait3A_441, %dma_wait3A_442] : memref<2x128x128xf32, #tpu.memory_space<vmem>> -> memref<1x128x128xf32, #tpu.memory_space<vmem>>
      %dma_wait3A_444 = tpu.memref_squeeze %dma_wait3A_443 : memref<1x128x128xf32, #tpu.memory_space<vmem>> -> memref<128x128xf32, #tpu.memory_space<vmem>>
      %dma_wait3A_445 = arith.constant 0 : i32
      %dma_wait3A_446 = arith.constant 0 : i32
      %dma_wait3A_447 = tpu.memref_slice %arg3[%dma_wait3A_445, %dma_wait3A_446] : memref<20000x128xf32, #tpu.memory_space<hbm>> -> memref<128x128xf32, #tpu.memory_space<hbm>>
      %dma_wait3A_448 = arith.constant 0 : i32
      %dma_wait3A_449 = arith.constant 0 : i32
      %dma_wait3A_450 = tpu.memref_slice %arg12[%dma_wait3A_440, %dma_wait3A_448, %dma_wait3A_449] : memref<2x128x128xf32, #tpu.memory_space<vmem>> -> memref<1x128x128xf32, #tpu.memory_space<vmem>>
      %dma_wait3A_451 = tpu.memref_squeeze %dma_wait3A_450 : memref<1x128x128xf32, #tpu.memory_space<vmem>> -> memref<128x128xf32, #tpu.memory_space<vmem>>
      %dma_wait3A_452 = arith.constant 0 : i32
      %dma_wait3A_453 = arith.constant 0 : i32
      %dma_wait3A_454 = tpu.memref_slice %arg3[%dma_wait3A_452, %dma_wait3A_453] : memref<20000x128xf32, #tpu.memory_space<hbm>> -> memref<128x128xf32, #tpu.memory_space<hbm>>
      tpu.wait_dma2 semaphore(%arg16 : memref<!tpu.dma_semaphore, #tpu.memory_space<semaphore_mem>>) src(%dma_wait3A_454 : memref<128x128xf32, #tpu.memory_space<hbm>>) dst(%dma_wait3A_451 : memref<128x128xf32, #tpu.memory_space<vmem>>)
      %dma_wait3A_455 = arith.constant 1 : i32
      %dma_wait3A_456 = arith.constant 0 : i32
      %dma_wait3A_457 = arith.constant 0 : i32
      %dma_wait3A_458 = tpu.memref_slice %arg10[%dma_wait3A_456, %dma_wait3A_457] : memref<2x128xi32, #tpu.memory_space<vmem>> -> memref<1x128xi32, #tpu.memory_space<vmem>>
      %dma_wait3A_459 = tpu.memref_squeeze %dma_wait3A_458 : memref<1x128xi32, #tpu.memory_space<vmem>> -> memref<128xi32, #tpu.memory_space<vmem>>
      %dma_wait3A_460 = arith.constant 0 : i32
      %dma_wait3A_461 = tpu.memref_slice %arg5[%dma_wait3A_455, %dma_wait3A_460] : memref<2x160000xi32, #tpu.memory_space<hbm>> -> memref<1x128xi32, #tpu.memory_space<hbm>>
      %dma_wait3A_462 = tpu.memref_squeeze %dma_wait3A_461 : memref<1x128xi32, #tpu.memory_space<hbm>> -> memref<128xi32, #tpu.memory_space<hbm>>
      %dma_wait3A_463 = arith.constant 0 : i32
      %dma_wait3A_464 = tpu.memref_slice %arg10[%dma_wait3A_456, %dma_wait3A_463] : memref<2x128xi32, #tpu.memory_space<vmem>> -> memref<1x128xi32, #tpu.memory_space<vmem>>
      %dma_wait3A_465 = tpu.memref_squeeze %dma_wait3A_464 : memref<1x128xi32, #tpu.memory_space<vmem>> -> memref<128xi32, #tpu.memory_space<vmem>>
      %dma_wait3A_466 = arith.constant 0 : i32
      %dma_wait3A_467 = tpu.memref_slice %arg5[%dma_wait3A_455, %dma_wait3A_466] : memref<2x160000xi32, #tpu.memory_space<hbm>> -> memref<1x128xi32, #tpu.memory_space<hbm>>
      %dma_wait3A_468 = tpu.memref_squeeze %dma_wait3A_467 : memref<1x128xi32, #tpu.memory_space<hbm>> -> memref<128xi32, #tpu.memory_space<hbm>>
      tpu.wait_dma2 semaphore(%arg17 : memref<!tpu.dma_semaphore, #tpu.memory_space<semaphore_mem>>) src(%dma_wait3A_468 : memref<128xi32, #tpu.memory_space<hbm>>) dst(%dma_wait3A_465 : memref<128xi32, #tpu.memory_space<vmem>>)
      %gt3A = arith.constant 0 : i32
      %gt3A_469 = arith.cmpi sgt, %scan3A_437, %gt3A : i32
      %convert_element_type3A_470 = arith.extui %gt3A_469 : i1 to i32
      %cond3A_471 = arith.constant 0 : i32
      %cond3A_472 = arith.cmpi ne, %convert_element_type3A_470, %cond3A_471 : i32
      scf.if %cond3A_472 {
        %dma_wait3A_629 = arith.constant 0 : i32
        %dma_wait3A_630 = arith.constant 0 : i32
        %dma_wait3A_631 = arith.constant 0 : i32
        %dma_wait3A_632 = tpu.memref_slice %arg12[%dma_wait3A_629, %dma_wait3A_630, %dma_wait3A_631] : memref<2x128x128xf32, #tpu.memory_space<vmem>> -> memref<1x128x128xf32, #tpu.memory_space<vmem>>
        %dma_wait3A_633 = tpu.memref_squeeze %dma_wait3A_632 : memref<1x128x128xf32, #tpu.memory_space<vmem>> -> memref<128x128xf32, #tpu.memory_space<vmem>>
        %dma_wait3A_634 = arith.constant 0 : i32
        %dma_wait3A_635 = arith.constant 0 : i32
        %dma_wait3A_636 = tpu.memref_slice %arg3[%dma_wait3A_634, %dma_wait3A_635] : memref<20000x128xf32, #tpu.memory_space<hbm>> -> memref<128x128xf32, #tpu.memory_space<hbm>>
        %dma_wait3A_637 = arith.constant 0 : i32
        %dma_wait3A_638 = arith.constant 0 : i32
        %dma_wait3A_639 = tpu.memref_slice %arg12[%dma_wait3A_629, %dma_wait3A_637, %dma_wait3A_638] : memref<2x128x128xf32, #tpu.memory_space<vmem>> -> memref<1x128x128xf32, #tpu.memory_space<vmem>>
        %dma_wait3A_640 = tpu.memref_squeeze %dma_wait3A_639 : memref<1x128x128xf32, #tpu.memory_space<vmem>> -> memref<128x128xf32, #tpu.memory_space<vmem>>
        %dma_wait3A_641 = arith.constant 0 : i32
        %dma_wait3A_642 = arith.constant 0 : i32
        %dma_wait3A_643 = tpu.memref_slice %arg3[%dma_wait3A_641, %dma_wait3A_642] : memref<20000x128xf32, #tpu.memory_space<hbm>> -> memref<128x128xf32, #tpu.memory_space<hbm>>
        tpu.wait_dma2 semaphore(%arg18 : memref<!tpu.dma_semaphore, #tpu.memory_space<semaphore_mem>>) src(%dma_wait3A_643 : memref<128x128xf32, #tpu.memory_space<hbm>>) dst(%dma_wait3A_640 : memref<128x128xf32, #tpu.memory_space<vmem>>)
        %dma_wait3A_644 = arith.constant 0 : i32
        %dma_wait3A_645 = arith.constant 0 : i32
        %dma_wait3A_646 = tpu.memref_slice %arg6[%dma_wait3A_644, %dma_wait3A_645] : memref<625x128xf32, #tpu.memory_space<hbm>> -> memref<128x16xf32, #tpu.memory_space<hbm>>
        %dma_wait3A_647 = arith.constant 0 : i32
        %dma_wait3A_648 = arith.constant 0 : i32
        %dma_wait3A_649 = tpu.memref_slice %arg6[%dma_wait3A_647, %dma_wait3A_648] : memref<625x128xf32, #tpu.memory_space<hbm>> -> memref<128x16xf32, #tpu.memory_space<hbm>>
        tpu.wait_dma2 semaphore(%arg19 : memref<!tpu.dma_semaphore, #tpu.memory_space<semaphore_mem>>) src(%dma_wait3A_649 : memref<128x16xf32, #tpu.memory_space<hbm>>) dst(%arg13 : memref<128x16xf32, #tpu.memory_space<vmem>>)
      } else {
      }
      %add3A_473 = arith.constant 1 : i32
      %add3A_474 = arith.addi %mul3A_439, %add3A_473 : i32
      %add3A_475 = arith.constant 0 : i32
      %add3A_476 = arith.addi %add3A_475, %mul3A_439 : i32
      %add3A_477 = arith.constant 1 : i32
      %add3A_478 = arith.addi %add3A_476, %add3A_477 : i32
      %mul3A_479 = arith.constant 128 : i32
      %mul3A_480 = arith.muli %add3A_474, %mul3A_479 : i32
      %dma_start3A_481 = arith.constant 1 : i32
      %dma_start3A_482 = arith.constant 0 : i32
      %dma_start3A_483 = arith.constant 0 : i32
      %dma_start3A_484 = tpu.memref_slice %arg12[%dma_start3A_481, %dma_start3A_482, %dma_start3A_483] : memref<2x128x128xf32, #tpu.memory_space<vmem>> -> memref<1x128x128xf32, #tpu.memory_space<vmem>>
      %dma_start3A_485 = tpu.memref_squeeze %dma_start3A_484 : memref<1x128x128xf32, #tpu.memory_space<vmem>> -> memref<128x128xf32, #tpu.memory_space<vmem>>
      %dma_start3A_486 = tpu.memref_slice %arg9[%mul3A_480] : memref<5008xi32, #tpu.memory_space<vmem>> -> memref<128xi32, #tpu.memory_space<vmem>>
      %dma_start3A_487 = arith.constant 0 : i32
      %dma_start3A_488 = tpu.memref_slice %arg3[%mul3A_220, %dma_start3A_487] : memref<20000x128xf32, #tpu.memory_space<hbm>> -> memref<10000x128xf32, #tpu.memory_space<hbm>>
      %dma_start3A_489 = arith.constant 0 : i32
      %dma_start3A_490 = arith.constant 0 : i32
      %dma_start3A_491 = tpu.memref_slice %dma_start3A_488[%dma_start3A_489, %dma_start3A_490] : memref<10000x128xf32, #tpu.memory_space<hbm>> -> memref<10000x128xf32, #tpu.memory_space<hbm>>
      tpu.enqueue_indirect_dma source(%dma_start3A_491 : memref<10000x128xf32, #tpu.memory_space<hbm>>) target(%dma_start3A_485 : memref<128x128xf32, #tpu.memory_space<vmem>>) offsets(%dma_start3A_486 : memref<128xi32, #tpu.memory_space<vmem>>) semaphore(%arg16 : memref<!tpu.dma_semaphore, #tpu.memory_space<semaphore_mem>>)
      %mul3A_492 = arith.constant 128 : i32
      %mul3A_493 = arith.muli %add3A_478, %mul3A_492 : i32
      %add3A_494 = arith.addi %mul3A_2, %mul3A_493 : i32
      %dma_start3A_495 = arith.constant 1 : i32
      %dma_start3A_496 = arith.constant 1 : i32
      %dma_start3A_497 = arith.constant 0 : i32
      %dma_start3A_498 = tpu.memref_slice %arg10[%dma_start3A_496, %dma_start3A_497] : memref<2x128xi32, #tpu.memory_space<vmem>> -> memref<1x128xi32, #tpu.memory_space<vmem>>
      %dma_start3A_499 = tpu.memref_squeeze %dma_start3A_498 : memref<1x128xi32, #tpu.memory_space<vmem>> -> memref<128xi32, #tpu.memory_space<vmem>>
      %dma_start3A_500 = tpu.memref_slice %arg5[%dma_start3A_495, %add3A_494] : memref<2x160000xi32, #tpu.memory_space<hbm>> -> memref<1x128xi32, #tpu.memory_space<hbm>>
      %dma_start3A_501 = tpu.memref_squeeze %dma_start3A_500 : memref<1x128xi32, #tpu.memory_space<hbm>> -> memref<128xi32, #tpu.memory_space<hbm>>
      %dma_start3A_502 = arith.constant 0 : i32
      %dma_start3A_503 = tpu.memref_slice %arg10[%dma_start3A_496, %dma_start3A_502] : memref<2x128xi32, #tpu.memory_space<vmem>> -> memref<1x128xi32, #tpu.memory_space<vmem>>
      %dma_start3A_504 = tpu.memref_squeeze %dma_start3A_503 : memref<1x128xi32, #tpu.memory_space<vmem>> -> memref<128xi32, #tpu.memory_space<vmem>>
      %dma_start3A_505 = tpu.memref_slice %arg5[%dma_start3A_495, %add3A_494] : memref<2x160000xi32, #tpu.memory_space<hbm>> -> memref<1x128xi32, #tpu.memory_space<hbm>>
      %dma_start3A_506 = tpu.memref_squeeze %dma_start3A_505 : memref<1x128xi32, #tpu.memory_space<hbm>> -> memref<128xi32, #tpu.memory_space<hbm>>
      tpu.enqueue_dma source(%dma_start3A_506 : memref<128xi32, #tpu.memory_space<hbm>>) target(%dma_start3A_504 : memref<128xi32, #tpu.memory_space<vmem>>) target_semaphore(%arg17 : memref<!tpu.dma_semaphore, #tpu.memory_space<semaphore_mem>>)
      %dma_start3A_507 = arith.constant 0 : i32
      %dma_start3A_508 = arith.constant 0 : i32
      %dma_start3A_509 = arith.constant 0 : i32
      %dma_start3A_510 = arith.constant 0 : i32
      %dma_start3A_511 = tpu.memref_slice %arg12[%dma_start3A_507, %dma_start3A_509, %dma_start3A_510] : memref<2x128x128xf32, #tpu.memory_space<vmem>> -> memref<1x128x128xf32, #tpu.memory_space<vmem>>
      %dma_start3A_512 = tpu.memref_squeeze %dma_start3A_511 : memref<1x128x128xf32, #tpu.memory_space<vmem>> -> memref<128x128xf32, #tpu.memory_space<vmem>>
      %dma_start3A_513 = arith.constant 0 : i32
      %dma_start3A_514 = tpu.memref_slice %arg10[%dma_start3A_508, %dma_start3A_513] : memref<2x128xi32, #tpu.memory_space<vmem>> -> memref<1x128xi32, #tpu.memory_space<vmem>>
      %dma_start3A_515 = tpu.memref_squeeze %dma_start3A_514 : memref<1x128xi32, #tpu.memory_space<vmem>> -> memref<128xi32, #tpu.memory_space<vmem>>
      %dma_start3A_516 = arith.constant 0 : i32
      %dma_start3A_517 = arith.constant 0 : i32
      %dma_start3A_518 = tpu.memref_slice %arg14[%dma_start3A_516, %dma_start3A_517] : memref<10000x128xf32, #tpu.memory_space<vmem_shared>> -> memref<10000x128xf32, #tpu.memory_space<vmem_shared>>
      tpu.enqueue_indirect_dma source(%dma_start3A_512 : memref<128x128xf32, #tpu.memory_space<vmem>>) target(%dma_start3A_518 : memref<10000x128xf32, #tpu.memory_space<vmem_shared>>) offsets(%dma_start3A_515 : memref<128xi32, #tpu.memory_space<vmem>>) semaphore(%arg18 : memref<!tpu.dma_semaphore, #tpu.memory_space<semaphore_mem>>) {add = true}
      %dma_start3A_519 = arith.constant 0 : i32
      %dma_start3A_520 = arith.constant 0 : i32
      %dma_start3A_521 = tpu.memref_slice %arg10[%dma_start3A_519, %dma_start3A_520] : memref<2x128xi32, #tpu.memory_space<vmem>> -> memref<1x128xi32, #tpu.memory_space<vmem>>
      %dma_start3A_522 = tpu.memref_squeeze %dma_start3A_521 : memref<1x128xi32, #tpu.memory_space<vmem>> -> memref<128xi32, #tpu.memory_space<vmem>>
      %dma_start3A_523 = arith.constant 0 : i32
      %dma_start3A_524 = arith.constant 0 : i32
      %dma_start3A_525 = tpu.memref_slice %arg15[%dma_start3A_523, %dma_start3A_524] : memref<10000x16xf32, #tpu.memory_space<vmem_shared>> -> memref<10000x16xf32, #tpu.memory_space<vmem_shared>>
      tpu.enqueue_indirect_dma source(%arg13 : memref<128x16xf32, #tpu.memory_space<vmem>>) target(%dma_start3A_525 : memref<10000x16xf32, #tpu.memory_space<vmem_shared>>) offsets(%dma_start3A_522 : memref<128xi32, #tpu.memory_space<vmem>>) semaphore(%arg19 : memref<!tpu.dma_semaphore, #tpu.memory_space<semaphore_mem>>) {add = true}
      %dma_wait3A_526 = arith.constant 1 : i32
      %dma_wait3A_527 = arith.constant 0 : i32
      %dma_wait3A_528 = arith.constant 0 : i32
      %dma_wait3A_529 = tpu.memref_slice %arg12[%dma_wait3A_526, %dma_wait3A_527, %dma_wait3A_528] : memref<2x128x128xf32, #tpu.memory_space<vmem>> -> memref<1x128x128xf32, #tpu.memory_space<vmem>>
      %dma_wait3A_530 = tpu.memref_squeeze %dma_wait3A_529 : memref<1x128x128xf32, #tpu.memory_space<vmem>> -> memref<128x128xf32, #tpu.memory_space<vmem>>
      %dma_wait3A_531 = arith.constant 0 : i32
      %dma_wait3A_532 = arith.constant 0 : i32
      %dma_wait3A_533 = tpu.memref_slice %arg3[%dma_wait3A_531, %dma_wait3A_532] : memref<20000x128xf32, #tpu.memory_space<hbm>> -> memref<128x128xf32, #tpu.memory_space<hbm>>
      %dma_wait3A_534 = arith.constant 0 : i32
      %dma_wait3A_535 = arith.constant 0 : i32
      %dma_wait3A_536 = tpu.memref_slice %arg12[%dma_wait3A_526, %dma_wait3A_534, %dma_wait3A_535] : memref<2x128x128xf32, #tpu.memory_space<vmem>> -> memref<1x128x128xf32, #tpu.memory_space<vmem>>
      %dma_wait3A_537 = tpu.memref_squeeze %dma_wait3A_536 : memref<1x128x128xf32, #tpu.memory_space<vmem>> -> memref<128x128xf32, #tpu.memory_space<vmem>>
      %dma_wait3A_538 = arith.constant 0 : i32
      %dma_wait3A_539 = arith.constant 0 : i32
      %dma_wait3A_540 = tpu.memref_slice %arg3[%dma_wait3A_538, %dma_wait3A_539] : memref<20000x128xf32, #tpu.memory_space<hbm>> -> memref<128x128xf32, #tpu.memory_space<hbm>>
      tpu.wait_dma2 semaphore(%arg16 : memref<!tpu.dma_semaphore, #tpu.memory_space<semaphore_mem>>) src(%dma_wait3A_540 : memref<128x128xf32, #tpu.memory_space<hbm>>) dst(%dma_wait3A_537 : memref<128x128xf32, #tpu.memory_space<vmem>>)
      %dma_wait3A_541 = arith.constant 1 : i32
      %dma_wait3A_542 = arith.constant 1 : i32
      %dma_wait3A_543 = arith.constant 0 : i32
      %dma_wait3A_544 = tpu.memref_slice %arg10[%dma_wait3A_542, %dma_wait3A_543] : memref<2x128xi32, #tpu.memory_space<vmem>> -> memref<1x128xi32, #tpu.memory_space<vmem>>
      %dma_wait3A_545 = tpu.memref_squeeze %dma_wait3A_544 : memref<1x128xi32, #tpu.memory_space<vmem>> -> memref<128xi32, #tpu.memory_space<vmem>>
      %dma_wait3A_546 = arith.constant 0 : i32
      %dma_wait3A_547 = tpu.memref_slice %arg5[%dma_wait3A_541, %dma_wait3A_546] : memref<2x160000xi32, #tpu.memory_space<hbm>> -> memref<1x128xi32, #tpu.memory_space<hbm>>
      %dma_wait3A_548 = tpu.memref_squeeze %dma_wait3A_547 : memref<1x128xi32, #tpu.memory_space<hbm>> -> memref<128xi32, #tpu.memory_space<hbm>>
      %dma_wait3A_549 = arith.constant 0 : i32
      %dma_wait3A_550 = tpu.memref_slice %arg10[%dma_wait3A_542, %dma_wait3A_549] : memref<2x128xi32, #tpu.memory_space<vmem>> -> memref<1x128xi32, #tpu.memory_space<vmem>>
      %dma_wait3A_551 = tpu.memref_squeeze %dma_wait3A_550 : memref<1x128xi32, #tpu.memory_space<vmem>> -> memref<128xi32, #tpu.memory_space<vmem>>
      %dma_wait3A_552 = arith.constant 0 : i32
      %dma_wait3A_553 = tpu.memref_slice %arg5[%dma_wait3A_541, %dma_wait3A_552] : memref<2x160000xi32, #tpu.memory_space<hbm>> -> memref<1x128xi32, #tpu.memory_space<hbm>>
      %dma_wait3A_554 = tpu.memref_squeeze %dma_wait3A_553 : memref<1x128xi32, #tpu.memory_space<hbm>> -> memref<128xi32, #tpu.memory_space<hbm>>
      tpu.wait_dma2 semaphore(%arg17 : memref<!tpu.dma_semaphore, #tpu.memory_space<semaphore_mem>>) src(%dma_wait3A_554 : memref<128xi32, #tpu.memory_space<hbm>>) dst(%dma_wait3A_551 : memref<128xi32, #tpu.memory_space<vmem>>)
      %dma_wait3A_555 = arith.constant 0 : i32
      %dma_wait3A_556 = arith.constant 0 : i32
      %dma_wait3A_557 = arith.constant 0 : i32
      %dma_wait3A_558 = tpu.memref_slice %arg12[%dma_wait3A_555, %dma_wait3A_556, %dma_wait3A_557] : memref<2x128x128xf32, #tpu.memory_space<vmem>> -> memref<1x128x128xf32, #tpu.memory_space<vmem>>
      %dma_wait3A_559 = tpu.memref_squeeze %dma_wait3A_558 : memref<1x128x128xf32, #tpu.memory_space<vmem>> -> memref<128x128xf32, #tpu.memory_space<vmem>>
      %dma_wait3A_560 = arith.constant 0 : i32
      %dma_wait3A_561 = arith.constant 0 : i32
      %dma_wait3A_562 = tpu.memref_slice %arg3[%dma_wait3A_560, %dma_wait3A_561] : memref<20000x128xf32, #tpu.memory_space<hbm>> -> memref<128x128xf32, #tpu.memory_space<hbm>>
      %dma_wait3A_563 = arith.constant 0 : i32
      %dma_wait3A_564 = arith.constant 0 : i32
      %dma_wait3A_565 = tpu.memref_slice %arg12[%dma_wait3A_555, %dma_wait3A_563, %dma_wait3A_564] : memref<2x128x128xf32, #tpu.memory_space<vmem>> -> memref<1x128x128xf32, #tpu.memory_space<vmem>>
      %dma_wait3A_566 = tpu.memref_squeeze %dma_wait3A_565 : memref<1x128x128xf32, #tpu.memory_space<vmem>> -> memref<128x128xf32, #tpu.memory_space<vmem>>
      %dma_wait3A_567 = arith.constant 0 : i32
      %dma_wait3A_568 = arith.constant 0 : i32
      %dma_wait3A_569 = tpu.memref_slice %arg3[%dma_wait3A_567, %dma_wait3A_568] : memref<20000x128xf32, #tpu.memory_space<hbm>> -> memref<128x128xf32, #tpu.memory_space<hbm>>
      tpu.wait_dma2 semaphore(%arg18 : memref<!tpu.dma_semaphore, #tpu.memory_space<semaphore_mem>>) src(%dma_wait3A_569 : memref<128x128xf32, #tpu.memory_space<hbm>>) dst(%dma_wait3A_566 : memref<128x128xf32, #tpu.memory_space<vmem>>)
      %dma_wait3A_570 = arith.constant 0 : i32
      %dma_wait3A_571 = arith.constant 0 : i32
      %dma_wait3A_572 = tpu.memref_slice %arg6[%dma_wait3A_570, %dma_wait3A_571] : memref<625x128xf32, #tpu.memory_space<hbm>> -> memref<128x16xf32, #tpu.memory_space<hbm>>
      %dma_wait3A_573 = arith.constant 0 : i32
      %dma_wait3A_574 = arith.constant 0 : i32
      %dma_wait3A_575 = tpu.memref_slice %arg6[%dma_wait3A_573, %dma_wait3A_574] : memref<625x128xf32, #tpu.memory_space<hbm>> -> memref<128x16xf32, #tpu.memory_space<hbm>>
      tpu.wait_dma2 semaphore(%arg19 : memref<!tpu.dma_semaphore, #tpu.memory_space<semaphore_mem>>) src(%dma_wait3A_575 : memref<128x16xf32, #tpu.memory_space<hbm>>) dst(%arg13 : memref<128x16xf32, #tpu.memory_space<vmem>>)
      %add3A_576 = arith.constant 2 : i32
      %add3A_577 = arith.addi %mul3A_439, %add3A_576 : i32
      %add3A_578 = arith.constant 0 : i32
      %add3A_579 = arith.addi %add3A_578, %mul3A_439 : i32
      %add3A_580 = arith.constant 2 : i32
      %add3A_581 = arith.addi %add3A_579, %add3A_580 : i32
      %mul3A_582 = arith.constant 128 : i32
      %mul3A_583 = arith.muli %add3A_577, %mul3A_582 : i32
      %dma_start3A_584 = arith.constant 0 : i32
      %dma_start3A_585 = arith.constant 0 : i32
      %dma_start3A_586 = arith.constant 0 : i32
      %dma_start3A_587 = tpu.memref_slice %arg12[%dma_start3A_584, %dma_start3A_585, %dma_start3A_586] : memref<2x128x128xf32, #tpu.memory_space<vmem>> -> memref<1x128x128xf32, #tpu.memory_space<vmem>>
      %dma_start3A_588 = tpu.memref_squeeze %dma_start3A_587 : memref<1x128x128xf32, #tpu.memory_space<vmem>> -> memref<128x128xf32, #tpu.memory_space<vmem>>
      %dma_start3A_589 = tpu.memref_slice %arg9[%mul3A_583] : memref<5008xi32, #tpu.memory_space<vmem>> -> memref<128xi32, #tpu.memory_space<vmem>>
      %dma_start3A_590 = arith.constant 0 : i32
      %dma_start3A_591 = tpu.memref_slice %arg3[%mul3A_220, %dma_start3A_590] : memref<20000x128xf32, #tpu.memory_space<hbm>> -> memref<10000x128xf32, #tpu.memory_space<hbm>>
      %dma_start3A_592 = arith.constant 0 : i32
      %dma_start3A_593 = arith.constant 0 : i32
      %dma_start3A_594 = tpu.memref_slice %dma_start3A_591[%dma_start3A_592, %dma_start3A_593] : memref<10000x128xf32, #tpu.memory_space<hbm>> -> memref<10000x128xf32, #tpu.memory_space<hbm>>
      tpu.enqueue_indirect_dma source(%dma_start3A_594 : memref<10000x128xf32, #tpu.memory_space<hbm>>) target(%dma_start3A_588 : memref<128x128xf32, #tpu.memory_space<vmem>>) offsets(%dma_start3A_589 : memref<128xi32, #tpu.memory_space<vmem>>) semaphore(%arg16 : memref<!tpu.dma_semaphore, #tpu.memory_space<semaphore_mem>>)
      %mul3A_595 = arith.constant 128 : i32
      %mul3A_596 = arith.muli %add3A_581, %mul3A_595 : i32
      %add3A_597 = arith.addi %mul3A_2, %mul3A_596 : i32
      %dma_start3A_598 = arith.constant 1 : i32
      %dma_start3A_599 = arith.constant 0 : i32
      %dma_start3A_600 = arith.constant 0 : i32
      %dma_start3A_601 = tpu.memref_slice %arg10[%dma_start3A_599, %dma_start3A_600] : memref<2x128xi32, #tpu.memory_space<vmem>> -> memref<1x128xi32, #tpu.memory_space<vmem>>
      %dma_start3A_602 = tpu.memref_squeeze %dma_start3A_601 : memref<1x128xi32, #tpu.memory_space<vmem>> -> memref<128xi32, #tpu.memory_space<vmem>>
      %dma_start3A_603 = tpu.memref_slice %arg5[%dma_start3A_598, %add3A_597] : memref<2x160000xi32, #tpu.memory_space<hbm>> -> memref<1x128xi32, #tpu.memory_space<hbm>>
      %dma_start3A_604 = tpu.memref_squeeze %dma_start3A_603 : memref<1x128xi32, #tpu.memory_space<hbm>> -> memref<128xi32, #tpu.memory_space<hbm>>
      %dma_start3A_605 = arith.constant 0 : i32
      %dma_start3A_606 = tpu.memref_slice %arg10[%dma_start3A_599, %dma_start3A_605] : memref<2x128xi32, #tpu.memory_space<vmem>> -> memref<1x128xi32, #tpu.memory_space<vmem>>
      %dma_start3A_607 = tpu.memref_squeeze %dma_start3A_606 : memref<1x128xi32, #tpu.memory_space<vmem>> -> memref<128xi32, #tpu.memory_space<vmem>>
      %dma_start3A_608 = tpu.memref_slice %arg5[%dma_start3A_598, %add3A_597] : memref<2x160000xi32, #tpu.memory_space<hbm>> -> memref<1x128xi32, #tpu.memory_space<hbm>>
      %dma_start3A_609 = tpu.memref_squeeze %dma_start3A_608 : memref<1x128xi32, #tpu.memory_space<hbm>> -> memref<128xi32, #tpu.memory_space<hbm>>
      tpu.enqueue_dma source(%dma_start3A_609 : memref<128xi32, #tpu.memory_space<hbm>>) target(%dma_start3A_607 : memref<128xi32, #tpu.memory_space<vmem>>) target_semaphore(%arg17 : memref<!tpu.dma_semaphore, #tpu.memory_space<semaphore_mem>>)
      %dma_start3A_610 = arith.constant 1 : i32
      %dma_start3A_611 = arith.constant 1 : i32
      %dma_start3A_612 = arith.constant 0 : i32
      %dma_start3A_613 = arith.constant 0 : i32
      %dma_start3A_614 = tpu.memref_slice %arg12[%dma_start3A_610, %dma_start3A_612, %dma_start3A_613] : memref<2x128x128xf32, #tpu.memory_space<vmem>> -> memref<1x128x128xf32, #tpu.memory_space<vmem>>
      %dma_start3A_615 = tpu.memref_squeeze %dma_start3A_614 : memref<1x128x128xf32, #tpu.memory_space<vmem>> -> memref<128x128xf32, #tpu.memory_space<vmem>>
      %dma_start3A_616 = arith.constant 0 : i32
      %dma_start3A_617 = tpu.memref_slice %arg10[%dma_start3A_611, %dma_start3A_616] : memref<2x128xi32, #tpu.memory_space<vmem>> -> memref<1x128xi32, #tpu.memory_space<vmem>>
      %dma_start3A_618 = tpu.memref_squeeze %dma_start3A_617 : memref<1x128xi32, #tpu.memory_space<vmem>> -> memref<128xi32, #tpu.memory_space<vmem>>
      %dma_start3A_619 = arith.constant 0 : i32
      %dma_start3A_620 = arith.constant 0 : i32
      %dma_start3A_621 = tpu.memref_slice %arg14[%dma_start3A_619, %dma_start3A_620] : memref<10000x128xf32, #tpu.memory_space<vmem_shared>> -> memref<10000x128xf32, #tpu.memory_space<vmem_shared>>
      tpu.enqueue_indirect_dma source(%dma_start3A_615 : memref<128x128xf32, #tpu.memory_space<vmem>>) target(%dma_start3A_621 : memref<10000x128xf32, #tpu.memory_space<vmem_shared>>) offsets(%dma_start3A_618 : memref<128xi32, #tpu.memory_space<vmem>>) semaphore(%arg18 : memref<!tpu.dma_semaphore, #tpu.memory_space<semaphore_mem>>) {add = true}
      %dma_start3A_622 = arith.constant 1 : i32
      %dma_start3A_623 = arith.constant 0 : i32
      %dma_start3A_624 = tpu.memref_slice %arg10[%dma_start3A_622, %dma_start3A_623] : memref<2x128xi32, #tpu.memory_space<vmem>> -> memref<1x128xi32, #tpu.memory_space<vmem>>
      %dma_start3A_625 = tpu.memref_squeeze %dma_start3A_624 : memref<1x128xi32, #tpu.memory_space<vmem>> -> memref<128xi32, #tpu.memory_space<vmem>>
      %dma_start3A_626 = arith.constant 0 : i32
      %dma_start3A_627 = arith.constant 0 : i32
      %dma_start3A_628 = tpu.memref_slice %arg15[%dma_start3A_626, %dma_start3A_627] : memref<10000x16xf32, #tpu.memory_space<vmem_shared>> -> memref<10000x16xf32, #tpu.memory_space<vmem_shared>>
      tpu.enqueue_indirect_dma source(%arg13 : memref<128x16xf32, #tpu.memory_space<vmem>>) target(%dma_start3A_628 : memref<10000x16xf32, #tpu.memory_space<vmem_shared>>) offsets(%dma_start3A_625 : memref<128xi32, #tpu.memory_space<vmem>>) semaphore(%arg19 : memref<!tpu.dma_semaphore, #tpu.memory_space<semaphore_mem>>) {add = true}
    }
    %scan3A_256 = arith.constant 19 : i32
    %dma_wait3A_257 = arith.constant 0 : i32
    %dma_wait3A_258 = arith.constant 0 : i32
    %dma_wait3A_259 = arith.constant 0 : i32
    %dma_wait3A_260 = tpu.memref_slice %arg12[%dma_wait3A_257, %dma_wait3A_258, %dma_wait3A_259] : memref<2x128x128xf32, #tpu.memory_space<vmem>> -> memref<1x128x128xf32, #tpu.memory_space<vmem>>
    %dma_wait3A_261 = tpu.memref_squeeze %dma_wait3A_260 : memref<1x128x128xf32, #tpu.memory_space<vmem>> -> memref<128x128xf32, #tpu.memory_space<vmem>>
    %dma_wait3A_262 = arith.constant 0 : i32
    %dma_wait3A_263 = arith.constant 0 : i32
    %dma_wait3A_264 = tpu.memref_slice %arg3[%dma_wait3A_262, %dma_wait3A_263] : memref<20000x128xf32, #tpu.memory_space<hbm>> -> memref<128x128xf32, #tpu.memory_space<hbm>>
    %dma_wait3A_265 = arith.constant 0 : i32
    %dma_wait3A_266 = arith.constant 0 : i32
    %dma_wait3A_267 = tpu.memref_slice %arg12[%dma_wait3A_257, %dma_wait3A_265, %dma_wait3A_266] : memref<2x128x128xf32, #tpu.memory_space<vmem>> -> memref<1x128x128xf32, #tpu.memory_space<vmem>>
    %dma_wait3A_268 = tpu.memref_squeeze %dma_wait3A_267 : memref<1x128x128xf32, #tpu.memory_space<vmem>> -> memref<128x128xf32, #tpu.memory_space<vmem>>
    %dma_wait3A_269 = arith.constant 0 : i32
    %dma_wait3A_270 = arith.constant 0 : i32
    %dma_wait3A_271 = tpu.memref_slice %arg3[%dma_wait3A_269, %dma_wait3A_270] : memref<20000x128xf32, #tpu.memory_space<hbm>> -> memref<128x128xf32, #tpu.memory_space<hbm>>
    tpu.wait_dma2 semaphore(%arg16 : memref<!tpu.dma_semaphore, #tpu.memory_space<semaphore_mem>>) src(%dma_wait3A_271 : memref<128x128xf32, #tpu.memory_space<hbm>>) dst(%dma_wait3A_268 : memref<128x128xf32, #tpu.memory_space<vmem>>)
    %dma_wait3A_272 = arith.constant 1 : i32
    %dma_wait3A_273 = arith.constant 0 : i32
    %dma_wait3A_274 = arith.constant 0 : i32
    %dma_wait3A_275 = tpu.memref_slice %arg10[%dma_wait3A_273, %dma_wait3A_274] : memref<2x128xi32, #tpu.memory_space<vmem>> -> memref<1x128xi32, #tpu.memory_space<vmem>>
    %dma_wait3A_276 = tpu.memref_squeeze %dma_wait3A_275 : memref<1x128xi32, #tpu.memory_space<vmem>> -> memref<128xi32, #tpu.memory_space<vmem>>
    %dma_wait3A_277 = arith.constant 0 : i32
    %dma_wait3A_278 = tpu.memref_slice %arg5[%dma_wait3A_272, %dma_wait3A_277] : memref<2x160000xi32, #tpu.memory_space<hbm>> -> memref<1x128xi32, #tpu.memory_space<hbm>>
    %dma_wait3A_279 = tpu.memref_squeeze %dma_wait3A_278 : memref<1x128xi32, #tpu.memory_space<hbm>> -> memref<128xi32, #tpu.memory_space<hbm>>
    %dma_wait3A_280 = arith.constant 0 : i32
    %dma_wait3A_281 = tpu.memref_slice %arg10[%dma_wait3A_273, %dma_wait3A_280] : memref<2x128xi32, #tpu.memory_space<vmem>> -> memref<1x128xi32, #tpu.memory_space<vmem>>
    %dma_wait3A_282 = tpu.memref_squeeze %dma_wait3A_281 : memref<1x128xi32, #tpu.memory_space<vmem>> -> memref<128xi32, #tpu.memory_space<vmem>>
    %dma_wait3A_283 = arith.constant 0 : i32
    %dma_wait3A_284 = tpu.memref_slice %arg5[%dma_wait3A_272, %dma_wait3A_283] : memref<2x160000xi32, #tpu.memory_space<hbm>> -> memref<1x128xi32, #tpu.memory_space<hbm>>
    %dma_wait3A_285 = tpu.memref_squeeze %dma_wait3A_284 : memref<1x128xi32, #tpu.memory_space<hbm>> -> memref<128xi32, #tpu.memory_space<hbm>>
    tpu.wait_dma2 semaphore(%arg17 : memref<!tpu.dma_semaphore, #tpu.memory_space<semaphore_mem>>) src(%dma_wait3A_285 : memref<128xi32, #tpu.memory_space<hbm>>) dst(%dma_wait3A_282 : memref<128xi32, #tpu.memory_space<vmem>>)
    %dma_wait3A_286 = arith.constant 0 : i32
    %dma_wait3A_287 = arith.constant 0 : i32
    %dma_wait3A_288 = arith.constant 0 : i32
    %dma_wait3A_289 = tpu.memref_slice %arg12[%dma_wait3A_286, %dma_wait3A_287, %dma_wait3A_288] : memref<2x128x128xf32, #tpu.memory_space<vmem>> -> memref<1x128x128xf32, #tpu.memory_space<vmem>>
    %dma_wait3A_290 = tpu.memref_squeeze %dma_wait3A_289 : memref<1x128x128xf32, #tpu.memory_space<vmem>> -> memref<128x128xf32, #tpu.memory_space<vmem>>
    %dma_wait3A_291 = arith.constant 0 : i32
    %dma_wait3A_292 = arith.constant 0 : i32
    %dma_wait3A_293 = tpu.memref_slice %arg3[%dma_wait3A_291, %dma_wait3A_292] : memref<20000x128xf32, #tpu.memory_space<hbm>> -> memref<128x128xf32, #tpu.memory_space<hbm>>
    %dma_wait3A_294 = arith.constant 0 : i32
    %dma_wait3A_295 = arith.constant 0 : i32
    %dma_wait3A_296 = tpu.memref_slice %arg12[%dma_wait3A_286, %dma_wait3A_294, %dma_wait3A_295] : memref<2x128x128xf32, #tpu.memory_space<vmem>> -> memref<1x128x128xf32, #tpu.memory_space<vmem>>
    %dma_wait3A_297 = tpu.memref_squeeze %dma_wait3A_296 : memref<1x128x128xf32, #tpu.memory_space<vmem>> -> memref<128x128xf32, #tpu.memory_space<vmem>>
    %dma_wait3A_298 = arith.constant 0 : i32
    %dma_wait3A_299 = arith.constant 0 : i32
    %dma_wait3A_300 = tpu.memref_slice %arg3[%dma_wait3A_298, %dma_wait3A_299] : memref<20000x128xf32, #tpu.memory_space<hbm>> -> memref<128x128xf32, #tpu.memory_space<hbm>>
    tpu.wait_dma2 semaphore(%arg18 : memref<!tpu.dma_semaphore, #tpu.memory_space<semaphore_mem>>) src(%dma_wait3A_300 : memref<128x128xf32, #tpu.memory_space<hbm>>) dst(%dma_wait3A_297 : memref<128x128xf32, #tpu.memory_space<vmem>>)
    %dma_wait3A_301 = arith.constant 0 : i32
    %dma_wait3A_302 = arith.constant 0 : i32
    %dma_wait3A_303 = tpu.memref_slice %arg6[%dma_wait3A_301, %dma_wait3A_302] : memref<625x128xf32, #tpu.memory_space<hbm>> -> memref<128x16xf32, #tpu.memory_space<hbm>>
    %dma_wait3A_304 = arith.constant 0 : i32
    %dma_wait3A_305 = arith.constant 0 : i32
    %dma_wait3A_306 = tpu.memref_slice %arg6[%dma_wait3A_304, %dma_wait3A_305] : memref<625x128xf32, #tpu.memory_space<hbm>> -> memref<128x16xf32, #tpu.memory_space<hbm>>
    tpu.wait_dma2 semaphore(%arg19 : memref<!tpu.dma_semaphore, #tpu.memory_space<semaphore_mem>>) src(%dma_wait3A_306 : memref<128x16xf32, #tpu.memory_space<hbm>>) dst(%arg13 : memref<128x16xf32, #tpu.memory_space<vmem>>)
    %run_scoped3A_307 = arith.constant 0 : i32
    %run_scoped3A_308 = arith.constant 0 : i32
    "tpu.region"() ({
      %run_scoped3A_437 = tpu.sem_alloc : memref<!tpu.dma_semaphore, #tpu.memory_space<semaphore_mem>>
      %dma_start3A_438 = arith.constant 0 : i32
      %dma_start3A_439 = arith.constant 0 : i32
      %dma_start3A_440 = tpu.memref_slice %arg12[%run_scoped3A_307, %dma_start3A_438, %dma_start3A_439] : memref<2x128x128xf32, #tpu.memory_space<vmem>> -> memref<1x128x128xf32, #tpu.memory_space<vmem>>
      %dma_start3A_441 = tpu.memref_squeeze %dma_start3A_440 : memref<1x128x128xf32, #tpu.memory_space<vmem>> -> memref<128x128xf32, #tpu.memory_space<vmem>>
      %dma_start3A_442 = arith.constant 0 : i32
      %dma_start3A_443 = tpu.memref_slice %arg10[%run_scoped3A_308, %dma_start3A_442] : memref<2x128xi32, #tpu.memory_space<vmem>> -> memref<1x128xi32, #tpu.memory_space<vmem>>
      %dma_start3A_444 = tpu.memref_squeeze %dma_start3A_443 : memref<1x128xi32, #tpu.memory_space<vmem>> -> memref<128xi32, #tpu.memory_space<vmem>>
      %dma_start3A_445 = arith.constant 0 : i32
      %dma_start3A_446 = arith.constant 0 : i32
      %dma_start3A_447 = tpu.memref_slice %arg14[%dma_start3A_445, %dma_start3A_446] : memref<10000x128xf32, #tpu.memory_space<vmem_shared>> -> memref<10000x128xf32, #tpu.memory_space<vmem_shared>>
      tpu.enqueue_indirect_dma source(%dma_start3A_441 : memref<128x128xf32, #tpu.memory_space<vmem>>) target(%dma_start3A_447 : memref<10000x128xf32, #tpu.memory_space<vmem_shared>>) offsets(%dma_start3A_444 : memref<128xi32, #tpu.memory_space<vmem>>) semaphore(%run_scoped3A_437 : memref<!tpu.dma_semaphore, #tpu.memory_space<semaphore_mem>>) {add = true}
      %dma_wait3A_448 = arith.constant 0 : i32
      %dma_wait3A_449 = arith.constant 0 : i32
      %dma_wait3A_450 = tpu.memref_slice %arg12[%run_scoped3A_307, %dma_wait3A_448, %dma_wait3A_449] : memref<2x128x128xf32, #tpu.memory_space<vmem>> -> memref<1x128x128xf32, #tpu.memory_space<vmem>>
      %dma_wait3A_451 = tpu.memref_squeeze %dma_wait3A_450 : memref<1x128x128xf32, #tpu.memory_space<vmem>> -> memref<128x128xf32, #tpu.memory_space<vmem>>
      %dma_wait3A_452 = arith.constant 0 : i32
      %dma_wait3A_453 = tpu.memref_slice %arg10[%run_scoped3A_308, %dma_wait3A_452] : memref<2x128xi32, #tpu.memory_space<vmem>> -> memref<1x128xi32, #tpu.memory_space<vmem>>
      %dma_wait3A_454 = tpu.memref_squeeze %dma_wait3A_453 : memref<1x128xi32, #tpu.memory_space<vmem>> -> memref<128xi32, #tpu.memory_space<vmem>>
      %dma_wait3A_455 = arith.constant 0 : i32
      %dma_wait3A_456 = arith.constant 0 : i32
      %dma_wait3A_457 = tpu.memref_slice %arg14[%dma_wait3A_455, %dma_wait3A_456] : memref<10000x128xf32, #tpu.memory_space<vmem_shared>> -> memref<10000x128xf32, #tpu.memory_space<vmem_shared>>
      tpu.wait_indirect_dma semaphore(%run_scoped3A_437 : memref<!tpu.dma_semaphore, #tpu.memory_space<semaphore_mem>>) src(%dma_wait3A_451 : memref<128x128xf32, #tpu.memory_space<vmem>>) dst(%dma_wait3A_457 : memref<10000x128xf32, #tpu.memory_space<vmem_shared>>)
      tpu.yield
    }) : () -> ()
    %run_scoped3A_309 = arith.constant 0 : i32
    "tpu.region"() ({
      %run_scoped3A_437 = tpu.sem_alloc : memref<!tpu.dma_semaphore, #tpu.memory_space<semaphore_mem>>
      %dma_start3A_438 = arith.constant 0 : i32
      %dma_start3A_439 = tpu.memref_slice %arg10[%run_scoped3A_309, %dma_start3A_438] : memref<2x128xi32, #tpu.memory_space<vmem>> -> memref<1x128xi32, #tpu.memory_space<vmem>>
      %dma_start3A_440 = tpu.memref_squeeze %dma_start3A_439 : memref<1x128xi32, #tpu.memory_space<vmem>> -> memref<128xi32, #tpu.memory_space<vmem>>
      %dma_start3A_441 = arith.constant 0 : i32
      %dma_start3A_442 = arith.constant 0 : i32
      %dma_start3A_443 = tpu.memref_slice %arg15[%dma_start3A_441, %dma_start3A_442] : memref<10000x16xf32, #tpu.memory_space<vmem_shared>> -> memref<10000x16xf32, #tpu.memory_space<vmem_shared>>
      tpu.enqueue_indirect_dma source(%arg13 : memref<128x16xf32, #tpu.memory_space<vmem>>) target(%dma_start3A_443 : memref<10000x16xf32, #tpu.memory_space<vmem_shared>>) offsets(%dma_start3A_440 : memref<128xi32, #tpu.memory_space<vmem>>) semaphore(%run_scoped3A_437 : memref<!tpu.dma_semaphore, #tpu.memory_space<semaphore_mem>>) {add = true}
      %dma_wait3A_444 = arith.constant 0 : i32
      %dma_wait3A_445 = tpu.memref_slice %arg10[%run_scoped3A_309, %dma_wait3A_444] : memref<2x128xi32, #tpu.memory_space<vmem>> -> memref<1x128xi32, #tpu.memory_space<vmem>>
      %dma_wait3A_446 = tpu.memref_squeeze %dma_wait3A_445 : memref<1x128xi32, #tpu.memory_space<vmem>> -> memref<128xi32, #tpu.memory_space<vmem>>
      %dma_wait3A_447 = arith.constant 0 : i32
      %dma_wait3A_448 = arith.constant 0 : i32
      %dma_wait3A_449 = tpu.memref_slice %arg15[%dma_wait3A_447, %dma_wait3A_448] : memref<10000x16xf32, #tpu.memory_space<vmem_shared>> -> memref<10000x16xf32, #tpu.memory_space<vmem_shared>>
      tpu.wait_indirect_dma semaphore(%run_scoped3A_437 : memref<!tpu.dma_semaphore, #tpu.memory_space<semaphore_mem>>) src(%arg13 : memref<128x16xf32, #tpu.memory_space<vmem>>) dst(%dma_wait3A_449 : memref<10000x16xf32, #tpu.memory_space<vmem_shared>>)
      tpu.yield
    }) : () -> ()
    %add3A_310 = arith.constant 4992 : i32
    %add3A_311 = arith.addi %mul3A_2, %add3A_310 : i32
    %run_scoped3A_312 = arith.constant 0 : i32
    "tpu.region"() ({
      %run_scoped3A_437 = tpu.sem_alloc : memref<!tpu.dma_semaphore, #tpu.memory_space<semaphore_mem>>
      %dma_start3A_438 = arith.constant 0 : i32
      %dma_start3A_439 = tpu.memref_slice %arg9[%dma_start3A_438] : memref<5008xi32, #tpu.memory_space<vmem>> -> memref<5008xi32, #tpu.memory_space<vmem>>
      %dma_start3A_440 = tpu.memref_slice %arg5[%run_scoped3A_312, %add3A_311] : memref<2x160000xi32, #tpu.memory_space<hbm>> -> memref<1x5008xi32, #tpu.memory_space<hbm>>
      %dma_start3A_441 = tpu.memref_squeeze %dma_start3A_440 : memref<1x5008xi32, #tpu.memory_space<hbm>> -> memref<5008xi32, #tpu.memory_space<hbm>>
      %dma_start3A_442 = arith.constant 0 : i32
      %dma_start3A_443 = tpu.memref_slice %arg9[%dma_start3A_442] : memref<5008xi32, #tpu.memory_space<vmem>> -> memref<5008xi32, #tpu.memory_space<vmem>>
      %dma_start3A_444 = tpu.memref_slice %arg5[%run_scoped3A_312, %add3A_311] : memref<2x160000xi32, #tpu.memory_space<hbm>> -> memref<1x5008xi32, #tpu.memory_space<hbm>>
      %dma_start3A_445 = tpu.memref_squeeze %dma_start3A_444 : memref<1x5008xi32, #tpu.memory_space<hbm>> -> memref<5008xi32, #tpu.memory_space<hbm>>
      tpu.enqueue_dma source(%dma_start3A_445 : memref<5008xi32, #tpu.memory_space<hbm>>) target(%dma_start3A_443 : memref<5008xi32, #tpu.memory_space<vmem>>) target_semaphore(%run_scoped3A_437 : memref<!tpu.dma_semaphore, #tpu.memory_space<semaphore_mem>>)
      %dma_wait3A_446 = arith.constant 0 : i32
      %dma_wait3A_447 = tpu.memref_slice %arg9[%dma_wait3A_446] : memref<5008xi32, #tpu.memory_space<vmem>> -> memref<5008xi32, #tpu.memory_space<vmem>>
      %dma_wait3A_448 = tpu.memref_slice %arg5[%run_scoped3A_312, %add3A_311] : memref<2x160000xi32, #tpu.memory_space<hbm>> -> memref<1x5008xi32, #tpu.memory_space<hbm>>
      %dma_wait3A_449 = tpu.memref_squeeze %dma_wait3A_448 : memref<1x5008xi32, #tpu.memory_space<hbm>> -> memref<5008xi32, #tpu.memory_space<hbm>>
      %dma_wait3A_450 = arith.constant 0 : i32
      %dma_wait3A_451 = tpu.memref_slice %arg9[%dma_wait3A_450] : memref<5008xi32, #tpu.memory_space<vmem>> -> memref<5008xi32, #tpu.memory_space<vmem>>
      %dma_wait3A_452 = tpu.memref_slice %arg5[%run_scoped3A_312, %add3A_311] : memref<2x160000xi32, #tpu.memory_space<hbm>> -> memref<1x5008xi32, #tpu.memory_space<hbm>>
      %dma_wait3A_453 = tpu.memref_squeeze %dma_wait3A_452 : memref<1x5008xi32, #tpu.memory_space<hbm>> -> memref<5008xi32, #tpu.memory_space<hbm>>
      tpu.wait_dma2 semaphore(%run_scoped3A_437 : memref<!tpu.dma_semaphore, #tpu.memory_space<semaphore_mem>>) src(%dma_wait3A_453 : memref<5008xi32, #tpu.memory_space<hbm>>) dst(%dma_wait3A_451 : memref<5008xi32, #tpu.memory_space<vmem>>)
      tpu.yield
    }) : () -> ()
    %dma_start3A_313 = arith.constant 0 : i32
    %dma_start3A_314 = arith.constant 0 : i32
    %dma_start3A_315 = arith.constant 0 : i32
    %dma_start3A_316 = tpu.memref_slice %arg12[%dma_start3A_313, %dma_start3A_314, %dma_start3A_315] : memref<2x128x128xf32, #tpu.memory_space<vmem>> -> memref<1x128x128xf32, #tpu.memory_space<vmem>>
    %dma_start3A_317 = tpu.memref_squeeze %dma_start3A_316 : memref<1x128x128xf32, #tpu.memory_space<vmem>> -> memref<128x128xf32, #tpu.memory_space<vmem>>
    %dma_start3A_318 = arith.constant 0 : i32
    %dma_start3A_319 = tpu.memref_slice %arg9[%dma_start3A_318] : memref<5008xi32, #tpu.memory_space<vmem>> -> memref<128xi32, #tpu.memory_space<vmem>>
    %dma_start3A_320 = arith.constant 0 : i32
    %dma_start3A_321 = tpu.memref_slice %arg3[%mul3A_220, %dma_start3A_320] : memref<20000x128xf32, #tpu.memory_space<hbm>> -> memref<10000x128xf32, #tpu.memory_space<hbm>>
    %dma_start3A_322 = arith.constant 0 : i32
    %dma_start3A_323 = arith.constant 0 : i32
    %dma_start3A_324 = tpu.memref_slice %dma_start3A_321[%dma_start3A_322, %dma_start3A_323] : memref<10000x128xf32, #tpu.memory_space<hbm>> -> memref<10000x128xf32, #tpu.memory_space<hbm>>
    tpu.enqueue_indirect_dma source(%dma_start3A_324 : memref<10000x128xf32, #tpu.memory_space<hbm>>) target(%dma_start3A_317 : memref<128x128xf32, #tpu.memory_space<vmem>>) offsets(%dma_start3A_319 : memref<128xi32, #tpu.memory_space<vmem>>) semaphore(%arg16 : memref<!tpu.dma_semaphore, #tpu.memory_space<semaphore_mem>>)
    %add3A_325 = arith.constant 4992 : i32
    %add3A_326 = arith.addi %mul3A_2, %add3A_325 : i32
    %dma_start3A_327 = arith.constant 1 : i32
    %dma_start3A_328 = arith.constant 0 : i32
    %dma_start3A_329 = arith.constant 0 : i32
    %dma_start3A_330 = tpu.memref_slice %arg10[%dma_start3A_328, %dma_start3A_329] : memref<2x128xi32, #tpu.memory_space<vmem>> -> memref<1x128xi32, #tpu.memory_space<vmem>>
    %dma_start3A_331 = tpu.memref_squeeze %dma_start3A_330 : memref<1x128xi32, #tpu.memory_space<vmem>> -> memref<128xi32, #tpu.memory_space<vmem>>
    %dma_start3A_332 = tpu.memref_slice %arg5[%dma_start3A_327, %add3A_326] : memref<2x160000xi32, #tpu.memory_space<hbm>> -> memref<1x128xi32, #tpu.memory_space<hbm>>
    %dma_start3A_333 = tpu.memref_squeeze %dma_start3A_332 : memref<1x128xi32, #tpu.memory_space<hbm>> -> memref<128xi32, #tpu.memory_space<hbm>>
    %dma_start3A_334 = arith.constant 0 : i32
    %dma_start3A_335 = tpu.memref_slice %arg10[%dma_start3A_328, %dma_start3A_334] : memref<2x128xi32, #tpu.memory_space<vmem>> -> memref<1x128xi32, #tpu.memory_space<vmem>>
    %dma_start3A_336 = tpu.memref_squeeze %dma_start3A_335 : memref<1x128xi32, #tpu.memory_space<vmem>> -> memref<128xi32, #tpu.memory_space<vmem>>
    %dma_start3A_337 = tpu.memref_slice %arg5[%dma_start3A_327, %add3A_326] : memref<2x160000xi32, #tpu.memory_space<hbm>> -> memref<1x128xi32, #tpu.memory_space<hbm>>
    %dma_start3A_338 = tpu.memref_squeeze %dma_start3A_337 : memref<1x128xi32, #tpu.memory_space<hbm>> -> memref<128xi32, #tpu.memory_space<hbm>>
    tpu.enqueue_dma source(%dma_start3A_338 : memref<128xi32, #tpu.memory_space<hbm>>) target(%dma_start3A_336 : memref<128xi32, #tpu.memory_space<vmem>>) target_semaphore(%arg17 : memref<!tpu.dma_semaphore, #tpu.memory_space<semaphore_mem>>)
    %scan3A_339 = arith.constant 0 : i32
    %scan3A_340 = arith.constant 0 : i32
    %scan3A_341 = arith.constant 19 : i32
    %scan3A_342 = arith.addi %scan3A_340, %scan3A_341 : i32
    %scan3A_343 = arith.constant 1 : i32
    scf.for %scan3A_437 = %scan3A_340 to %scan3A_342 step %scan3A_343  : i32 {
      %mul3A_438 = arith.constant 2 : i32
      %mul3A_439 = arith.muli %mul3A_438, %scan3A_437 : i32
      %dma_wait3A_440 = arith.constant 0 : i32
      %dma_wait3A_441 = arith.constant 0 : i32
      %dma_wait3A_442 = arith.constant 0 : i32
      %dma_wait3A_443 = tpu.memref_slice %arg12[%dma_wait3A_440, %dma_wait3A_441, %dma_wait3A_442] : memref<2x128x128xf32, #tpu.memory_space<vmem>> -> memref<1x128x128xf32, #tpu.memory_space<vmem>>
      %dma_wait3A_444 = tpu.memref_squeeze %dma_wait3A_443 : memref<1x128x128xf32, #tpu.memory_space<vmem>> -> memref<128x128xf32, #tpu.memory_space<vmem>>
      %dma_wait3A_445 = arith.constant 0 : i32
      %dma_wait3A_446 = arith.constant 0 : i32
      %dma_wait3A_447 = tpu.memref_slice %arg3[%dma_wait3A_445, %dma_wait3A_446] : memref<20000x128xf32, #tpu.memory_space<hbm>> -> memref<128x128xf32, #tpu.memory_space<hbm>>
      %dma_wait3A_448 = arith.constant 0 : i32
      %dma_wait3A_449 = arith.constant 0 : i32
      %dma_wait3A_450 = tpu.memref_slice %arg12[%dma_wait3A_440, %dma_wait3A_448, %dma_wait3A_449] : memref<2x128x128xf32, #tpu.memory_space<vmem>> -> memref<1x128x128xf32, #tpu.memory_space<vmem>>
      %dma_wait3A_451 = tpu.memref_squeeze %dma_wait3A_450 : memref<1x128x128xf32, #tpu.memory_space<vmem>> -> memref<128x128xf32, #tpu.memory_space<vmem>>
      %dma_wait3A_452 = arith.constant 0 : i32
      %dma_wait3A_453 = arith.constant 0 : i32
      %dma_wait3A_454 = tpu.memref_slice %arg3[%dma_wait3A_452, %dma_wait3A_453] : memref<20000x128xf32, #tpu.memory_space<hbm>> -> memref<128x128xf32, #tpu.memory_space<hbm>>
      tpu.wait_dma2 semaphore(%arg16 : memref<!tpu.dma_semaphore, #tpu.memory_space<semaphore_mem>>) src(%dma_wait3A_454 : memref<128x128xf32, #tpu.memory_space<hbm>>) dst(%dma_wait3A_451 : memref<128x128xf32, #tpu.memory_space<vmem>>)
      %dma_wait3A_455 = arith.constant 1 : i32
      %dma_wait3A_456 = arith.constant 0 : i32
      %dma_wait3A_457 = arith.constant 0 : i32
      %dma_wait3A_458 = tpu.memref_slice %arg10[%dma_wait3A_456, %dma_wait3A_457] : memref<2x128xi32, #tpu.memory_space<vmem>> -> memref<1x128xi32, #tpu.memory_space<vmem>>
      %dma_wait3A_459 = tpu.memref_squeeze %dma_wait3A_458 : memref<1x128xi32, #tpu.memory_space<vmem>> -> memref<128xi32, #tpu.memory_space<vmem>>
      %dma_wait3A_460 = arith.constant 0 : i32
      %dma_wait3A_461 = tpu.memref_slice %arg5[%dma_wait3A_455, %dma_wait3A_460] : memref<2x160000xi32, #tpu.memory_space<hbm>> -> memref<1x128xi32, #tpu.memory_space<hbm>>
      %dma_wait3A_462 = tpu.memref_squeeze %dma_wait3A_461 : memref<1x128xi32, #tpu.memory_space<hbm>> -> memref<128xi32, #tpu.memory_space<hbm>>
      %dma_wait3A_463 = arith.constant 0 : i32
      %dma_wait3A_464 = tpu.memref_slice %arg10[%dma_wait3A_456, %dma_wait3A_463] : memref<2x128xi32, #tpu.memory_space<vmem>> -> memref<1x128xi32, #tpu.memory_space<vmem>>
      %dma_wait3A_465 = tpu.memref_squeeze %dma_wait3A_464 : memref<1x128xi32, #tpu.memory_space<vmem>> -> memref<128xi32, #tpu.memory_space<vmem>>
      %dma_wait3A_466 = arith.constant 0 : i32
      %dma_wait3A_467 = tpu.memref_slice %arg5[%dma_wait3A_455, %dma_wait3A_466] : memref<2x160000xi32, #tpu.memory_space<hbm>> -> memref<1x128xi32, #tpu.memory_space<hbm>>
      %dma_wait3A_468 = tpu.memref_squeeze %dma_wait3A_467 : memref<1x128xi32, #tpu.memory_space<hbm>> -> memref<128xi32, #tpu.memory_space<hbm>>
      tpu.wait_dma2 semaphore(%arg17 : memref<!tpu.dma_semaphore, #tpu.memory_space<semaphore_mem>>) src(%dma_wait3A_468 : memref<128xi32, #tpu.memory_space<hbm>>) dst(%dma_wait3A_465 : memref<128xi32, #tpu.memory_space<vmem>>)
      %gt3A = arith.constant 0 : i32
      %gt3A_469 = arith.cmpi sgt, %scan3A_437, %gt3A : i32
      %convert_element_type3A_470 = arith.extui %gt3A_469 : i1 to i32
      %cond3A_471 = arith.constant 0 : i32
      %cond3A_472 = arith.cmpi ne, %convert_element_type3A_470, %cond3A_471 : i32
      scf.if %cond3A_472 {
        %dma_wait3A_629 = arith.constant 0 : i32
        %dma_wait3A_630 = arith.constant 0 : i32
        %dma_wait3A_631 = arith.constant 0 : i32
        %dma_wait3A_632 = tpu.memref_slice %arg12[%dma_wait3A_629, %dma_wait3A_630, %dma_wait3A_631] : memref<2x128x128xf32, #tpu.memory_space<vmem>> -> memref<1x128x128xf32, #tpu.memory_space<vmem>>
        %dma_wait3A_633 = tpu.memref_squeeze %dma_wait3A_632 : memref<1x128x128xf32, #tpu.memory_space<vmem>> -> memref<128x128xf32, #tpu.memory_space<vmem>>
        %dma_wait3A_634 = arith.constant 0 : i32
        %dma_wait3A_635 = arith.constant 0 : i32
        %dma_wait3A_636 = tpu.memref_slice %arg3[%dma_wait3A_634, %dma_wait3A_635] : memref<20000x128xf32, #tpu.memory_space<hbm>> -> memref<128x128xf32, #tpu.memory_space<hbm>>
        %dma_wait3A_637 = arith.constant 0 : i32
        %dma_wait3A_638 = arith.constant 0 : i32
        %dma_wait3A_639 = tpu.memref_slice %arg12[%dma_wait3A_629, %dma_wait3A_637, %dma_wait3A_638] : memref<2x128x128xf32, #tpu.memory_space<vmem>> -> memref<1x128x128xf32, #tpu.memory_space<vmem>>
        %dma_wait3A_640 = tpu.memref_squeeze %dma_wait3A_639 : memref<1x128x128xf32, #tpu.memory_space<vmem>> -> memref<128x128xf32, #tpu.memory_space<vmem>>
        %dma_wait3A_641 = arith.constant 0 : i32
        %dma_wait3A_642 = arith.constant 0 : i32
        %dma_wait3A_643 = tpu.memref_slice %arg3[%dma_wait3A_641, %dma_wait3A_642] : memref<20000x128xf32, #tpu.memory_space<hbm>> -> memref<128x128xf32, #tpu.memory_space<hbm>>
        tpu.wait_dma2 semaphore(%arg18 : memref<!tpu.dma_semaphore, #tpu.memory_space<semaphore_mem>>) src(%dma_wait3A_643 : memref<128x128xf32, #tpu.memory_space<hbm>>) dst(%dma_wait3A_640 : memref<128x128xf32, #tpu.memory_space<vmem>>)
        %dma_wait3A_644 = arith.constant 0 : i32
        %dma_wait3A_645 = arith.constant 0 : i32
        %dma_wait3A_646 = tpu.memref_slice %arg6[%dma_wait3A_644, %dma_wait3A_645] : memref<625x128xf32, #tpu.memory_space<hbm>> -> memref<128x16xf32, #tpu.memory_space<hbm>>
        %dma_wait3A_647 = arith.constant 0 : i32
        %dma_wait3A_648 = arith.constant 0 : i32
        %dma_wait3A_649 = tpu.memref_slice %arg6[%dma_wait3A_647, %dma_wait3A_648] : memref<625x128xf32, #tpu.memory_space<hbm>> -> memref<128x16xf32, #tpu.memory_space<hbm>>
        tpu.wait_dma2 semaphore(%arg19 : memref<!tpu.dma_semaphore, #tpu.memory_space<semaphore_mem>>) src(%dma_wait3A_649 : memref<128x16xf32, #tpu.memory_space<hbm>>) dst(%arg13 : memref<128x16xf32, #tpu.memory_space<vmem>>)
      } else {
      }
      %add3A_473 = arith.constant 1 : i32
      %add3A_474 = arith.addi %mul3A_439, %add3A_473 : i32
      %add3A_475 = arith.constant 39 : i32
      %add3A_476 = arith.addi %add3A_475, %mul3A_439 : i32
      %add3A_477 = arith.constant 1 : i32
      %add3A_478 = arith.addi %add3A_476, %add3A_477 : i32
      %mul3A_479 = arith.constant 128 : i32
      %mul3A_480 = arith.muli %add3A_474, %mul3A_479 : i32
      %dma_start3A_481 = arith.constant 1 : i32
      %dma_start3A_482 = arith.constant 0 : i32
      %dma_start3A_483 = arith.constant 0 : i32
      %dma_start3A_484 = tpu.memref_slice %arg12[%dma_start3A_481, %dma_start3A_482, %dma_start3A_483] : memref<2x128x128xf32, #tpu.memory_space<vmem>> -> memref<1x128x128xf32, #tpu.memory_space<vmem>>
      %dma_start3A_485 = tpu.memref_squeeze %dma_start3A_484 : memref<1x128x128xf32, #tpu.memory_space<vmem>> -> memref<128x128xf32, #tpu.memory_space<vmem>>
      %dma_start3A_486 = tpu.memref_slice %arg9[%mul3A_480] : memref<5008xi32, #tpu.memory_space<vmem>> -> memref<128xi32, #tpu.memory_space<vmem>>
      %dma_start3A_487 = arith.constant 0 : i32
      %dma_start3A_488 = tpu.memref_slice %arg3[%mul3A_220, %dma_start3A_487] : memref<20000x128xf32, #tpu.memory_space<hbm>> -> memref<10000x128xf32, #tpu.memory_space<hbm>>
      %dma_start3A_489 = arith.constant 0 : i32
      %dma_start3A_490 = arith.constant 0 : i32
      %dma_start3A_491 = tpu.memref_slice %dma_start3A_488[%dma_start3A_489, %dma_start3A_490] : memref<10000x128xf32, #tpu.memory_space<hbm>> -> memref<10000x128xf32, #tpu.memory_space<hbm>>
      tpu.enqueue_indirect_dma source(%dma_start3A_491 : memref<10000x128xf32, #tpu.memory_space<hbm>>) target(%dma_start3A_485 : memref<128x128xf32, #tpu.memory_space<vmem>>) offsets(%dma_start3A_486 : memref<128xi32, #tpu.memory_space<vmem>>) semaphore(%arg16 : memref<!tpu.dma_semaphore, #tpu.memory_space<semaphore_mem>>)
      %mul3A_492 = arith.constant 128 : i32
      %mul3A_493 = arith.muli %add3A_478, %mul3A_492 : i32
      %add3A_494 = arith.addi %mul3A_2, %mul3A_493 : i32
      %dma_start3A_495 = arith.constant 1 : i32
      %dma_start3A_496 = arith.constant 1 : i32
      %dma_start3A_497 = arith.constant 0 : i32
      %dma_start3A_498 = tpu.memref_slice %arg10[%dma_start3A_496, %dma_start3A_497] : memref<2x128xi32, #tpu.memory_space<vmem>> -> memref<1x128xi32, #tpu.memory_space<vmem>>
      %dma_start3A_499 = tpu.memref_squeeze %dma_start3A_498 : memref<1x128xi32, #tpu.memory_space<vmem>> -> memref<128xi32, #tpu.memory_space<vmem>>
      %dma_start3A_500 = tpu.memref_slice %arg5[%dma_start3A_495, %add3A_494] : memref<2x160000xi32, #tpu.memory_space<hbm>> -> memref<1x128xi32, #tpu.memory_space<hbm>>
      %dma_start3A_501 = tpu.memref_squeeze %dma_start3A_500 : memref<1x128xi32, #tpu.memory_space<hbm>> -> memref<128xi32, #tpu.memory_space<hbm>>
      %dma_start3A_502 = arith.constant 0 : i32
      %dma_start3A_503 = tpu.memref_slice %arg10[%dma_start3A_496, %dma_start3A_502] : memref<2x128xi32, #tpu.memory_space<vmem>> -> memref<1x128xi32, #tpu.memory_space<vmem>>
      %dma_start3A_504 = tpu.memref_squeeze %dma_start3A_503 : memref<1x128xi32, #tpu.memory_space<vmem>> -> memref<128xi32, #tpu.memory_space<vmem>>
      %dma_start3A_505 = tpu.memref_slice %arg5[%dma_start3A_495, %add3A_494] : memref<2x160000xi32, #tpu.memory_space<hbm>> -> memref<1x128xi32, #tpu.memory_space<hbm>>
      %dma_start3A_506 = tpu.memref_squeeze %dma_start3A_505 : memref<1x128xi32, #tpu.memory_space<hbm>> -> memref<128xi32, #tpu.memory_space<hbm>>
      tpu.enqueue_dma source(%dma_start3A_506 : memref<128xi32, #tpu.memory_space<hbm>>) target(%dma_start3A_504 : memref<128xi32, #tpu.memory_space<vmem>>) target_semaphore(%arg17 : memref<!tpu.dma_semaphore, #tpu.memory_space<semaphore_mem>>)
      %dma_start3A_507 = arith.constant 0 : i32
      %dma_start3A_508 = arith.constant 0 : i32
      %dma_start3A_509 = arith.constant 0 : i32
      %dma_start3A_510 = arith.constant 0 : i32
      %dma_start3A_511 = tpu.memref_slice %arg12[%dma_start3A_507, %dma_start3A_509, %dma_start3A_510] : memref<2x128x128xf32, #tpu.memory_space<vmem>> -> memref<1x128x128xf32, #tpu.memory_space<vmem>>
      %dma_start3A_512 = tpu.memref_squeeze %dma_start3A_511 : memref<1x128x128xf32, #tpu.memory_space<vmem>> -> memref<128x128xf32, #tpu.memory_space<vmem>>
      %dma_start3A_513 = arith.constant 0 : i32
      %dma_start3A_514 = tpu.memref_slice %arg10[%dma_start3A_508, %dma_start3A_513] : memref<2x128xi32, #tpu.memory_space<vmem>> -> memref<1x128xi32, #tpu.memory_space<vmem>>
      %dma_start3A_515 = tpu.memref_squeeze %dma_start3A_514 : memref<1x128xi32, #tpu.memory_space<vmem>> -> memref<128xi32, #tpu.memory_space<vmem>>
      %dma_start3A_516 = arith.constant 0 : i32
      %dma_start3A_517 = arith.constant 0 : i32
      %dma_start3A_518 = tpu.memref_slice %arg14[%dma_start3A_516, %dma_start3A_517] : memref<10000x128xf32, #tpu.memory_space<vmem_shared>> -> memref<10000x128xf32, #tpu.memory_space<vmem_shared>>
      tpu.enqueue_indirect_dma source(%dma_start3A_512 : memref<128x128xf32, #tpu.memory_space<vmem>>) target(%dma_start3A_518 : memref<10000x128xf32, #tpu.memory_space<vmem_shared>>) offsets(%dma_start3A_515 : memref<128xi32, #tpu.memory_space<vmem>>) semaphore(%arg18 : memref<!tpu.dma_semaphore, #tpu.memory_space<semaphore_mem>>) {add = true}
      %dma_start3A_519 = arith.constant 0 : i32
      %dma_start3A_520 = arith.constant 0 : i32
      %dma_start3A_521 = tpu.memref_slice %arg10[%dma_start3A_519, %dma_start3A_520] : memref<2x128xi32, #tpu.memory_space<vmem>> -> memref<1x128xi32, #tpu.memory_space<vmem>>
      %dma_start3A_522 = tpu.memref_squeeze %dma_start3A_521 : memref<1x128xi32, #tpu.memory_space<vmem>> -> memref<128xi32, #tpu.memory_space<vmem>>
      %dma_start3A_523 = arith.constant 0 : i32
      %dma_start3A_524 = arith.constant 0 : i32
      %dma_start3A_525 = tpu.memref_slice %arg15[%dma_start3A_523, %dma_start3A_524] : memref<10000x16xf32, #tpu.memory_space<vmem_shared>> -> memref<10000x16xf32, #tpu.memory_space<vmem_shared>>
      tpu.enqueue_indirect_dma source(%arg13 : memref<128x16xf32, #tpu.memory_space<vmem>>) target(%dma_start3A_525 : memref<10000x16xf32, #tpu.memory_space<vmem_shared>>) offsets(%dma_start3A_522 : memref<128xi32, #tpu.memory_space<vmem>>) semaphore(%arg19 : memref<!tpu.dma_semaphore, #tpu.memory_space<semaphore_mem>>) {add = true}
      %dma_wait3A_526 = arith.constant 1 : i32
      %dma_wait3A_527 = arith.constant 0 : i32
      %dma_wait3A_528 = arith.constant 0 : i32
      %dma_wait3A_529 = tpu.memref_slice %arg12[%dma_wait3A_526, %dma_wait3A_527, %dma_wait3A_528] : memref<2x128x128xf32, #tpu.memory_space<vmem>> -> memref<1x128x128xf32, #tpu.memory_space<vmem>>
      %dma_wait3A_530 = tpu.memref_squeeze %dma_wait3A_529 : memref<1x128x128xf32, #tpu.memory_space<vmem>> -> memref<128x128xf32, #tpu.memory_space<vmem>>
      %dma_wait3A_531 = arith.constant 0 : i32
      %dma_wait3A_532 = arith.constant 0 : i32
      %dma_wait3A_533 = tpu.memref_slice %arg3[%dma_wait3A_531, %dma_wait3A_532] : memref<20000x128xf32, #tpu.memory_space<hbm>> -> memref<128x128xf32, #tpu.memory_space<hbm>>
      %dma_wait3A_534 = arith.constant 0 : i32
      %dma_wait3A_535 = arith.constant 0 : i32
      %dma_wait3A_536 = tpu.memref_slice %arg12[%dma_wait3A_526, %dma_wait3A_534, %dma_wait3A_535] : memref<2x128x128xf32, #tpu.memory_space<vmem>> -> memref<1x128x128xf32, #tpu.memory_space<vmem>>
      %dma_wait3A_537 = tpu.memref_squeeze %dma_wait3A_536 : memref<1x128x128xf32, #tpu.memory_space<vmem>> -> memref<128x128xf32, #tpu.memory_space<vmem>>
      %dma_wait3A_538 = arith.constant 0 : i32
      %dma_wait3A_539 = arith.constant 0 : i32
      %dma_wait3A_540 = tpu.memref_slice %arg3[%dma_wait3A_538, %dma_wait3A_539] : memref<20000x128xf32, #tpu.memory_space<hbm>> -> memref<128x128xf32, #tpu.memory_space<hbm>>
      tpu.wait_dma2 semaphore(%arg16 : memref<!tpu.dma_semaphore, #tpu.memory_space<semaphore_mem>>) src(%dma_wait3A_540 : memref<128x128xf32, #tpu.memory_space<hbm>>) dst(%dma_wait3A_537 : memref<128x128xf32, #tpu.memory_space<vmem>>)
      %dma_wait3A_541 = arith.constant 1 : i32
      %dma_wait3A_542 = arith.constant 1 : i32
      %dma_wait3A_543 = arith.constant 0 : i32
      %dma_wait3A_544 = tpu.memref_slice %arg10[%dma_wait3A_542, %dma_wait3A_543] : memref<2x128xi32, #tpu.memory_space<vmem>> -> memref<1x128xi32, #tpu.memory_space<vmem>>
      %dma_wait3A_545 = tpu.memref_squeeze %dma_wait3A_544 : memref<1x128xi32, #tpu.memory_space<vmem>> -> memref<128xi32, #tpu.memory_space<vmem>>
      %dma_wait3A_546 = arith.constant 0 : i32
      %dma_wait3A_547 = tpu.memref_slice %arg5[%dma_wait3A_541, %dma_wait3A_546] : memref<2x160000xi32, #tpu.memory_space<hbm>> -> memref<1x128xi32, #tpu.memory_space<hbm>>
      %dma_wait3A_548 = tpu.memref_squeeze %dma_wait3A_547 : memref<1x128xi32, #tpu.memory_space<hbm>> -> memref<128xi32, #tpu.memory_space<hbm>>
      %dma_wait3A_549 = arith.constant 0 : i32
      %dma_wait3A_550 = tpu.memref_slice %arg10[%dma_wait3A_542, %dma_wait3A_549] : memref<2x128xi32, #tpu.memory_space<vmem>> -> memref<1x128xi32, #tpu.memory_space<vmem>>
      %dma_wait3A_551 = tpu.memref_squeeze %dma_wait3A_550 : memref<1x128xi32, #tpu.memory_space<vmem>> -> memref<128xi32, #tpu.memory_space<vmem>>
      %dma_wait3A_552 = arith.constant 0 : i32
      %dma_wait3A_553 = tpu.memref_slice %arg5[%dma_wait3A_541, %dma_wait3A_552] : memref<2x160000xi32, #tpu.memory_space<hbm>> -> memref<1x128xi32, #tpu.memory_space<hbm>>
      %dma_wait3A_554 = tpu.memref_squeeze %dma_wait3A_553 : memref<1x128xi32, #tpu.memory_space<hbm>> -> memref<128xi32, #tpu.memory_space<hbm>>
      tpu.wait_dma2 semaphore(%arg17 : memref<!tpu.dma_semaphore, #tpu.memory_space<semaphore_mem>>) src(%dma_wait3A_554 : memref<128xi32, #tpu.memory_space<hbm>>) dst(%dma_wait3A_551 : memref<128xi32, #tpu.memory_space<vmem>>)
      %dma_wait3A_555 = arith.constant 0 : i32
      %dma_wait3A_556 = arith.constant 0 : i32
      %dma_wait3A_557 = arith.constant 0 : i32
      %dma_wait3A_558 = tpu.memref_slice %arg12[%dma_wait3A_555, %dma_wait3A_556, %dma_wait3A_557] : memref<2x128x128xf32, #tpu.memory_space<vmem>> -> memref<1x128x128xf32, #tpu.memory_space<vmem>>
      %dma_wait3A_559 = tpu.memref_squeeze %dma_wait3A_558 : memref<1x128x128xf32, #tpu.memory_space<vmem>> -> memref<128x128xf32, #tpu.memory_space<vmem>>
      %dma_wait3A_560 = arith.constant 0 : i32
      %dma_wait3A_561 = arith.constant 0 : i32
      %dma_wait3A_562 = tpu.memref_slice %arg3[%dma_wait3A_560, %dma_wait3A_561] : memref<20000x128xf32, #tpu.memory_space<hbm>> -> memref<128x128xf32, #tpu.memory_space<hbm>>
      %dma_wait3A_563 = arith.constant 0 : i32
      %dma_wait3A_564 = arith.constant 0 : i32
      %dma_wait3A_565 = tpu.memref_slice %arg12[%dma_wait3A_555, %dma_wait3A_563, %dma_wait3A_564] : memref<2x128x128xf32, #tpu.memory_space<vmem>> -> memref<1x128x128xf32, #tpu.memory_space<vmem>>
      %dma_wait3A_566 = tpu.memref_squeeze %dma_wait3A_565 : memref<1x128x128xf32, #tpu.memory_space<vmem>> -> memref<128x128xf32, #tpu.memory_space<vmem>>
      %dma_wait3A_567 = arith.constant 0 : i32
      %dma_wait3A_568 = arith.constant 0 : i32
      %dma_wait3A_569 = tpu.memref_slice %arg3[%dma_wait3A_567, %dma_wait3A_568] : memref<20000x128xf32, #tpu.memory_space<hbm>> -> memref<128x128xf32, #tpu.memory_space<hbm>>
      tpu.wait_dma2 semaphore(%arg18 : memref<!tpu.dma_semaphore, #tpu.memory_space<semaphore_mem>>) src(%dma_wait3A_569 : memref<128x128xf32, #tpu.memory_space<hbm>>) dst(%dma_wait3A_566 : memref<128x128xf32, #tpu.memory_space<vmem>>)
      %dma_wait3A_570 = arith.constant 0 : i32
      %dma_wait3A_571 = arith.constant 0 : i32
      %dma_wait3A_572 = tpu.memref_slice %arg6[%dma_wait3A_570, %dma_wait3A_571] : memref<625x128xf32, #tpu.memory_space<hbm>> -> memref<128x16xf32, #tpu.memory_space<hbm>>
      %dma_wait3A_573 = arith.constant 0 : i32
      %dma_wait3A_574 = arith.constant 0 : i32
      %dma_wait3A_575 = tpu.memref_slice %arg6[%dma_wait3A_573, %dma_wait3A_574] : memref<625x128xf32, #tpu.memory_space<hbm>> -> memref<128x16xf32, #tpu.memory_space<hbm>>
      tpu.wait_dma2 semaphore(%arg19 : memref<!tpu.dma_semaphore, #tpu.memory_space<semaphore_mem>>) src(%dma_wait3A_575 : memref<128x16xf32, #tpu.memory_space<hbm>>) dst(%arg13 : memref<128x16xf32, #tpu.memory_space<vmem>>)
      %add3A_576 = arith.constant 2 : i32
      %add3A_577 = arith.addi %mul3A_439, %add3A_576 : i32
      %add3A_578 = arith.constant 39 : i32
      %add3A_579 = arith.addi %add3A_578, %mul3A_439 : i32
      %add3A_580 = arith.constant 2 : i32
      %add3A_581 = arith.addi %add3A_579, %add3A_580 : i32
      %mul3A_582 = arith.constant 128 : i32
      %mul3A_583 = arith.muli %add3A_577, %mul3A_582 : i32
      %dma_start3A_584 = arith.constant 0 : i32
      %dma_start3A_585 = arith.constant 0 : i32
      %dma_start3A_586 = arith.constant 0 : i32
      %dma_start3A_587 = tpu.memref_slice %arg12[%dma_start3A_584, %dma_start3A_585, %dma_start3A_586] : memref<2x128x128xf32, #tpu.memory_space<vmem>> -> memref<1x128x128xf32, #tpu.memory_space<vmem>>
      %dma_start3A_588 = tpu.memref_squeeze %dma_start3A_587 : memref<1x128x128xf32, #tpu.memory_space<vmem>> -> memref<128x128xf32, #tpu.memory_space<vmem>>
      %dma_start3A_589 = tpu.memref_slice %arg9[%mul3A_583] : memref<5008xi32, #tpu.memory_space<vmem>> -> memref<128xi32, #tpu.memory_space<vmem>>
      %dma_start3A_590 = arith.constant 0 : i32
      %dma_start3A_591 = tpu.memref_slice %arg3[%mul3A_220, %dma_start3A_590] : memref<20000x128xf32, #tpu.memory_space<hbm>> -> memref<10000x128xf32, #tpu.memory_space<hbm>>
      %dma_start3A_592 = arith.constant 0 : i32
      %dma_start3A_593 = arith.constant 0 : i32
      %dma_start3A_594 = tpu.memref_slice %dma_start3A_591[%dma_start3A_592, %dma_start3A_593] : memref<10000x128xf32, #tpu.memory_space<hbm>> -> memref<10000x128xf32, #tpu.memory_space<hbm>>
      tpu.enqueue_indirect_dma source(%dma_start3A_594 : memref<10000x128xf32, #tpu.memory_space<hbm>>) target(%dma_start3A_588 : memref<128x128xf32, #tpu.memory_space<vmem>>) offsets(%dma_start3A_589 : memref<128xi32, #tpu.memory_space<vmem>>) semaphore(%arg16 : memref<!tpu.dma_semaphore, #tpu.memory_space<semaphore_mem>>)
      %mul3A_595 = arith.constant 128 : i32
      %mul3A_596 = arith.muli %add3A_581, %mul3A_595 : i32
      %add3A_597 = arith.addi %mul3A_2, %mul3A_596 : i32
      %dma_start3A_598 = arith.constant 1 : i32
      %dma_start3A_599 = arith.constant 0 : i32
      %dma_start3A_600 = arith.constant 0 : i32
      %dma_start3A_601 = tpu.memref_slice %arg10[%dma_start3A_599, %dma_start3A_600] : memref<2x128xi32, #tpu.memory_space<vmem>> -> memref<1x128xi32, #tpu.memory_space<vmem>>
      %dma_start3A_602 = tpu.memref_squeeze %dma_start3A_601 : memref<1x128xi32, #tpu.memory_space<vmem>> -> memref<128xi32, #tpu.memory_space<vmem>>
      %dma_start3A_603 = tpu.memref_slice %arg5[%dma_start3A_598, %add3A_597] : memref<2x160000xi32, #tpu.memory_space<hbm>> -> memref<1x128xi32, #tpu.memory_space<hbm>>
      %dma_start3A_604 = tpu.memref_squeeze %dma_start3A_603 : memref<1x128xi32, #tpu.memory_space<hbm>> -> memref<128xi32, #tpu.memory_space<hbm>>
      %dma_start3A_605 = arith.constant 0 : i32
      %dma_start3A_606 = tpu.memref_slice %arg10[%dma_start3A_599, %dma_start3A_605] : memref<2x128xi32, #tpu.memory_space<vmem>> -> memref<1x128xi32, #tpu.memory_space<vmem>>
      %dma_start3A_607 = tpu.memref_squeeze %dma_start3A_606 : memref<1x128xi32, #tpu.memory_space<vmem>> -> memref<128xi32, #tpu.memory_space<vmem>>
      %dma_start3A_608 = tpu.memref_slice %arg5[%dma_start3A_598, %add3A_597] : memref<2x160000xi32, #tpu.memory_space<hbm>> -> memref<1x128xi32, #tpu.memory_space<hbm>>
      %dma_start3A_609 = tpu.memref_squeeze %dma_start3A_608 : memref<1x128xi32, #tpu.memory_space<hbm>> -> memref<128xi32, #tpu.memory_space<hbm>>
      tpu.enqueue_dma source(%dma_start3A_609 : memref<128xi32, #tpu.memory_space<hbm>>) target(%dma_start3A_607 : memref<128xi32, #tpu.memory_space<vmem>>) target_semaphore(%arg17 : memref<!tpu.dma_semaphore, #tpu.memory_space<semaphore_mem>>)
      %dma_start3A_610 = arith.constant 1 : i32
      %dma_start3A_611 = arith.constant 1 : i32
      %dma_start3A_612 = arith.constant 0 : i32
      %dma_start3A_613 = arith.constant 0 : i32
      %dma_start3A_614 = tpu.memref_slice %arg12[%dma_start3A_610, %dma_start3A_612, %dma_start3A_613] : memref<2x128x128xf32, #tpu.memory_space<vmem>> -> memref<1x128x128xf32, #tpu.memory_space<vmem>>
      %dma_start3A_615 = tpu.memref_squeeze %dma_start3A_614 : memref<1x128x128xf32, #tpu.memory_space<vmem>> -> memref<128x128xf32, #tpu.memory_space<vmem>>
      %dma_start3A_616 = arith.constant 0 : i32
      %dma_start3A_617 = tpu.memref_slice %arg10[%dma_start3A_611, %dma_start3A_616] : memref<2x128xi32, #tpu.memory_space<vmem>> -> memref<1x128xi32, #tpu.memory_space<vmem>>
      %dma_start3A_618 = tpu.memref_squeeze %dma_start3A_617 : memref<1x128xi32, #tpu.memory_space<vmem>> -> memref<128xi32, #tpu.memory_space<vmem>>
      %dma_start3A_619 = arith.constant 0 : i32
      %dma_start3A_620 = arith.constant 0 : i32
      %dma_start3A_621 = tpu.memref_slice %arg14[%dma_start3A_619, %dma_start3A_620] : memref<10000x128xf32, #tpu.memory_space<vmem_shared>> -> memref<10000x128xf32, #tpu.memory_space<vmem_shared>>
      tpu.enqueue_indirect_dma source(%dma_start3A_615 : memref<128x128xf32, #tpu.memory_space<vmem>>) target(%dma_start3A_621 : memref<10000x128xf32, #tpu.memory_space<vmem_shared>>) offsets(%dma_start3A_618 : memref<128xi32, #tpu.memory_space<vmem>>) semaphore(%arg18 : memref<!tpu.dma_semaphore, #tpu.memory_space<semaphore_mem>>) {add = true}
      %dma_start3A_622 = arith.constant 1 : i32
      %dma_start3A_623 = arith.constant 0 : i32
      %dma_start3A_624 = tpu.memref_slice %arg10[%dma_start3A_622, %dma_start3A_623] : memref<2x128xi32, #tpu.memory_space<vmem>> -> memref<1x128xi32, #tpu.memory_space<vmem>>
      %dma_start3A_625 = tpu.memref_squeeze %dma_start3A_624 : memref<1x128xi32, #tpu.memory_space<vmem>> -> memref<128xi32, #tpu.memory_space<vmem>>
      %dma_start3A_626 = arith.constant 0 : i32
      %dma_start3A_627 = arith.constant 0 : i32
      %dma_start3A_628 = tpu.memref_slice %arg15[%dma_start3A_626, %dma_start3A_627] : memref<10000x16xf32, #tpu.memory_space<vmem_shared>> -> memref<10000x16xf32, #tpu.memory_space<vmem_shared>>
      tpu.enqueue_indirect_dma source(%arg13 : memref<128x16xf32, #tpu.memory_space<vmem>>) target(%dma_start3A_628 : memref<10000x16xf32, #tpu.memory_space<vmem_shared>>) offsets(%dma_start3A_625 : memref<128xi32, #tpu.memory_space<vmem>>) semaphore(%arg19 : memref<!tpu.dma_semaphore, #tpu.memory_space<semaphore_mem>>) {add = true}
    }
    %scan3A_344 = arith.constant 19 : i32
    %dma_wait3A_345 = arith.constant 0 : i32
    %dma_wait3A_346 = arith.constant 0 : i32
    %dma_wait3A_347 = arith.constant 0 : i32
    %dma_wait3A_348 = tpu.memref_slice %arg12[%dma_wait3A_345, %dma_wait3A_346, %dma_wait3A_347] : memref<2x128x128xf32, #tpu.memory_space<vmem>> -> memref<1x128x128xf32, #tpu.memory_space<vmem>>
    %dma_wait3A_349 = tpu.memref_squeeze %dma_wait3A_348 : memref<1x128x128xf32, #tpu.memory_space<vmem>> -> memref<128x128xf32, #tpu.memory_space<vmem>>
    %dma_wait3A_350 = arith.constant 0 : i32
    %dma_wait3A_351 = arith.constant 0 : i32
    %dma_wait3A_352 = tpu.memref_slice %arg3[%dma_wait3A_350, %dma_wait3A_351] : memref<20000x128xf32, #tpu.memory_space<hbm>> -> memref<128x128xf32, #tpu.memory_space<hbm>>
    %dma_wait3A_353 = arith.constant 0 : i32
    %dma_wait3A_354 = arith.constant 0 : i32
    %dma_wait3A_355 = tpu.memref_slice %arg12[%dma_wait3A_345, %dma_wait3A_353, %dma_wait3A_354] : memref<2x128x128xf32, #tpu.memory_space<vmem>> -> memref<1x128x128xf32, #tpu.memory_space<vmem>>
    %dma_wait3A_356 = tpu.memref_squeeze %dma_wait3A_355 : memref<1x128x128xf32, #tpu.memory_space<vmem>> -> memref<128x128xf32, #tpu.memory_space<vmem>>
    %dma_wait3A_357 = arith.constant 0 : i32
    %dma_wait3A_358 = arith.constant 0 : i32
    %dma_wait3A_359 = tpu.memref_slice %arg3[%dma_wait3A_357, %dma_wait3A_358] : memref<20000x128xf32, #tpu.memory_space<hbm>> -> memref<128x128xf32, #tpu.memory_space<hbm>>
    tpu.wait_dma2 semaphore(%arg16 : memref<!tpu.dma_semaphore, #tpu.memory_space<semaphore_mem>>) src(%dma_wait3A_359 : memref<128x128xf32, #tpu.memory_space<hbm>>) dst(%dma_wait3A_356 : memref<128x128xf32, #tpu.memory_space<vmem>>)
    %dma_wait3A_360 = arith.constant 1 : i32
    %dma_wait3A_361 = arith.constant 0 : i32
    %dma_wait3A_362 = arith.constant 0 : i32
    %dma_wait3A_363 = tpu.memref_slice %arg10[%dma_wait3A_361, %dma_wait3A_362] : memref<2x128xi32, #tpu.memory_space<vmem>> -> memref<1x128xi32, #tpu.memory_space<vmem>>
    %dma_wait3A_364 = tpu.memref_squeeze %dma_wait3A_363 : memref<1x128xi32, #tpu.memory_space<vmem>> -> memref<128xi32, #tpu.memory_space<vmem>>
    %dma_wait3A_365 = arith.constant 0 : i32
    %dma_wait3A_366 = tpu.memref_slice %arg5[%dma_wait3A_360, %dma_wait3A_365] : memref<2x160000xi32, #tpu.memory_space<hbm>> -> memref<1x128xi32, #tpu.memory_space<hbm>>
    %dma_wait3A_367 = tpu.memref_squeeze %dma_wait3A_366 : memref<1x128xi32, #tpu.memory_space<hbm>> -> memref<128xi32, #tpu.memory_space<hbm>>
    %dma_wait3A_368 = arith.constant 0 : i32
    %dma_wait3A_369 = tpu.memref_slice %arg10[%dma_wait3A_361, %dma_wait3A_368] : memref<2x128xi32, #tpu.memory_space<vmem>> -> memref<1x128xi32, #tpu.memory_space<vmem>>
    %dma_wait3A_370 = tpu.memref_squeeze %dma_wait3A_369 : memref<1x128xi32, #tpu.memory_space<vmem>> -> memref<128xi32, #tpu.memory_space<vmem>>
    %dma_wait3A_371 = arith.constant 0 : i32
    %dma_wait3A_372 = tpu.memref_slice %arg5[%dma_wait3A_360, %dma_wait3A_371] : memref<2x160000xi32, #tpu.memory_space<hbm>> -> memref<1x128xi32, #tpu.memory_space<hbm>>
    %dma_wait3A_373 = tpu.memref_squeeze %dma_wait3A_372 : memref<1x128xi32, #tpu.memory_space<hbm>> -> memref<128xi32, #tpu.memory_space<hbm>>
    tpu.wait_dma2 semaphore(%arg17 : memref<!tpu.dma_semaphore, #tpu.memory_space<semaphore_mem>>) src(%dma_wait3A_373 : memref<128xi32, #tpu.memory_space<hbm>>) dst(%dma_wait3A_370 : memref<128xi32, #tpu.memory_space<vmem>>)
    %dma_wait3A_374 = arith.constant 0 : i32
    %dma_wait3A_375 = arith.constant 0 : i32
    %dma_wait3A_376 = arith.constant 0 : i32
    %dma_wait3A_377 = tpu.memref_slice %arg12[%dma_wait3A_374, %dma_wait3A_375, %dma_wait3A_376] : memref<2x128x128xf32, #tpu.memory_space<vmem>> -> memref<1x128x128xf32, #tpu.memory_space<vmem>>
    %dma_wait3A_378 = tpu.memref_squeeze %dma_wait3A_377 : memref<1x128x128xf32, #tpu.memory_space<vmem>> -> memref<128x128xf32, #tpu.memory_space<vmem>>
    %dma_wait3A_379 = arith.constant 0 : i32
    %dma_wait3A_380 = arith.constant 0 : i32
    %dma_wait3A_381 = tpu.memref_slice %arg3[%dma_wait3A_379, %dma_wait3A_380] : memref<20000x128xf32, #tpu.memory_space<hbm>> -> memref<128x128xf32, #tpu.memory_space<hbm>>
    %dma_wait3A_382 = arith.constant 0 : i32
    %dma_wait3A_383 = arith.constant 0 : i32
    %dma_wait3A_384 = tpu.memref_slice %arg12[%dma_wait3A_374, %dma_wait3A_382, %dma_wait3A_383] : memref<2x128x128xf32, #tpu.memory_space<vmem>> -> memref<1x128x128xf32, #tpu.memory_space<vmem>>
    %dma_wait3A_385 = tpu.memref_squeeze %dma_wait3A_384 : memref<1x128x128xf32, #tpu.memory_space<vmem>> -> memref<128x128xf32, #tpu.memory_space<vmem>>
    %dma_wait3A_386 = arith.constant 0 : i32
    %dma_wait3A_387 = arith.constant 0 : i32
    %dma_wait3A_388 = tpu.memref_slice %arg3[%dma_wait3A_386, %dma_wait3A_387] : memref<20000x128xf32, #tpu.memory_space<hbm>> -> memref<128x128xf32, #tpu.memory_space<hbm>>
    tpu.wait_dma2 semaphore(%arg18 : memref<!tpu.dma_semaphore, #tpu.memory_space<semaphore_mem>>) src(%dma_wait3A_388 : memref<128x128xf32, #tpu.memory_space<hbm>>) dst(%dma_wait3A_385 : memref<128x128xf32, #tpu.memory_space<vmem>>)
    %dma_wait3A_389 = arith.constant 0 : i32
    %dma_wait3A_390 = arith.constant 0 : i32
    %dma_wait3A_391 = tpu.memref_slice %arg6[%dma_wait3A_389, %dma_wait3A_390] : memref<625x128xf32, #tpu.memory_space<hbm>> -> memref<128x16xf32, #tpu.memory_space<hbm>>
    %dma_wait3A_392 = arith.constant 0 : i32
    %dma_wait3A_393 = arith.constant 0 : i32
    %dma_wait3A_394 = tpu.memref_slice %arg6[%dma_wait3A_392, %dma_wait3A_393] : memref<625x128xf32, #tpu.memory_space<hbm>> -> memref<128x16xf32, #tpu.memory_space<hbm>>
    tpu.wait_dma2 semaphore(%arg19 : memref<!tpu.dma_semaphore, #tpu.memory_space<semaphore_mem>>) src(%dma_wait3A_394 : memref<128x16xf32, #tpu.memory_space<hbm>>) dst(%arg13 : memref<128x16xf32, #tpu.memory_space<vmem>>)
    %run_scoped3A_395 = arith.constant 0 : i32
    %run_scoped3A_396 = arith.constant 0 : i32
    "tpu.region"() ({
      %run_scoped3A_437 = tpu.sem_alloc : memref<!tpu.dma_semaphore, #tpu.memory_space<semaphore_mem>>
      %dma_start3A_438 = arith.constant 0 : i32
      %dma_start3A_439 = arith.constant 0 : i32
      %dma_start3A_440 = tpu.memref_slice %arg12[%run_scoped3A_395, %dma_start3A_438, %dma_start3A_439] : memref<2x128x128xf32, #tpu.memory_space<vmem>> -> memref<1x128x128xf32, #tpu.memory_space<vmem>>
      %dma_start3A_441 = tpu.memref_squeeze %dma_start3A_440 : memref<1x128x128xf32, #tpu.memory_space<vmem>> -> memref<128x128xf32, #tpu.memory_space<vmem>>
      %dma_start3A_442 = arith.constant 0 : i32
      %dma_start3A_443 = tpu.memref_slice %arg10[%run_scoped3A_396, %dma_start3A_442] : memref<2x128xi32, #tpu.memory_space<vmem>> -> memref<1x128xi32, #tpu.memory_space<vmem>>
      %dma_start3A_444 = tpu.memref_squeeze %dma_start3A_443 : memref<1x128xi32, #tpu.memory_space<vmem>> -> memref<128xi32, #tpu.memory_space<vmem>>
      %dma_start3A_445 = arith.constant 0 : i32
      %dma_start3A_446 = arith.constant 0 : i32
      %dma_start3A_447 = tpu.memref_slice %arg14[%dma_start3A_445, %dma_start3A_446] : memref<10000x128xf32, #tpu.memory_space<vmem_shared>> -> memref<10000x128xf32, #tpu.memory_space<vmem_shared>>
      tpu.enqueue_indirect_dma source(%dma_start3A_441 : memref<128x128xf32, #tpu.memory_space<vmem>>) target(%dma_start3A_447 : memref<10000x128xf32, #tpu.memory_space<vmem_shared>>) offsets(%dma_start3A_444 : memref<128xi32, #tpu.memory_space<vmem>>) semaphore(%run_scoped3A_437 : memref<!tpu.dma_semaphore, #tpu.memory_space<semaphore_mem>>) {add = true}
      %dma_wait3A_448 = arith.constant 0 : i32
      %dma_wait3A_449 = arith.constant 0 : i32
      %dma_wait3A_450 = tpu.memref_slice %arg12[%run_scoped3A_395, %dma_wait3A_448, %dma_wait3A_449] : memref<2x128x128xf32, #tpu.memory_space<vmem>> -> memref<1x128x128xf32, #tpu.memory_space<vmem>>
      %dma_wait3A_451 = tpu.memref_squeeze %dma_wait3A_450 : memref<1x128x128xf32, #tpu.memory_space<vmem>> -> memref<128x128xf32, #tpu.memory_space<vmem>>
      %dma_wait3A_452 = arith.constant 0 : i32
      %dma_wait3A_453 = tpu.memref_slice %arg10[%run_scoped3A_396, %dma_wait3A_452] : memref<2x128xi32, #tpu.memory_space<vmem>> -> memref<1x128xi32, #tpu.memory_space<vmem>>
      %dma_wait3A_454 = tpu.memref_squeeze %dma_wait3A_453 : memref<1x128xi32, #tpu.memory_space<vmem>> -> memref<128xi32, #tpu.memory_space<vmem>>
      %dma_wait3A_455 = arith.constant 0 : i32
      %dma_wait3A_456 = arith.constant 0 : i32
      %dma_wait3A_457 = tpu.memref_slice %arg14[%dma_wait3A_455, %dma_wait3A_456] : memref<10000x128xf32, #tpu.memory_space<vmem_shared>> -> memref<10000x128xf32, #tpu.memory_space<vmem_shared>>
      tpu.wait_indirect_dma semaphore(%run_scoped3A_437 : memref<!tpu.dma_semaphore, #tpu.memory_space<semaphore_mem>>) src(%dma_wait3A_451 : memref<128x128xf32, #tpu.memory_space<vmem>>) dst(%dma_wait3A_457 : memref<10000x128xf32, #tpu.memory_space<vmem_shared>>)
      tpu.yield
    }) : () -> ()
    %run_scoped3A_397 = arith.constant 0 : i32
    "tpu.region"() ({
      %run_scoped3A_437 = tpu.sem_alloc : memref<!tpu.dma_semaphore, #tpu.memory_space<semaphore_mem>>
      %dma_start3A_438 = arith.constant 0 : i32
      %dma_start3A_439 = tpu.memref_slice %arg10[%run_scoped3A_397, %dma_start3A_438] : memref<2x128xi32, #tpu.memory_space<vmem>> -> memref<1x128xi32, #tpu.memory_space<vmem>>
      %dma_start3A_440 = tpu.memref_squeeze %dma_start3A_439 : memref<1x128xi32, #tpu.memory_space<vmem>> -> memref<128xi32, #tpu.memory_space<vmem>>
      %dma_start3A_441 = arith.constant 0 : i32
      %dma_start3A_442 = arith.constant 0 : i32
      %dma_start3A_443 = tpu.memref_slice %arg15[%dma_start3A_441, %dma_start3A_442] : memref<10000x16xf32, #tpu.memory_space<vmem_shared>> -> memref<10000x16xf32, #tpu.memory_space<vmem_shared>>
      tpu.enqueue_indirect_dma source(%arg13 : memref<128x16xf32, #tpu.memory_space<vmem>>) target(%dma_start3A_443 : memref<10000x16xf32, #tpu.memory_space<vmem_shared>>) offsets(%dma_start3A_440 : memref<128xi32, #tpu.memory_space<vmem>>) semaphore(%run_scoped3A_437 : memref<!tpu.dma_semaphore, #tpu.memory_space<semaphore_mem>>) {add = true}
      %dma_wait3A_444 = arith.constant 0 : i32
      %dma_wait3A_445 = tpu.memref_slice %arg10[%run_scoped3A_397, %dma_wait3A_444] : memref<2x128xi32, #tpu.memory_space<vmem>> -> memref<1x128xi32, #tpu.memory_space<vmem>>
      %dma_wait3A_446 = tpu.memref_squeeze %dma_wait3A_445 : memref<1x128xi32, #tpu.memory_space<vmem>> -> memref<128xi32, #tpu.memory_space<vmem>>
      %dma_wait3A_447 = arith.constant 0 : i32
      %dma_wait3A_448 = arith.constant 0 : i32
      %dma_wait3A_449 = tpu.memref_slice %arg15[%dma_wait3A_447, %dma_wait3A_448] : memref<10000x16xf32, #tpu.memory_space<vmem_shared>> -> memref<10000x16xf32, #tpu.memory_space<vmem_shared>>
      tpu.wait_indirect_dma semaphore(%run_scoped3A_437 : memref<!tpu.dma_semaphore, #tpu.memory_space<semaphore_mem>>) src(%arg13 : memref<128x16xf32, #tpu.memory_space<vmem>>) dst(%dma_wait3A_449 : memref<10000x16xf32, #tpu.memory_space<vmem_shared>>)
      tpu.yield
    }) : () -> ()
    %add3A_398 = arith.constant 9984 : i32
    %add3A_399 = arith.addi %mul3A_2, %add3A_398 : i32
    %run_scoped3A_400 = arith.constant 1 : i32
    "tpu.region"() ({
      %run_scoped3A_437 = tpu.sem_alloc : memref<!tpu.dma_semaphore, #tpu.memory_space<semaphore_mem>>
      %dma_start3A_438 = tpu.memref_slice %arg5[%run_scoped3A_400, %add3A_399] : memref<2x160000xi32, #tpu.memory_space<hbm>> -> memref<1x16xi32, #tpu.memory_space<hbm>>
      %dma_start3A_439 = tpu.memref_squeeze %dma_start3A_438 : memref<1x16xi32, #tpu.memory_space<hbm>> -> memref<16xi32, #tpu.memory_space<hbm>>
      %dma_start3A_440 = tpu.memref_slice %arg5[%run_scoped3A_400, %add3A_399] : memref<2x160000xi32, #tpu.memory_space<hbm>> -> memref<1x16xi32, #tpu.memory_space<hbm>>
      %dma_start3A_441 = tpu.memref_squeeze %dma_start3A_440 : memref<1x16xi32, #tpu.memory_space<hbm>> -> memref<16xi32, #tpu.memory_space<hbm>>
      tpu.enqueue_dma source(%dma_start3A_441 : memref<16xi32, #tpu.memory_space<hbm>>) target(%arg11 : memref<16xi32, #tpu.memory_space<vmem>>) target_semaphore(%run_scoped3A_437 : memref<!tpu.dma_semaphore, #tpu.memory_space<semaphore_mem>>)
      %dma_wait3A_442 = tpu.memref_slice %arg5[%run_scoped3A_400, %add3A_399] : memref<2x160000xi32, #tpu.memory_space<hbm>> -> memref<1x16xi32, #tpu.memory_space<hbm>>
      %dma_wait3A_443 = tpu.memref_squeeze %dma_wait3A_442 : memref<1x16xi32, #tpu.memory_space<hbm>> -> memref<16xi32, #tpu.memory_space<hbm>>
      %dma_wait3A_444 = tpu.memref_slice %arg5[%run_scoped3A_400, %add3A_399] : memref<2x160000xi32, #tpu.memory_space<hbm>> -> memref<1x16xi32, #tpu.memory_space<hbm>>
      %dma_wait3A_445 = tpu.memref_squeeze %dma_wait3A_444 : memref<1x16xi32, #tpu.memory_space<hbm>> -> memref<16xi32, #tpu.memory_space<hbm>>
      tpu.wait_dma2 semaphore(%run_scoped3A_437 : memref<!tpu.dma_semaphore, #tpu.memory_space<semaphore_mem>>) src(%dma_wait3A_445 : memref<16xi32, #tpu.memory_space<hbm>>) dst(%arg11 : memref<16xi32, #tpu.memory_space<vmem>>)
      tpu.yield
    }) : () -> ()
    %dma_start3A_401 = arith.constant 0 : i32
    %dma_start3A_402 = arith.constant 0 : i32
    %dma_start3A_403 = arith.constant 0 : i32
    %dma_start3A_404 = tpu.memref_slice %arg12[%dma_start3A_401, %dma_start3A_402, %dma_start3A_403] : memref<2x128x128xf32, #tpu.memory_space<vmem>> -> memref<1x16x128xf32, #tpu.memory_space<vmem>>
    %dma_start3A_405 = tpu.memref_squeeze %dma_start3A_404 : memref<1x16x128xf32, #tpu.memory_space<vmem>> -> memref<16x128xf32, #tpu.memory_space<vmem>>
    %dma_start3A_406 = arith.constant 4992 : i32
    %dma_start3A_407 = tpu.memref_slice %arg9[%dma_start3A_406] : memref<5008xi32, #tpu.memory_space<vmem>> -> memref<16xi32, #tpu.memory_space<vmem>>
    %dma_start3A_408 = arith.constant 0 : i32
    %dma_start3A_409 = tpu.memref_slice %arg3[%mul3A_220, %dma_start3A_408] : memref<20000x128xf32, #tpu.memory_space<hbm>> -> memref<10000x128xf32, #tpu.memory_space<hbm>>
    %dma_start3A_410 = arith.constant 0 : i32
    %dma_start3A_411 = arith.constant 0 : i32
    %dma_start3A_412 = tpu.memref_slice %dma_start3A_409[%dma_start3A_410, %dma_start3A_411] : memref<10000x128xf32, #tpu.memory_space<hbm>> -> memref<10000x128xf32, #tpu.memory_space<hbm>>
    tpu.enqueue_indirect_dma source(%dma_start3A_412 : memref<10000x128xf32, #tpu.memory_space<hbm>>) target(%dma_start3A_405 : memref<16x128xf32, #tpu.memory_space<vmem>>) offsets(%dma_start3A_407 : memref<16xi32, #tpu.memory_space<vmem>>) semaphore(%arg16 : memref<!tpu.dma_semaphore, #tpu.memory_space<semaphore_mem>>)
    %dma_wait3A_413 = arith.constant 0 : i32
    %dma_wait3A_414 = arith.constant 0 : i32
    %dma_wait3A_415 = arith.constant 0 : i32
    %dma_wait3A_416 = tpu.memref_slice %arg12[%dma_wait3A_413, %dma_wait3A_414, %dma_wait3A_415] : memref<2x128x128xf32, #tpu.memory_space<vmem>> -> memref<1x16x128xf32, #tpu.memory_space<vmem>>
    %dma_wait3A_417 = tpu.memref_squeeze %dma_wait3A_416 : memref<1x16x128xf32, #tpu.memory_space<vmem>> -> memref<16x128xf32, #tpu.memory_space<vmem>>
    %dma_wait3A_418 = arith.constant 0 : i32
    %dma_wait3A_419 = arith.constant 0 : i32
    %dma_wait3A_420 = tpu.memref_slice %arg3[%dma_wait3A_418, %dma_wait3A_419] : memref<20000x128xf32, #tpu.memory_space<hbm>> -> memref<16x128xf32, #tpu.memory_space<hbm>>
    %dma_wait3A_421 = arith.constant 0 : i32
    %dma_wait3A_422 = arith.constant 0 : i32
    %dma_wait3A_423 = tpu.memref_slice %arg12[%dma_wait3A_413, %dma_wait3A_421, %dma_wait3A_422] : memref<2x128x128xf32, #tpu.memory_space<vmem>> -> memref<1x16x128xf32, #tpu.memory_space<vmem>>
    %dma_wait3A_424 = tpu.memref_squeeze %dma_wait3A_423 : memref<1x16x128xf32, #tpu.memory_space<vmem>> -> memref<16x128xf32, #tpu.memory_space<vmem>>
    %dma_wait3A_425 = arith.constant 0 : i32
    %dma_wait3A_426 = arith.constant 0 : i32
    %dma_wait3A_427 = tpu.memref_slice %arg3[%dma_wait3A_425, %dma_wait3A_426] : memref<20000x128xf32, #tpu.memory_space<hbm>> -> memref<16x128xf32, #tpu.memory_space<hbm>>
    tpu.wait_dma2 semaphore(%arg16 : memref<!tpu.dma_semaphore, #tpu.memory_space<semaphore_mem>>) src(%dma_wait3A_427 : memref<16x128xf32, #tpu.memory_space<hbm>>) dst(%dma_wait3A_424 : memref<16x128xf32, #tpu.memory_space<vmem>>)
    %run_scoped3A_428 = arith.constant 0 : i32
    "tpu.region"() ({
      %run_scoped3A_437 = tpu.sem_alloc : memref<!tpu.dma_semaphore, #tpu.memory_space<semaphore_mem>>
      %dma_start3A_438 = arith.constant 0 : i32
      %dma_start3A_439 = arith.constant 0 : i32
      %dma_start3A_440 = tpu.memref_slice %arg12[%run_scoped3A_428, %dma_start3A_438, %dma_start3A_439] : memref<2x128x128xf32, #tpu.memory_space<vmem>> -> memref<1x16x128xf32, #tpu.memory_space<vmem>>
      %dma_start3A_441 = tpu.memref_squeeze %dma_start3A_440 : memref<1x16x128xf32, #tpu.memory_space<vmem>> -> memref<16x128xf32, #tpu.memory_space<vmem>>
      %dma_start3A_442 = arith.constant 0 : i32
      %dma_start3A_443 = arith.constant 0 : i32
      %dma_start3A_444 = tpu.memref_slice %arg14[%dma_start3A_442, %dma_start3A_443] : memref<10000x128xf32, #tpu.memory_space<vmem_shared>> -> memref<10000x128xf32, #tpu.memory_space<vmem_shared>>
      tpu.enqueue_indirect_dma source(%dma_start3A_441 : memref<16x128xf32, #tpu.memory_space<vmem>>) target(%dma_start3A_444 : memref<10000x128xf32, #tpu.memory_space<vmem_shared>>) offsets(%arg11 : memref<16xi32, #tpu.memory_space<vmem>>) semaphore(%run_scoped3A_437 : memref<!tpu.dma_semaphore, #tpu.memory_space<semaphore_mem>>) {add = true}
      %dma_wait3A_445 = arith.constant 0 : i32
      %dma_wait3A_446 = arith.constant 0 : i32
      %dma_wait3A_447 = tpu.memref_slice %arg12[%run_scoped3A_428, %dma_wait3A_445, %dma_wait3A_446] : memref<2x128x128xf32, #tpu.memory_space<vmem>> -> memref<1x16x128xf32, #tpu.memory_space<vmem>>
      %dma_wait3A_448 = tpu.memref_squeeze %dma_wait3A_447 : memref<1x16x128xf32, #tpu.memory_space<vmem>> -> memref<16x128xf32, #tpu.memory_space<vmem>>
      %dma_wait3A_449 = arith.constant 0 : i32
      %dma_wait3A_450 = arith.constant 0 : i32
      %dma_wait3A_451 = tpu.memref_slice %arg14[%dma_wait3A_449, %dma_wait3A_450] : memref<10000x128xf32, #tpu.memory_space<vmem_shared>> -> memref<10000x128xf32, #tpu.memory_space<vmem_shared>>
      tpu.wait_indirect_dma semaphore(%run_scoped3A_437 : memref<!tpu.dma_semaphore, #tpu.memory_space<semaphore_mem>>) src(%dma_wait3A_448 : memref<16x128xf32, #tpu.memory_space<vmem>>) dst(%dma_wait3A_451 : memref<10000x128xf32, #tpu.memory_space<vmem_shared>>)
      tpu.yield
    }) : () -> ()
    "tpu.region"() ({
      %run_scoped3A_437 = tpu.sem_alloc : memref<!tpu.dma_semaphore, #tpu.memory_space<semaphore_mem>>
      %dma_start3A_438 = arith.constant 0 : i32
      %dma_start3A_439 = arith.constant 0 : i32
      %dma_start3A_440 = tpu.memref_slice %arg13[%dma_start3A_438, %dma_start3A_439] : memref<128x16xf32, #tpu.memory_space<vmem>> -> memref<16x16xf32, #tpu.memory_space<vmem>>
      %dma_start3A_441 = arith.constant 0 : i32
      %dma_start3A_442 = arith.constant 0 : i32
      %dma_start3A_443 = tpu.memref_slice %arg15[%dma_start3A_441, %dma_start3A_442] : memref<10000x16xf32, #tpu.memory_space<vmem_shared>> -> memref<10000x16xf32, #tpu.memory_space<vmem_shared>>
      tpu.enqueue_indirect_dma source(%dma_start3A_440 : memref<16x16xf32, #tpu.memory_space<vmem>>) target(%dma_start3A_443 : memref<10000x16xf32, #tpu.memory_space<vmem_shared>>) offsets(%arg11 : memref<16xi32, #tpu.memory_space<vmem>>) semaphore(%run_scoped3A_437 : memref<!tpu.dma_semaphore, #tpu.memory_space<semaphore_mem>>) {add = true}
      %dma_wait3A_444 = arith.constant 0 : i32
      %dma_wait3A_445 = arith.constant 0 : i32
      %dma_wait3A_446 = tpu.memref_slice %arg13[%dma_wait3A_444, %dma_wait3A_445] : memref<128x16xf32, #tpu.memory_space<vmem>> -> memref<16x16xf32, #tpu.memory_space<vmem>>
      %dma_wait3A_447 = arith.constant 0 : i32
      %dma_wait3A_448 = arith.constant 0 : i32
      %dma_wait3A_449 = tpu.memref_slice %arg15[%dma_wait3A_447, %dma_wait3A_448] : memref<10000x16xf32, #tpu.memory_space<vmem_shared>> -> memref<10000x16xf32, #tpu.memory_space<vmem_shared>>
      tpu.wait_indirect_dma semaphore(%run_scoped3A_437 : memref<!tpu.dma_semaphore, #tpu.memory_space<semaphore_mem>>) src(%dma_wait3A_446 : memref<16x16xf32, #tpu.memory_space<vmem>>) dst(%dma_wait3A_449 : memref<10000x16xf32, #tpu.memory_space<vmem_shared>>)
      tpu.yield
    }) : () -> ()
    %barrier3A_429 = arith.constant 0 : index
    tpu.barrier barrier_id(%barrier3A_429)
    %run_scoped3A_430 = arith.constant 1 : i32
    "tpu.region"() ({
      %run_scoped3A_437 = tpu.sem_alloc : memref<!tpu.dma_semaphore, #tpu.memory_space<semaphore_mem>>
      %dma_start3A_438 = arith.constant 0 : i32
      %dma_start3A_439 = tpu.memref_slice %arg7[%run_scoped3A_430, %arg0, %mul3A_0, %dma_start3A_438] : memref<2x2x10000x128xf32, #tpu.memory_space<hbm>> -> memref<1x1x625x128xf32, #tpu.memory_space<hbm>>
      %dma_start3A_440 = tpu.memref_squeeze %dma_start3A_439 : memref<1x1x625x128xf32, #tpu.memory_space<hbm>> -> memref<625x128xf32, #tpu.memory_space<hbm>>
      %dma_start3A_441 = arith.constant 0 : i32
      %dma_start3A_442 = tpu.memref_slice %arg14[%mul3A_0, %dma_start3A_441] : memref<10000x128xf32, #tpu.memory_space<vmem_shared>> -> memref<625x128xf32, #tpu.memory_space<vmem_shared>>
      tpu.enqueue_dma source(%dma_start3A_442 : memref<625x128xf32, #tpu.memory_space<vmem_shared>>) target(%dma_start3A_440 : memref<625x128xf32, #tpu.memory_space<hbm>>) target_semaphore(%run_scoped3A_437 : memref<!tpu.dma_semaphore, #tpu.memory_space<semaphore_mem>>)
      %dma_wait3A_443 = arith.constant 0 : i32
      %dma_wait3A_444 = tpu.memref_slice %arg7[%run_scoped3A_430, %arg0, %mul3A_0, %dma_wait3A_443] : memref<2x2x10000x128xf32, #tpu.memory_space<hbm>> -> memref<1x1x625x128xf32, #tpu.memory_space<hbm>>
      %dma_wait3A_445 = tpu.memref_squeeze %dma_wait3A_444 : memref<1x1x625x128xf32, #tpu.memory_space<hbm>> -> memref<625x128xf32, #tpu.memory_space<hbm>>
      %dma_wait3A_446 = arith.constant 0 : i32
      %dma_wait3A_447 = tpu.memref_slice %arg14[%mul3A_0, %dma_wait3A_446] : memref<10000x128xf32, #tpu.memory_space<vmem_shared>> -> memref<625x128xf32, #tpu.memory_space<vmem_shared>>
      tpu.wait_dma2 semaphore(%run_scoped3A_437 : memref<!tpu.dma_semaphore, #tpu.memory_space<semaphore_mem>>) src(%dma_wait3A_447 : memref<625x128xf32, #tpu.memory_space<vmem_shared>>) dst(%dma_wait3A_445 : memref<625x128xf32, #tpu.memory_space<hbm>>)
      tpu.yield
    }) : () -> ()
    %eq3A_431 = arith.constant 0 : i32
    %eq3A_432 = arith.cmpi eq, %arg0, %eq3A_431 : i32
    %convert_element_type3A_433 = arith.extui %eq3A_432 : i1 to i32
    %cond3A_434 = arith.constant 0 : i32
    %cond3A_435 = arith.cmpi ne, %convert_element_type3A_433, %cond3A_434 : i32
    scf.if %cond3A_435 {
      %run_scoped3A_437 = arith.constant 1 : i32
      "tpu.region"() ({
        %run_scoped3A_438 = tpu.sem_alloc : memref<!tpu.dma_semaphore, #tpu.memory_space<semaphore_mem>>
        %dma_start3A_439 = arith.constant 0 : i32
        %dma_start3A_440 = tpu.memref_slice %arg8[%run_scoped3A_437, %mul3A_0, %dma_start3A_439] : memref<2x10000x16xf32, #tpu.memory_space<hbm>> -> memref<1x625x16xf32, #tpu.memory_space<hbm>>
        %dma_start3A_441 = tpu.memref_squeeze %dma_start3A_440 : memref<1x625x16xf32, #tpu.memory_space<hbm>> -> memref<625x16xf32, #tpu.memory_space<hbm>>
        %dma_start3A_442 = arith.constant 0 : i32
        %dma_start3A_443 = tpu.memref_slice %arg15[%mul3A_0, %dma_start3A_442] : memref<10000x16xf32, #tpu.memory_space<vmem_shared>> -> memref<625x16xf32, #tpu.memory_space<vmem_shared>>
        tpu.enqueue_dma source(%dma_start3A_443 : memref<625x16xf32, #tpu.memory_space<vmem_shared>>) target(%dma_start3A_441 : memref<625x16xf32, #tpu.memory_space<hbm>>) target_semaphore(%run_scoped3A_438 : memref<!tpu.dma_semaphore, #tpu.memory_space<semaphore_mem>>)
        %dma_wait3A_444 = arith.constant 0 : i32
        %dma_wait3A_445 = tpu.memref_slice %arg8[%run_scoped3A_437, %mul3A_0, %dma_wait3A_444] : memref<2x10000x16xf32, #tpu.memory_space<hbm>> -> memref<1x625x16xf32, #tpu.memory_space<hbm>>
        %dma_wait3A_446 = tpu.memref_squeeze %dma_wait3A_445 : memref<1x625x16xf32, #tpu.memory_space<hbm>> -> memref<625x16xf32, #tpu.memory_space<hbm>>
        %dma_wait3A_447 = arith.constant 0 : i32
        %dma_wait3A_448 = tpu.memref_slice %arg15[%mul3A_0, %dma_wait3A_447] : memref<10000x16xf32, #tpu.memory_space<vmem_shared>> -> memref<625x16xf32, #tpu.memory_space<vmem_shared>>
        tpu.wait_dma2 semaphore(%run_scoped3A_438 : memref<!tpu.dma_semaphore, #tpu.memory_space<semaphore_mem>>) src(%dma_wait3A_448 : memref<625x16xf32, #tpu.memory_space<vmem_shared>>) dst(%dma_wait3A_446 : memref<625x16xf32, #tpu.memory_space<hbm>>)
        tpu.yield
      }) : () -> ()
    } else {
    }
    %barrier3A_436 = arith.constant 0 : index
    tpu.barrier barrier_id(%barrier3A_436)
    return
  }
}

module attributes {stable_mosaic.version = 14 : i64} {
  func.func @_tc_body(%arg0: i32, %arg1: memref<1000x256xf32, #tpu.memory_space<vmem>>, %arg2: memref<1000x256xf32, #tpu.memory_space<vmem>>, %arg3: memref<1x1x1000x128xf32, #tpu.memory_space<vmem>>, %arg4: memref<1x1x1000x128xf32, #tpu.memory_space<vmem>>, %arg5: memref<1x1x1000x128xf32, #tpu.memory_space<vmem>>, %arg6: memref<1x1x1000x128xf32, #tpu.memory_space<vmem>>, %arg7: memref<1x1000x16xf32, #tpu.memory_space<vmem>>, %arg8: memref<1x1000x16xf32, #tpu.memory_space<vmem>>, %arg9: memref<256x256xf32, #tpu.memory_space<vmem>>, %arg10: memref<256xf32, #tpu.memory_space<vmem>>, %arg11: memref<256x256xf32, #tpu.memory_space<vmem>>, %arg12: memref<256xf32, #tpu.memory_space<vmem>>, %arg13: memref<256x256xf32, #tpu.memory_space<vmem>>, %arg14: memref<256xf32, #tpu.memory_space<vmem>>, %arg15: memref<256x256xf32, #tpu.memory_space<vmem>>, %arg16: memref<256xf32, #tpu.memory_space<vmem>>, %arg17: memref<256x256xf32, #tpu.memory_space<vmem>>, %arg18: memref<256xf32, #tpu.memory_space<vmem>>, %arg19: memref<256x256xf32, #tpu.memory_space<vmem>>, %arg20: memref<256xf32, #tpu.memory_space<vmem>>, %arg21: memref<1000x256xf32, #tpu.memory_space<vmem>>, %arg22: memref<1000x256xf32, #tpu.memory_space<vmem>>) attributes {dimension_semantics = [#tpu.dimension_semantics<arbitrary>], iteration_bounds = array<i64: 10>, scalar_prefetch = 0 : i64, scratch_operands = 0 : i64, tpu.core_type = #tpu.core_type<tc>, window_params = [{transform_indices = @transform_0, window_bounds = array<i64: 1000, 256>}, {transform_indices = @transform_1, window_bounds = array<i64: 1000, 256>}, {transform_indices = @transform_2, window_bounds = array<i64: 1, 1, 1000, 128>}, {transform_indices = @transform_3, window_bounds = array<i64: 1, 1, 1000, 128>}, {transform_indices = @transform_4, window_bounds = array<i64: 1, 1, 1000, 128>}, {transform_indices = @transform_5, window_bounds = array<i64: 1, 1, 1000, 128>}, {transform_indices = @transform_6, window_bounds = array<i64: 1, 1000, 16>}, {transform_indices = @transform_7, window_bounds = array<i64: 1, 1000, 16>}, {pipeline_mode = #tpu.pipeline_mode<synchronous>, transform_indices = @transform_8, window_bounds = array<i64: 256, 256>}, {pipeline_mode = #tpu.pipeline_mode<synchronous>, transform_indices = @transform_9, window_bounds = array<i64: 256>}, {pipeline_mode = #tpu.pipeline_mode<synchronous>, transform_indices = @transform_10, window_bounds = array<i64: 256, 256>}, {pipeline_mode = #tpu.pipeline_mode<synchronous>, transform_indices = @transform_11, window_bounds = array<i64: 256>}, {pipeline_mode = #tpu.pipeline_mode<synchronous>, transform_indices = @transform_12, window_bounds = array<i64: 256, 256>}, {pipeline_mode = #tpu.pipeline_mode<synchronous>, transform_indices = @transform_13, window_bounds = array<i64: 256>}, {pipeline_mode = #tpu.pipeline_mode<synchronous>, transform_indices = @transform_14, window_bounds = array<i64: 256, 256>}, {pipeline_mode = #tpu.pipeline_mode<synchronous>, transform_indices = @transform_15, window_bounds = array<i64: 256>}, {pipeline_mode = #tpu.pipeline_mode<synchronous>, transform_indices = @transform_16, window_bounds = array<i64: 256, 256>}, {pipeline_mode = #tpu.pipeline_mode<synchronous>, transform_indices = @transform_17, window_bounds = array<i64: 256>}, {pipeline_mode = #tpu.pipeline_mode<synchronous>, transform_indices = @transform_18, window_bounds = array<i64: 256, 256>}, {pipeline_mode = #tpu.pipeline_mode<synchronous>, transform_indices = @transform_19, window_bounds = array<i64: 256>}, {transform_indices = @transform_20, window_bounds = array<i64: 1000, 256>}, {transform_indices = @transform_21, window_bounds = array<i64: 1000, 256>}]} {
    %get3A = arith.constant 0 : index
    %get3A_0 = arith.constant 0 : index
    %get3A_1 = vector.load %arg1[%get3A, %get3A_0] : memref<1000x256xf32, #tpu.memory_space<vmem>>, vector<1000x256xf32>
    %get3A_2 = arith.constant 0 : index
    %get3A_3 = arith.constant 0 : index
    %get3A_4 = vector.load %arg9[%get3A_2, %get3A_3] : memref<256x256xf32, #tpu.memory_space<vmem>>, vector<256x256xf32>
    %dot_general3A = arith.constant dense<0.000000e+00> : vector<1000x256xf32>
    %dot_general3A_5 = tpu.matmul %get3A_1, %get3A_4, %dot_general3A {dimension_numbers = #tpu.dot_dimension_numbers<[1], [1], [0], [0], [0, 0, 1, 0], [], []>, transpose_lhs_hint = false} : vector<1000x256xf32>, vector<256x256xf32>, vector<1000x256xf32> -> vector<1000x256xf32>
    %get3A_6 = arith.constant 0 : index
    %get3A_7 = vector.load %arg10[%get3A_6] : memref<256xf32, #tpu.memory_space<vmem>>, vector<256xf32>
    %broadcast_in_dim3A = vector.shape_cast %get3A_7 : vector<256xf32> to vector<1x256xf32>
    %add3A = vector.broadcast %broadcast_in_dim3A : vector<1x256xf32> to vector<1000x256xf32>
    %add3A_8 = arith.addf %dot_general3A_5, %add3A : vector<1000x256xf32>
    %get3A_9 = arith.constant 0 : index
    %get3A_10 = arith.constant 0 : index
    %get3A_11 = vector.load %arg2[%get3A_9, %get3A_10] : memref<1000x256xf32, #tpu.memory_space<vmem>>, vector<1000x256xf32>
    %get3A_12 = arith.constant 0 : index
    %get3A_13 = arith.constant 0 : index
    %get3A_14 = vector.load %arg11[%get3A_12, %get3A_13] : memref<256x256xf32, #tpu.memory_space<vmem>>, vector<256x256xf32>
    %dot_general3A_15 = arith.constant dense<0.000000e+00> : vector<1000x256xf32>
    %dot_general3A_16 = tpu.matmul %get3A_11, %get3A_14, %dot_general3A_15 {dimension_numbers = #tpu.dot_dimension_numbers<[1], [1], [0], [0], [0, 0, 1, 0], [], []>, transpose_lhs_hint = false} : vector<1000x256xf32>, vector<256x256xf32>, vector<1000x256xf32> -> vector<1000x256xf32>
    %get3A_17 = arith.constant 0 : index
    %get3A_18 = vector.load %arg12[%get3A_17] : memref<256xf32, #tpu.memory_space<vmem>>, vector<256xf32>
    %broadcast_in_dim3A_19 = vector.shape_cast %get3A_18 : vector<256xf32> to vector<1x256xf32>
    %add3A_20 = vector.broadcast %broadcast_in_dim3A_19 : vector<1x256xf32> to vector<1000x256xf32>
    %add3A_21 = arith.addf %dot_general3A_16, %add3A_20 : vector<1000x256xf32>
    %get3A_22 = arith.constant 0 : index
    %get3A_23 = arith.constant 0 : index
    %get3A_24 = arith.constant 0 : index
    %get3A_25 = arith.constant 0 : index
    %get3A_26 = vector.load %arg3[%get3A_22, %get3A_23, %get3A_24, %get3A_25] : memref<1x1x1000x128xf32, #tpu.memory_space<vmem>>, vector<1x1x1000x128xf32>
    %get3A_27 = vector.shape_cast %get3A_26 : vector<1x1x1000x128xf32> to vector<1000x128xf32>
    %get3A_28 = arith.constant 0 : index
    %get3A_29 = arith.constant 0 : index
    %get3A_30 = arith.constant 0 : index
    %get3A_31 = arith.constant 0 : index
    %get3A_32 = vector.load %arg4[%get3A_28, %get3A_29, %get3A_30, %get3A_31] : memref<1x1x1000x128xf32, #tpu.memory_space<vmem>>, vector<1x1x1000x128xf32>
    %get3A_33 = vector.shape_cast %get3A_32 : vector<1x1x1000x128xf32> to vector<1000x128xf32>
    %concatenate3A = tpu.concatenate %get3A_27, %get3A_33 in 1 : vector<1000x128xf32>, vector<1000x128xf32> -> vector<1000x256xf32>
    %get3A_34 = arith.constant 0 : index
    %get3A_35 = arith.constant 0 : index
    %get3A_36 = arith.constant 0 : index
    %get3A_37 = vector.load %arg7[%get3A_34, %get3A_35, %get3A_36] : memref<1x1000x16xf32, #tpu.memory_space<vmem>>, vector<1x1000x1xf32>
    %get3A_38 = vector.shape_cast %get3A_37 : vector<1x1000x1xf32> to vector<1000x1xf32>
    %get3A_39 = arith.constant 0 : index
    %get3A_40 = arith.constant 0 : index
    %get3A_41 = vector.load %arg11[%get3A_39, %get3A_40] : memref<256x256xf32, #tpu.memory_space<vmem>>, vector<256x256xf32>
    %dot_general3A_42 = arith.constant dense<0.000000e+00> : vector<1000x256xf32>
    %dot_general3A_43 = tpu.matmul %concatenate3A, %get3A_41, %dot_general3A_42 {dimension_numbers = #tpu.dot_dimension_numbers<[1], [1], [0], [0], [0, 0, 1, 0], [], []>, transpose_lhs_hint = false} : vector<1000x256xf32>, vector<256x256xf32>, vector<1000x256xf32> -> vector<1000x256xf32>
    %get3A_44 = arith.constant 0 : index
    %get3A_45 = arith.constant 0 : index
    %get3A_46 = vector.load %arg13[%get3A_44, %get3A_45] : memref<256x256xf32, #tpu.memory_space<vmem>>, vector<256x256xf32>
    %dot_general3A_47 = arith.constant dense<0.000000e+00> : vector<1000x256xf32>
    %dot_general3A_48 = tpu.matmul %dot_general3A_43, %get3A_46, %dot_general3A_47 {dimension_numbers = #tpu.dot_dimension_numbers<[1], [1], [0], [0], [0, 0, 1, 0], [], []>, transpose_lhs_hint = false} : vector<1000x256xf32>, vector<256x256xf32>, vector<1000x256xf32> -> vector<1000x256xf32>
    %get3A_49 = arith.constant 0 : index
    %get3A_50 = vector.load %arg12[%get3A_49] : memref<256xf32, #tpu.memory_space<vmem>>, vector<256xf32>
    %broadcast_in_dim3A_51 = vector.shape_cast %get3A_50 : vector<256xf32> to vector<1x256xf32>
    %get3A_52 = arith.constant 0 : index
    %get3A_53 = arith.constant 0 : index
    %get3A_54 = vector.load %arg13[%get3A_52, %get3A_53] : memref<256x256xf32, #tpu.memory_space<vmem>>, vector<256x256xf32>
    %dot_general3A_55 = arith.constant dense<0.000000e+00> : vector<1x256xf32>
    %dot_general3A_56 = tpu.matmul %broadcast_in_dim3A_51, %get3A_54, %dot_general3A_55 {dimension_numbers = #tpu.dot_dimension_numbers<[1], [1], [0], [0], [0, 0, 1, 0], [], []>, transpose_lhs_hint = false} : vector<1x256xf32>, vector<256x256xf32>, vector<1x256xf32> -> vector<1x256xf32>
    %get3A_57 = arith.constant 0 : index
    %get3A_58 = vector.load %arg14[%get3A_57] : memref<256xf32, #tpu.memory_space<vmem>>, vector<256xf32>
    %broadcast_in_dim3A_59 = vector.shape_cast %get3A_58 : vector<256xf32> to vector<1x256xf32>
    %add3A_60 = arith.addf %dot_general3A_56, %broadcast_in_dim3A_59 : vector<1x256xf32>
    %mul3A = vector.broadcast %get3A_38 : vector<1000x1xf32> to vector<1000x256xf32>
    %mul3A_61 = vector.broadcast %add3A_60 : vector<1x256xf32> to vector<1000x256xf32>
    %mul3A_62 = arith.mulf %mul3A, %mul3A_61 : vector<1000x256xf32>
    %add3A_63 = arith.addf %dot_general3A_48, %mul3A_62 : vector<1000x256xf32>
    %max3A = arith.constant 1.000000e+00 : f32
    %max3A_64 = vector.broadcast %max3A : f32 to vector<1000x1xf32>
    %max3A_65 = arith.maximumf %get3A_38, %max3A_64 : vector<1000x1xf32>
    %div3A = vector.broadcast %max3A_65 : vector<1000x1xf32> to vector<1000x256xf32>
    %div3A_66 = arith.divf %add3A_63, %div3A : vector<1000x256xf32>
    %add3A_67 = arith.addf %div3A_66, %add3A_8 : vector<1000x256xf32>
    %get3A_68 = arith.constant 0 : index
    %get3A_69 = arith.constant 0 : index
    %get3A_70 = vector.load %arg19[%get3A_68, %get3A_69] : memref<256x256xf32, #tpu.memory_space<vmem>>, vector<256x256xf32>
    %dot_general3A_71 = arith.constant dense<0.000000e+00> : vector<1000x256xf32>
    %dot_general3A_72 = tpu.matmul %add3A_67, %get3A_70, %dot_general3A_71 {dimension_numbers = #tpu.dot_dimension_numbers<[1], [1], [0], [0], [0, 0, 1, 0], [], []>, transpose_lhs_hint = false} : vector<1000x256xf32>, vector<256x256xf32>, vector<1000x256xf32> -> vector<1000x256xf32>
    %get3A_73 = arith.constant 0 : index
    %get3A_74 = vector.load %arg20[%get3A_73] : memref<256xf32, #tpu.memory_space<vmem>>, vector<256xf32>
    %broadcast_in_dim3A_75 = vector.shape_cast %get3A_74 : vector<256xf32> to vector<1x256xf32>
    %add3A_76 = vector.broadcast %broadcast_in_dim3A_75 : vector<1x256xf32> to vector<1000x256xf32>
    %add3A_77 = arith.addf %dot_general3A_72, %add3A_76 : vector<1000x256xf32>
    %reduce_max3A = arith.constant dense<0xFF800000> : vector<1000xf32>
    %reduce_max3A_78 = vector.multi_reduction <maximumf>, %add3A_77, %reduce_max3A [1] : vector<1000x256xf32> to vector<1000xf32>
    %broadcast_in_dim3A_79 = vector.shape_cast %reduce_max3A_78 : vector<1000xf32> to vector<1000x1xf32>
    %sub3A = vector.broadcast %broadcast_in_dim3A_79 : vector<1000x1xf32> to vector<1000x256xf32>
    %sub3A_80 = arith.subf %add3A_77, %sub3A : vector<1000x256xf32>
    %exp3A = math.exp %sub3A_80 : vector<1000x256xf32>
    %reduce_sum3A = arith.constant dense<0.000000e+00> : vector<1000xf32>
    %reduce_sum3A_81 = vector.multi_reduction <add>, %exp3A, %reduce_sum3A [1] : vector<1000x256xf32> to vector<1000xf32>
    %broadcast_in_dim3A_82 = vector.shape_cast %reduce_sum3A_81 : vector<1000xf32> to vector<1000x1xf32>
    %log3A = math.log %broadcast_in_dim3A_82 : vector<1000x1xf32>
    %add3A_83 = arith.addf %broadcast_in_dim3A_79, %log3A : vector<1000x1xf32>
    %sub3A_84 = vector.broadcast %add3A_83 : vector<1000x1xf32> to vector<1000x256xf32>
    %sub3A_85 = arith.subf %add3A_77, %sub3A_84 : vector<1000x256xf32>
    %swap3A = arith.constant 0 : index
    %swap3A_86 = arith.constant 0 : index
    %swap3A_87 = vector.load %arg21[%swap3A, %swap3A_86] : memref<1000x256xf32, #tpu.memory_space<vmem>>, vector<1000x256xf32>
    tpu.vector_store %arg21[%swap3A, %swap3A_86], %sub3A_85 {strides = array<i32>} : memref<1000x256xf32, #tpu.memory_space<vmem>>, vector<1000x256xf32>,
    %get3A_88 = arith.constant 0 : index
    %get3A_89 = arith.constant 0 : index
    %get3A_90 = arith.constant 0 : index
    %get3A_91 = arith.constant 0 : index
    %get3A_92 = vector.load %arg5[%get3A_88, %get3A_89, %get3A_90, %get3A_91] : memref<1x1x1000x128xf32, #tpu.memory_space<vmem>>, vector<1x1x1000x128xf32>
    %get3A_93 = vector.shape_cast %get3A_92 : vector<1x1x1000x128xf32> to vector<1000x128xf32>
    %get3A_94 = arith.constant 0 : index
    %get3A_95 = arith.constant 0 : index
    %get3A_96 = arith.constant 0 : index
    %get3A_97 = arith.constant 0 : index
    %get3A_98 = vector.load %arg6[%get3A_94, %get3A_95, %get3A_96, %get3A_97] : memref<1x1x1000x128xf32, #tpu.memory_space<vmem>>, vector<1x1x1000x128xf32>
    %get3A_99 = vector.shape_cast %get3A_98 : vector<1x1x1000x128xf32> to vector<1000x128xf32>
    %concatenate3A_100 = tpu.concatenate %get3A_93, %get3A_99 in 1 : vector<1000x128xf32>, vector<1000x128xf32> -> vector<1000x256xf32>
    %get3A_101 = arith.constant 0 : index
    %get3A_102 = arith.constant 0 : index
    %get3A_103 = arith.constant 0 : index
    %get3A_104 = vector.load %arg8[%get3A_101, %get3A_102, %get3A_103] : memref<1x1000x16xf32, #tpu.memory_space<vmem>>, vector<1x1000x1xf32>
    %get3A_105 = vector.shape_cast %get3A_104 : vector<1x1000x1xf32> to vector<1000x1xf32>
    %get3A_106 = arith.constant 0 : index
    %get3A_107 = arith.constant 0 : index
    %get3A_108 = vector.load %arg9[%get3A_106, %get3A_107] : memref<256x256xf32, #tpu.memory_space<vmem>>, vector<256x256xf32>
    %dot_general3A_109 = arith.constant dense<0.000000e+00> : vector<1000x256xf32>
    %dot_general3A_110 = tpu.matmul %concatenate3A_100, %get3A_108, %dot_general3A_109 {dimension_numbers = #tpu.dot_dimension_numbers<[1], [1], [0], [0], [0, 0, 1, 0], [], []>, transpose_lhs_hint = false} : vector<1000x256xf32>, vector<256x256xf32>, vector<1000x256xf32> -> vector<1000x256xf32>
    %get3A_111 = arith.constant 0 : index
    %get3A_112 = arith.constant 0 : index
    %get3A_113 = vector.load %arg15[%get3A_111, %get3A_112] : memref<256x256xf32, #tpu.memory_space<vmem>>, vector<256x256xf32>
    %dot_general3A_114 = arith.constant dense<0.000000e+00> : vector<1000x256xf32>
    %dot_general3A_115 = tpu.matmul %dot_general3A_110, %get3A_113, %dot_general3A_114 {dimension_numbers = #tpu.dot_dimension_numbers<[1], [1], [0], [0], [0, 0, 1, 0], [], []>, transpose_lhs_hint = false} : vector<1000x256xf32>, vector<256x256xf32>, vector<1000x256xf32> -> vector<1000x256xf32>
    %get3A_116 = arith.constant 0 : index
    %get3A_117 = vector.load %arg10[%get3A_116] : memref<256xf32, #tpu.memory_space<vmem>>, vector<256xf32>
    %broadcast_in_dim3A_118 = vector.shape_cast %get3A_117 : vector<256xf32> to vector<1x256xf32>
    %get3A_119 = arith.constant 0 : index
    %get3A_120 = arith.constant 0 : index
    %get3A_121 = vector.load %arg15[%get3A_119, %get3A_120] : memref<256x256xf32, #tpu.memory_space<vmem>>, vector<256x256xf32>
    %dot_general3A_122 = arith.constant dense<0.000000e+00> : vector<1x256xf32>
    %dot_general3A_123 = tpu.matmul %broadcast_in_dim3A_118, %get3A_121, %dot_general3A_122 {dimension_numbers = #tpu.dot_dimension_numbers<[1], [1], [0], [0], [0, 0, 1, 0], [], []>, transpose_lhs_hint = false} : vector<1x256xf32>, vector<256x256xf32>, vector<1x256xf32> -> vector<1x256xf32>
    %get3A_124 = arith.constant 0 : index
    %get3A_125 = vector.load %arg16[%get3A_124] : memref<256xf32, #tpu.memory_space<vmem>>, vector<256xf32>
    %broadcast_in_dim3A_126 = vector.shape_cast %get3A_125 : vector<256xf32> to vector<1x256xf32>
    %add3A_127 = arith.addf %dot_general3A_123, %broadcast_in_dim3A_126 : vector<1x256xf32>
    %mul3A_128 = vector.broadcast %get3A_105 : vector<1000x1xf32> to vector<1000x256xf32>
    %mul3A_129 = vector.broadcast %add3A_127 : vector<1x256xf32> to vector<1000x256xf32>
    %mul3A_130 = arith.mulf %mul3A_128, %mul3A_129 : vector<1000x256xf32>
    %add3A_131 = arith.addf %dot_general3A_115, %mul3A_130 : vector<1000x256xf32>
    %max3A_132 = arith.constant 1.000000e+00 : f32
    %max3A_133 = vector.broadcast %max3A_132 : f32 to vector<1000x1xf32>
    %max3A_134 = arith.maximumf %get3A_105, %max3A_133 : vector<1000x1xf32>
    %div3A_135 = vector.broadcast %max3A_134 : vector<1000x1xf32> to vector<1000x256xf32>
    %div3A_136 = arith.divf %add3A_131, %div3A_135 : vector<1000x256xf32>
    %add3A_137 = arith.addf %div3A_136, %add3A_21 : vector<1000x256xf32>
    %get3A_138 = arith.constant 0 : index
    %get3A_139 = arith.constant 0 : index
    %get3A_140 = vector.load %arg17[%get3A_138, %get3A_139] : memref<256x256xf32, #tpu.memory_space<vmem>>, vector<256x256xf32>
    %dot_general3A_141 = arith.constant dense<0.000000e+00> : vector<1000x256xf32>
    %dot_general3A_142 = tpu.matmul %add3A_137, %get3A_140, %dot_general3A_141 {dimension_numbers = #tpu.dot_dimension_numbers<[1], [1], [0], [0], [0, 0, 1, 0], [], []>, transpose_lhs_hint = false} : vector<1000x256xf32>, vector<256x256xf32>, vector<1000x256xf32> -> vector<1000x256xf32>
    %get3A_143 = arith.constant 0 : index
    %get3A_144 = vector.load %arg18[%get3A_143] : memref<256xf32, #tpu.memory_space<vmem>>, vector<256xf32>
    %broadcast_in_dim3A_145 = vector.shape_cast %get3A_144 : vector<256xf32> to vector<1x256xf32>
    %add3A_146 = vector.broadcast %broadcast_in_dim3A_145 : vector<1x256xf32> to vector<1000x256xf32>
    %add3A_147 = arith.addf %dot_general3A_142, %add3A_146 : vector<1000x256xf32>
    %reduce_max3A_148 = arith.constant dense<0xFF800000> : vector<1000xf32>
    %reduce_max3A_149 = vector.multi_reduction <maximumf>, %add3A_147, %reduce_max3A_148 [1] : vector<1000x256xf32> to vector<1000xf32>
    %broadcast_in_dim3A_150 = vector.shape_cast %reduce_max3A_149 : vector<1000xf32> to vector<1000x1xf32>
    %sub3A_151 = vector.broadcast %broadcast_in_dim3A_150 : vector<1000x1xf32> to vector<1000x256xf32>
    %sub3A_152 = arith.subf %add3A_147, %sub3A_151 : vector<1000x256xf32>
    %exp3A_153 = math.exp %sub3A_152 : vector<1000x256xf32>
    %reduce_sum3A_154 = arith.constant dense<0.000000e+00> : vector<1000xf32>
    %reduce_sum3A_155 = vector.multi_reduction <add>, %exp3A_153, %reduce_sum3A_154 [1] : vector<1000x256xf32> to vector<1000xf32>
    %broadcast_in_dim3A_156 = vector.shape_cast %reduce_sum3A_155 : vector<1000xf32> to vector<1000x1xf32>
    %log3A_157 = math.log %broadcast_in_dim3A_156 : vector<1000x1xf32>
    %add3A_158 = arith.addf %broadcast_in_dim3A_150, %log3A_157 : vector<1000x1xf32>
    %sub3A_159 = vector.broadcast %add3A_158 : vector<1000x1xf32> to vector<1000x256xf32>
    %sub3A_160 = arith.subf %add3A_147, %sub3A_159 : vector<1000x256xf32>
    %swap3A_161 = arith.constant 0 : index
    %swap3A_162 = arith.constant 0 : index
    %swap3A_163 = vector.load %arg22[%swap3A_161, %swap3A_162] : memref<1000x256xf32, #tpu.memory_space<vmem>>, vector<1000x256xf32>
    tpu.vector_store %arg22[%swap3A_161, %swap3A_162], %sub3A_160 {strides = array<i32>} : memref<1000x256xf32, #tpu.memory_space<vmem>>, vector<1000x256xf32>,
    return
  }
  func.func @transform_0(%arg0: i32) -> (i32, i32) {
    %c0_i32 = arith.constant 0 : i32
    %c0_i32_0 = arith.constant 0 : i32
    return %arg0, %c0_i32 : i32, i32
  }
  func.func @transform_1(%arg0: i32) -> (i32, i32) {
    %c0_i32 = arith.constant 0 : i32
    %c0_i32_0 = arith.constant 0 : i32
    return %arg0, %c0_i32 : i32, i32
  }
  func.func @transform_2(%arg0: i32) -> (i32, i32, i32, i32) {
    %c0_i32 = arith.constant 0 : i32
    %c0_i32_0 = arith.constant 0 : i32
    %c0_i32_1 = arith.constant 0 : i32
    %c0_i32_2 = arith.constant 0 : i32
    return %c0_i32, %c0_i32_0, %arg0, %c0_i32_1 : i32, i32, i32, i32
  }
  func.func @transform_3(%arg0: i32) -> (i32, i32, i32, i32) {
    %c0_i32 = arith.constant 0 : i32
    %c1_i32 = arith.constant 1 : i32
    %c0_i32_0 = arith.constant 0 : i32
    %c0_i32_1 = arith.constant 0 : i32
    return %c0_i32, %c1_i32, %arg0, %c0_i32_0 : i32, i32, i32, i32
  }
  func.func @transform_4(%arg0: i32) -> (i32, i32, i32, i32) {
    %c1_i32 = arith.constant 1 : i32
    %c0_i32 = arith.constant 0 : i32
    %c0_i32_0 = arith.constant 0 : i32
    %c0_i32_1 = arith.constant 0 : i32
    return %c1_i32, %c0_i32, %arg0, %c0_i32_0 : i32, i32, i32, i32
  }
  func.func @transform_5(%arg0: i32) -> (i32, i32, i32, i32) {
    %c1_i32 = arith.constant 1 : i32
    %c1_i32_0 = arith.constant 1 : i32
    %c0_i32 = arith.constant 0 : i32
    %c0_i32_1 = arith.constant 0 : i32
    return %c1_i32, %c1_i32_0, %arg0, %c0_i32 : i32, i32, i32, i32
  }
  func.func @transform_6(%arg0: i32) -> (i32, i32, i32) {
    %c0_i32 = arith.constant 0 : i32
    %c0_i32_0 = arith.constant 0 : i32
    %c0_i32_1 = arith.constant 0 : i32
    return %c0_i32, %arg0, %c0_i32_0 : i32, i32, i32
  }
  func.func @transform_7(%arg0: i32) -> (i32, i32, i32) {
    %c1_i32 = arith.constant 1 : i32
    %c0_i32 = arith.constant 0 : i32
    %c0_i32_0 = arith.constant 0 : i32
    return %c1_i32, %arg0, %c0_i32 : i32, i32, i32
  }
  func.func @transform_8(%arg0: i32) -> (i32, i32) {
    %c0_i32 = arith.constant 0 : i32
    %c0_i32_0 = arith.constant 0 : i32
    %c0_i32_1 = arith.constant 0 : i32
    return %c0_i32, %c0_i32_0 : i32, i32
  }
  func.func @transform_9(%arg0: i32) -> i32 {
    %c0_i32 = arith.constant 0 : i32
    %c0_i32_0 = arith.constant 0 : i32
    return %c0_i32 : i32
  }
  func.func @transform_10(%arg0: i32) -> (i32, i32) {
    %c0_i32 = arith.constant 0 : i32
    %c0_i32_0 = arith.constant 0 : i32
    %c0_i32_1 = arith.constant 0 : i32
    return %c0_i32, %c0_i32_0 : i32, i32
  }
  func.func @transform_11(%arg0: i32) -> i32 {
    %c0_i32 = arith.constant 0 : i32
    %c0_i32_0 = arith.constant 0 : i32
    return %c0_i32 : i32
  }
  func.func @transform_12(%arg0: i32) -> (i32, i32) {
    %c0_i32 = arith.constant 0 : i32
    %c0_i32_0 = arith.constant 0 : i32
    %c0_i32_1 = arith.constant 0 : i32
    return %c0_i32, %c0_i32_0 : i32, i32
  }
  func.func @transform_13(%arg0: i32) -> i32 {
    %c0_i32 = arith.constant 0 : i32
    %c0_i32_0 = arith.constant 0 : i32
    return %c0_i32 : i32
  }
  func.func @transform_14(%arg0: i32) -> (i32, i32) {
    %c0_i32 = arith.constant 0 : i32
    %c0_i32_0 = arith.constant 0 : i32
    %c0_i32_1 = arith.constant 0 : i32
    return %c0_i32, %c0_i32_0 : i32, i32
  }
  func.func @transform_15(%arg0: i32) -> i32 {
    %c0_i32 = arith.constant 0 : i32
    %c0_i32_0 = arith.constant 0 : i32
    return %c0_i32 : i32
  }
  func.func @transform_16(%arg0: i32) -> (i32, i32) {
    %c0_i32 = arith.constant 0 : i32
    %c0_i32_0 = arith.constant 0 : i32
    %c0_i32_1 = arith.constant 0 : i32
    return %c0_i32, %c0_i32_0 : i32, i32
  }
  func.func @transform_17(%arg0: i32) -> i32 {
    %c0_i32 = arith.constant 0 : i32
    %c0_i32_0 = arith.constant 0 : i32
    return %c0_i32 : i32
  }
  func.func @transform_18(%arg0: i32) -> (i32, i32) {
    %c0_i32 = arith.constant 0 : i32
    %c0_i32_0 = arith.constant 0 : i32
    %c0_i32_1 = arith.constant 0 : i32
    return %c0_i32, %c0_i32_0 : i32, i32
  }
  func.func @transform_19(%arg0: i32) -> i32 {
    %c0_i32 = arith.constant 0 : i32
    %c0_i32_0 = arith.constant 0 : i32
    return %c0_i32 : i32
  }
  func.func @transform_20(%arg0: i32) -> (i32, i32) {
    %c0_i32 = arith.constant 0 : i32
    %c0_i32_0 = arith.constant 0 : i32
    return %arg0, %c0_i32 : i32, i32
  }
  func.func @transform_21(%arg0: i32) -> (i32, i32) {
    %c0_i32 = arith.constant 0 : i32
    %c0_i32_0 = arith.constant 0 : i32
    return %arg0, %c0_i32 : i32, i32
  }
}

</mosaic_0001>

<sc_bundles>
// kernel: kernel.4.cloned.1.call-start
scs
__scs_entry_jumppad:
0x0: {  	(pc) =	sbr.rel $0x88, $3  }
0x1: {  	(tag) =	ssettag $0x0;
	lr =	simm.s32 $0x1  }
0x2: {  	[smem:$0x3F91] =	sst lr;
	_ =	strace $0xD0000000  }
0x3: {  	_ = 	snop  }
0x4: {  	_ = 	snop  }
0x5: {  	_ = 	snop  }
0x6: {  	_ = 	snop  }
0x7: {  	_ = 	snop  }
__scs_overlays_trampoline_lowered:
0x8: {  	[smem:$0x3FA0] =	sst s0  }
0x9: {  	[smem:$0x3FA1] =	sst s1  }
0xa: {  	[smem:$0x3FA2] =	sst s2  }
0xb: {  	[smem:$0x3FA3] =	sst s3  }
0xc: {  	[smem:$0x3FA4] =	sst s4  }
0xd: {  	[smem:$0x3FA5] =	sst s5  }
0xe: {  	[smem:$0x3FA6] =	sst s6  }
0xf: {  	[smem:$0x3FA7] =	sst s7  }
0x10: {  	[smem:$0x3FA8] =	sst s8  }
0x11: {  	[smem:$0x3FA9] =	sst s9;
	s0 =	simm.s32 @!p0 $0x0  }
0x12: {  	s1 =	sld [smem:$0x3F8F];
	s0 =	simm.s32 @p0 $0x1  }
0x13: {  	[smem:$0x3FAA] =	sst s0;
	s0 =	simm.s32 @!p1 $0x0  }
0x14: {  	s2 =	sld [smem:$0x3F8E];
	s0 =	simm.s32 @p1 $0x1  }
0x15: {  	[smem:$0x3FAB] =	sst s0;
	s0 =	simm.s32 @!p2 $0x0  }
0x16: {  	s3 =	sld [smem:$0x3FDB];
	s0 =	simm.s32 @p2 $0x1  }
0x17: {  	s4 =	simm.s32 $0x1BF5;
	[smem:$0x3FAD] =	sst s0  }
0x18: {  	s0 =	sld [smem:$0x3F90];
	_ =	swait.ge [sflag:s4], $0x0  }
0x19: {  	s7 =	sld [smem:$0x3F91]  }
0x1a: {  	s8 =	sadd.s32 $0xFFFFE003, lr  }
0x1b: {  	s9 =	sadd.s32 $0xFFFFFEF7, lr;
	s5 =	simm.s32 $0xFFFFFFFF;
	p2 =	slt.u32 s8, $0xFFFFF086  }
0x1c: {  	p1 =	slt.u32 s9, $0xF7A;
	s5 =	simm.s32 @!p2 $0x0  }
0x1d: {  	s5 =	simm.s32 @p1 $0x1;
	p0 =	seq.s32 s7, s2  }
0x1e: {  	s7 =	smul.u32 @!p0 $0xF7A, s2;
	p2 =	seq.s32 @!p0 s5, $0x0  }
0x1f: {  	s9 =	smul.u32 $0xF7A, s1;
	s8 =	simm.s32 @!p0 $0x1BF5;
	p2 =	por !p2, p0  }
0x20: {  	[sflag:s8] =	ssyncset.s32 @!p0 $0xFFFFF086;
	s6 =	sadd.s32 @!p0 s3, s7;
	s7 =	simm.s32 @!p0 $0x108  }
0x21: {  	s3 =	sadd.s32 s3, s9;
	s6 =	sadd.s32 @!p0 $0x88, s6;
	s7 =	simm.s32 @p2 $0x1082  }
0x22: {  	[simem:s7], [sflag:s8] =	dma.local @!p0 [hbm:s6], $0xF7A  }
0x23: {  	s9 =	sor.u32 $0xD0000000, s2;
	s6 =	simm.s32 $0x108;
	_ =	swait.ge @!p0 [sflag:s8], $0x0  }
0x24: {  	s3 =	sadd.s32 $0x88, s3;
	s6 =	simm.s32 @!p1 $0x1082;
	[sflag:s4] =	ssyncset.s32 $0xFFFFF086  }
0x25: {  	[simem:s6], [sflag:s4] =	dma.local [hbm:s3], $0xF7A  }
0x26: {  	[smem:$0x3F91] =	sst s1;
	(tag) =	ssettag s2;
	_ =	strace s9  }
0x27: {  	s1 =	sld [smem:$0x3FA1]  }
0x28: {  	s2 =	sld [smem:$0x3FA2]  }
0x29: {  	s4 =	sld [smem:$0x3FA4]  }
0x2a: {  	p0 =	seq.s32 s5, $0x0;
	s5 =	sld [smem:$0x3FA5]  }
0x2b: {  	s6 =	sld [smem:$0x3FA6]  }
0x2c: {  	s7 =	sld [smem:$0x3FA7]  }
0x2d: {  	s3 =	simm.s32 $0x108;
	s8 =	sld [smem:$0x3FA8]  }
0x2e: {  	s3 =	simm.s32 @!p0 $0x1082;
	s9 =	sld [smem:$0x3FA9]  }
0x2f: {  	lr =	sadd.s32 s0, s3;
	s0 =	sld [smem:$0x3FA0]  }
0x30: {  	s3 =	sld [smem:$0x3FA3]  }
0x31: {  	[smem:$0x3FAC] =	sst s10  }
0x32: {  	s10 =	sld [smem:$0x3FAA];
	_ =	sdelay $0x3  }
0x33: {  	p0 =	seq.s32 s10, $0x1;
	s10 =	sld [smem:$0x3FAC];
	_ =	sdelay $0x3  }
0x34: {  	[smem:$0x3FAC] =	sst s10  }
0x35: {  	s10 =	sld [smem:$0x3FAB];
	_ =	sdelay $0x3  }
0x36: {  	p1 =	seq.s32 s10, $0x1;
	s10 =	sld [smem:$0x3FAC];
	_ =	sdelay $0x3  }
0x37: {  	[smem:$0x3FAC] =	sst s10  }
0x38: {  	s10 =	sld [smem:$0x3FAD]  }
0x39: {  	_ = 	snop;
	(pc) =	sbr.ind lr, $3  }
0x3a: {  	_ = 	snop  }
0x3b: {  	_ = 	snop  }
0x3c: {  	p2 =	seq.s32 s10, $0x1;
	s10 =	sld [smem:$0x3FAC]  }
0x3d: {  	_ =	shalt  }
0x3e: {  	_ =	shalt  }
0x3f: {  	_ =	shalt  }
0x40: {  	_ =	shalt  }
0x41: {  	_ =	shalt  }
0x42: {  	_ =	shalt  }
0x43: {  	_ =	shalt  }
0x44: {  	_ =	shalt  }
0x45: {  	_ =	shalt  }
0x46: {  	_ =	shalt  }
0x47: {  	_ =	shalt  }
0x48: {  	_ =	shalt  }
0x49: {  	_ =	shalt  }
0x4a: {  	_ =	shalt  }
0x4b: {  	_ =	shalt  }
0x4c: {  	_ =	shalt  }
0x4d: {  	_ =	shalt  }
0x4e: {  	_ =	shalt  }
0x4f: {  	_ =	shalt  }
0x50: {  	_ =	shalt  }
0x51: {  	_ =	shalt  }
0x52: {  	_ =	shalt  }
0x53: {  	_ =	shalt  }
0x54: {  	_ =	shalt  }
0x55: {  	_ =	shalt  }
0x56: {  	_ =	shalt  }
0x57: {  	_ =	shalt  }
0x58: {  	_ =	shalt  }
0x59: {  	_ =	shalt  }
0x5a: {  	_ =	shalt  }
0x5b: {  	_ =	shalt  }
0x5c: {  	_ =	shalt  }
0x5d: {  	_ =	shalt  }
0x5e: {  	_ =	shalt  }
0x5f: {  	_ =	shalt  }
0x60: {  	_ =	shalt  }
0x61: {  	_ =	shalt  }
0x62: {  	_ =	shalt  }
0x63: {  	_ =	shalt  }
0x64: {  	_ =	shalt  }
0x65: {  	_ =	shalt  }
0x66: {  	_ =	shalt  }
0x67: {  	_ =	shalt  }
0x68: {  	_ =	shalt  }
0x69: {  	_ =	shalt  }
0x6a: {  	_ =	shalt  }
0x6b: {  	_ =	shalt  }
0x6c: {  	_ =	shalt  }
0x6d: {  	_ =	shalt  }
0x6e: {  	_ =	shalt  }
0x6f: {  	_ =	shalt  }
0x70: {  	_ =	shalt  }
0x71: {  	_ =	shalt  }
0x72: {  	_ =	shalt  }
0x73: {  	_ =	shalt  }
0x74: {  	_ =	shalt  }
0x75: {  	_ =	shalt  }
0x76: {  	_ =	shalt  }
0x77: {  	_ =	shalt  }
0x78: {  	_ =	shalt  }
0x79: {  	_ =	shalt  }
0x7a: {  	_ =	shalt  }
0x7b: {  	_ =	shalt  }
0x7c: {  	_ =	shalt  }
0x7d: {  	_ =	shalt  }
0x7e: {  	_ =	shalt  }
0x7f: {  	_ =	shalt  }
0x80: {  	_ =	shalt  }
0x81: {  	_ =	shalt  }
0x82: {  	_ =	shalt  }
0x83: {  	_ =	shalt  }
0x84: {  	_ =	shalt  }
0x85: {  	_ =	shalt  }
0x86: {  	_ =	shalt  }
0x87: {  	_ =	shalt  }
.Lfunc_end0:
.L_simem_size_0:
called_computation_lowered:
.L_overlay_start_0:
0x88: {  	s2 =	sld [smem:$0x3FD9]  }
0x89: {  	s3 =	sld [smem:$0x3FFE];
	_ =	sdelay $0x1  }
0x8a: {  	s1 =	srdreg.scid  }
0x8b: {  	s0 =	sand.u32 $0x1, s1  }
0x8c: {  	s14 =	sshll.u32 s0, $0xA;
	s2 =	sadd.s32 s3, s2  }
0x8d: {  	s2 =	sadd.s32 s2, s14  }
0x8e: {  	[smem:$0x3FB8] =	sst s2  }
0x8f: {  	_ = 	snop  }
0x90: {  	s2 =	sld [smem:$0x3FD0];
	_ =	sdelay $0x2  }
0x91: {  	s15 =	simm.s32 $0xA;
	s4 =	simm.s32 $0x10  }
0x92: {  	[smem:s4], [sflag:s15] =	dma.local [hbm:s2], $0x1  }
0x93: {  	_ =	swait.eq [sflag:s15], $0x1  }
0x94: {  	[sflag:s15] =	ssyncset.done $0x0  }
0x95: {  	s16 =	sld [smem:$0x10];
	[sflag:s15] =	ssyncadd.s32 $0xFFFFFFFF  }
0x96: {  	s17 =	sld [smem:$0x11];
	(tm) =	ssettm $0x1  }
0x97: {  	s18 =	sld [smem:$0x3FFB];
	_ =	sdelay $0x3  }
0x98: {  	_ =	strace s18  }
0x99: {  	s4 =	sld [smem:$0x3FFC];
	_ =	sdelay $0x3  }
0x9a: {  	_ =	strace s4  }
0x9b: {  	s4 =	sld [smem:$0x3FFD];
	_ =	sdelay $0x3  }
0x9c: {  	_ =	strace s4  }
0x9d: {  	_ =	strace $0x8FFFFFFF  }
0x9e: {  	s19 =	sld [smem:$0x3FDB];
	_ =	sdelay $0x1  }
0x9f: {  	s5 =	simm.s32 $_scs_section_size  }
0xa0: {  	s6 =	simm.s32 $_size__tile_overlayer_lowered;
	s7 =	simm.s32 $_tile_overlayer_lowered  }
0xa1: {  	s22 =	simm.s32 $0x1BFF;
	s21 =	sshll.u32 s7, $0x1;
	s4 =	sadd.s32 s5, s19  }
0xa2: {  	s8 =	simm.s32 $0x0;
	s20 =	sshll.u32 s6, $0x1;
	s6 =	sadd.s32 s21, s4  }
0xa3: {  	[timem:s8], [sflag:s22] =	dma.local [hbm:s6], s20  }
0xa4: {  	_ =	swait.ge [sflag:s22], s20  }
0xa5: {  	s5 =	ssub.s32 $0x0, s20;
	[sflag:s22] =	ssyncset.done $0x0  }
0xa6: {  	[sflag:s22] =	ssyncadd.s32 s5;
	_ =	sdelay $0x1  }
0xa7: {  	s23 =	simm.s32 $0x1B8B  }
0xa8: {  	_ =	swait.ge [sflag:s23], $0x1  }
0xa9: {  	[sflag:s23] =	ssyncset.done $0x0  }
0xaa: {  	s25 =	simm.s32 $0x1B8E;
	s24 =	sld [smem:$0x3FFE];
	[sflag:s23] =	ssyncadd.s32 $0xFFFFFFFF  }
0xab: {  	s26 =	simm.s32 $execute0_lowered;
	[smem:$0x3FD2] =	sst s25  }
0xac: {  	s6 =	sshll.u32 s26, $0x1;
	_ =	strace $0x80000046;
	[dreg:$0x1] =	wrdreg $0xFFFFFFFF  }
0xad: {  	s28 =	simm.s32 $_size_execute0_lowered;
	s4 =	sadd.s32 s4, s6;
	[dreg:$0x0] =	wrdreg $0x0  }
0xae: {  	s6 =	sshll.u32 s28, $0x1;
	[dreg:$0x2] =	wrdreg s4  }
0xaf: {  	[dreg:$0x3] =	wrdreg s6  }
0xb0: {  	[dreg:$0x4] =	wrdreg $0xC0  }
0xb1: {  	_ =	task [dreg:s8], $0x5FFFF  }
0xb2: {  	[dreg:$0x1] =	wrdreg $0xFFFFFFFF  }
0xb3: {  	[dreg:$0x0] =	wrdreg $0x60  }
0xb4: {  	[dreg:$0x2] =	wrdreg s17  }
0xb5: {  	[dreg:$0x3] =	wrdreg s16  }
0xb6: {  	[dreg:$0x4] =	wrdreg s24  }
0xb7: {  	[dreg:$0x5] =	wrdreg $0x9CA00  }
0xb8: {  	[dreg:$0x6] =	wrdreg $0x1D5200  }
0xb9: {  	[dreg:$0x7] =	wrdreg $0x9  }
0xba: {  	_ =	task.clear_ibuf [dreg:s8], $0x8FFFF;
	_ =	strace $0x90000046  }
0xbb: {  	s29 =	simm.s32 $0x9;
	_ =	strace $0x80000048  }
0xbc: {  	_ =	swait.ge [sflag:s29], $0x1  }
0xbd: {  	[sflag:s29] =	ssyncadd.s32 $0xFFFFFFFF  }
0xbe: {  	_ =	strace $0x90000048  }
0xbf: {  	_ =	sfence  }
0xc0: {  	s30 =	sld [smem:$0x0];
	_ =	sdelay $0x2  }
0xc1: {  	s31 =	sshll.u32 s1, $0xD;
	s1 =	sshrl.u32 s1, $0x2  }
0xc2: {  	s3 =	sand.u32 $0x4000, s31;
	s1 =	sadd.s32 s1, s30  }
0xc3: {  	s0 =	sor.u32 s3, s0;
	s1 =	sshll.u32 s1, $0x11  }
0xc4: {  	s0 =	sor.u32 s1, s0  }
0xc5: {  	s0 =	sadd.s32 $0x8F2B, s0  }
0xc6: {  	[sflag:s0] =	ssyncadd.remote.s32 $0x1  }
0xc7: {  	_ =	sfence.sel $0xFFFF  }
0xc8: {  	[dreg:$0x0] =	wrdreg $0xFFFFFFFF;
	(pc) =	sbr.abs _section_cstart, $3  }
0xc9: {  	[dreg:$0x1] =	wrdreg $0xFFFFFFFF  }
0xca: {  	_ =	task.clear_ibuf [dreg:s8], $0x2FFFF;
	_ =	strace $0x9FFFFFFF  }
0xcb: {  	(tm) =	ssettm $0x7FFFFFFF  }
tec
execute0_lowered:
.L_overlay_start_1:
0x0: {  	(tag) =	ssettag $0x1  }
0x1: {  	s0 =	rddreg [dreg:$0x0]  }
0x2: {  	s2 =	rddreg [dreg:$0x1]  }
0x3: {  	s4 =	rddreg [dreg:$0x2]  }
0x4: {  	s1 =	simm.s32 $0x0;
	s3 =	srdreg.scid;
	s16 =	stileid.u32  }
0x5: {  	s28 =	rddreg [dreg:$0x4];
	s31 =	simm.s32 $0x0;
	s7 =	smul.u32 $0x2710, s16  }
0x6: {  	[smem:$0x7FF] =	sst s1;
	s5 =	sand.u32 $0x1, s3;
	s6 =	sadd.s32 $0xDA00, s4  }
0x7: {  	s8 =	sadd.s32 $0x3C00, s4;
	s11 =	sadd.s32 $0x1A000, s4;
	s12 =	sshrl.u32 s7, $0x3  }
0x8: {  	s30 =	sadd.s32 $0x17800, s4;
	s3 =	ssub.s32 $0x2, s5;
	s19 =	sadd.s32 s6, s12  }
0x9: {  	s10 =	smul.u32 $0x27100, s5;
	s24 =	sadd.s32 s11, s12;
	[dreg:$0x6] =	wrdreg s19  }
0xa: {  	s20 =	sadd.s32 $0x4E20, s12;
	s25 =	sadd.s32 s8, s12;
	[dreg:$0xb] =	wrdreg s24  }
0xb: {  	s21 =	sadd.s32 $0x270, s12;
	s13 =	sadd.s32 s6, s20;
	[dreg:$0xc] =	wrdreg s25  }
0xc: {  	s14 =	sadd.s32 $0x5090, s12;
	s15 =	sadd.s32 s6, s21;
	[dreg:$0x7] =	wrdreg s13  }
0xd: {  	s23 =	sadd.s32 $0x5300, s12;
	s22 =	sadd.s32 s6, s14;
	[dreg:$0x8] =	wrdreg s15  }
0xe: {  	p0 =	sne.s32 s5, $0x0;
	s17 =	sadd.s32 s6, s23;
	[dreg:$0x9] =	wrdreg s22  }
0xf: {  	s9 =	sshrl.u32 s3, $0x1;
	s26 =	sadd.s32 s8, s20;
	[dreg:$0xa] =	wrdreg s17  }
0x10: {  	s9 =	ssub.s32 s3, s9;
	s18 =	sadd.s32 s8, s23;
	[dreg:$0xd] =	wrdreg s26  }
0x11: {  	s3 =	sadd.s32 s0, s10;
	s0 =	sadd.s32 s11, s20;
	[dreg:$0x10] =	wrdreg s18  }
0x12: {  	s10 =	sadd.s32 s2, s10;
	s13 =	sadd.s32 s8, s21;
	[dreg:$0x11] =	wrdreg s0  }
0x13: {  	s19 =	sadd.s32 $0x4E30, s12;
	s17 =	sadd.s32 s8, s14;
	[dreg:$0xe] =	wrdreg s13  }
0x14: {  	s20 =	sadd.s32 $0x4E40, s12;
	s22 =	sadd.s32 s6, s19;
	[dreg:$0xf] =	wrdreg s17  }
0x15: {  	s25 =	smul.u32 $0x13880, s16;
	s0 =	sadd.s32 s8, s19;
	[dreg:$0x12] =	wrdreg s22  }
0x16: {  	s11 =	simm.s32 $0x2;
	s23 =	sadd.s32 s6, s20;
	[dreg:$0x13] =	wrdreg s0  }
0x17: {  	s21 =	sadd.s32 $0x50A0, s12;
	s24 =	sadd.s32 s8, s20;
	[dreg:$0x14] =	wrdreg s23  }
0x18: {  	s12 =	sadd.s32 $0x50B0, s12;
	s14 =	smul.u32 $0x4E2, s16;
	[dreg:$0x15] =	wrdreg s24  }
0x19: {  	s15 =	smul.u32 $0x138800, s5;
	s26 =	sadd.s32 s6, s21;
	s22 =	rddreg [dreg:$0x3]  }
0x1a: {  	s19 =	sshll.u32 s16, $0x6;
	s13 =	sadd.s32 s8, s21;
	[dreg:$0x16] =	wrdreg s26  }
0x1b: {  	s20 =	sadd.s32 s7, s28;
	s17 =	sadd.s32 s6, s12;
	[dreg:$0x17] =	wrdreg s13  }
0x1c: {  	s16 =	simm.s32 $0x54A0;
	s12 =	sadd.s32 s8, s12;
	[dreg:$0x18] =	wrdreg s17  }
0x1d: {  	s23 =	sor.u32 $0x1C05, s19;
	s19 =	simm.s32 $0x3;
	[dreg:$0x19] =	wrdreg s12  }
0x1e: {  	s26 =	sadd.s32 s14, s6;
	s29 =	sadd.s32 s14, s8;
	s18 =	sadd.s32 s25, s15  }
0x1f: {  	s0 =	sadd.s32 s25, s22;
	s25 =	smax.u32 s9, $0x1;
	s8 =	simm.s32 $0x5  }
0x20: {  	s9 =	simm.s32 $0x1;
	s12 =	simm.s32 $0x10;
	s13 =	simm.s32 $0x80  }
0x21: {  	s14 =	simm.s32 $0x14A0;
	_ =	strace $0x80000047;
	[dreg:$0x1a] =	wrdreg s0  }
0x22: {  	s15 =	simm.s32 $0x1390;
	s2 =	sshrl.u32 s18, $0x3;
	[dreg:$0x1b] =	wrdreg s20  }
0x23: {  	s17 =	simm.s32 $0x1410;
	[dreg:$0x1e] =	wrdreg s25;
	s2 =	sadd.s32 s2, s4  }
0x24: {  	s6 =	sadd.s32 $0x50D0, s26;
	s7 =	sadd.s32 $0x50D0, s29;
	s21 =	sadd.s32 $0x23E00, s2  }
0x25: {  	s18 =	simm.s32 $0x94A0;
	s24 =	sadd.s32 $0x72000, s2;
	[dreg:$0x1c] =	wrdreg s21  }
0x26: {  	v0 =	vimm.f32 $1.000000000e+00;
	s20 =	simm.s32 $0x4;
	[dreg:$0x1d] =	wrdreg s24;
	s24 =	simm.s32 $0x1490  }
.LBB2_1:
0x27: {  	s2 =	simm.s32 $0x40;
	s4 =	simm.s32 $0x0  }
.LBB2_2:
0x28: {  	p1 =	sne.s32 s2, $0x1FC0;
	[tilespmem:s4+$0x94A0] =	vst v0;
	s4 =	smov.u32 s2;
	s2 =	sadd.s32 $0x40, s2  }
.Ltmp0:
0x29: {  	(pc) =	sbr.rel @p1 .LBB2_2-.Ltmp0, $2  }
0x2a: {  	_ =	sdelay $0x2  }
0x2b: {  	s4 =	sshra.s32 s4, $0x2  }
0x2c: {  	s0 =	rddreg [dreg:$0x1a]  }
0x2d: {  	[tilespmem:s4+$0x94A0] =	vst v0;
	s2 =	sshrl.u32 s0, $0x3  }
0x2e: {  	[spmem:s2], [sflag:s23] =	dma.local [hbm:s30], $0x2710  }
0x2f: {  	_ =	swait.ge [sflag:s8], $0x2710  }
0x30: {  	[sflag:s8] =	ssyncset.done $0x0;
	s5 =	rddreg [dreg:$0x1b]  }
0x31: {  	[sflag:s8] =	ssyncadd.s32 $0xFFFFD8F0;
	s4 =	sshrl.u32 s5, $0x3  }
0x32: {  	[spmem:s4@s11], [sflag:s23] =	dma.strided [hbm:s30@s12], $0x4E2, s9, $0x2   }
0x33: {  	_ =	swait.ge [sflag:s8], $0x4E2  }
0x34: {  	[sflag:s8] =	ssyncset.done $0x0  }
0x35: {  	[sflag:s8] =	ssyncadd.s32 $0xFFFFFB1E  }
0x36: {  	[bflag:$0x0] =	sbarrier.arrive $0xFFFF  }
0x37: {  	s21 =	rddreg [dreg:$0x6]  }
0x38: {  	[tilespmem:s1], [sflag:$0x5] =	stream.linear.gather [hbm4b:s21+s1], $0x1380, $0x38;
	[tilespmem:$0x1FC30] =	vst v63  }
0x39: {  	_ =	swait.ge [sflag:s8], $0x1380  }
0x3a: {  	[sflag:s8] =	ssyncset.done $0x0  }
0x3b: {  	[sflag:s8] =	ssyncadd.s32 $0xFFFFEC80  }
0x3c: {  	[tilespmem:s14], [sflag:$0x1] =	stream.indirect.gather [hbm4b:s3+s13], $0x80, s1, s13, $0xb8;
	[tilespmem:$0x1FC30] =	vst v63  }
0x3d: {  	s25 =	rddreg [dreg:$0x7]  }
0x3e: {  	[tilespmem:s15], [sflag:$0x2] =	stream.linear.gather [hbm4b:s25+s1], $0x80, $0x38;
	[tilespmem:$0x1FC30] =	vst v63  }
0x3f: {  	_ =	swait.ge [sflag:s9], $0x4000  }
0x40: {  	[sflag:s9] =	ssyncset.done $0x0  }
0x41: {  	[sflag:s9] =	ssyncadd.s32 $0xFFFFC000  }
0x42: {  	_ =	swait.ge [sflag:s11], $0x80  }
0x43: {  	[sflag:s11] =	ssyncset.done $0x0  }
0x44: {  	[sflag:s11] =	ssyncadd.s32 $0xFFFFFF80  }
0x45: {  	[tilespmem:s16], [sflag:$0x1] =	stream.indirect.gather [hbm4b:s3+s13], $0x80, s13, s13, $0xb8;
	[tilespmem:$0x1FC30] =	vst v63  }
0x46: {  	s5 =	rddreg [dreg:$0x12]  }
0x47: {  	[tilespmem:s17], [sflag:$0x2] =	stream.linear.gather [hbm4b:s5+s1], $0x80, $0x38;
	[tilespmem:$0x1FC30] =	vst v63  }
0x48: {  	_ = 	snop  }
0x49: {  	[spmem:s22] =	stream.indirect.scatter.add.f32 [tilespmem:s14], [sflag:$0x3], $0x80, s15, s13, $0xb8;
	[tilespmem:$0x1FC30] =	vst v63  }
0x4a: {  	_ = 	snop  }
0x4b: {  	[spmem:s28] =	stream.indirect.scatter.add.f32 [tilespmem:s18], [sflag:$0x4], $0x10, s15, s13, $0xb8;
	[tilespmem:$0x1FC30] =	vst v63  }
0x4c: {  	_ =	swait.ge [sflag:s9], $0x4000  }
0x4d: {  	[sflag:s9] =	ssyncset.done $0x0  }
0x4e: {  	[sflag:s9] =	ssyncadd.s32 $0xFFFFC000  }
0x4f: {  	_ =	swait.ge [sflag:s11], $0x80  }
0x50: {  	[sflag:s11] =	ssyncset.done $0x0  }
0x51: {  	[sflag:s11] =	ssyncadd.s32 $0xFFFFFF80  }
0x52: {  	_ =	swait.ge [sflag:s19], $0x4000  }
0x53: {  	[sflag:s19] =	ssyncset.done $0x0  }
0x54: {  	[sflag:s19] =	ssyncadd.s32 $0xFFFFC000  }
0x55: {  	_ =	swait.ge [sflag:s20], $0x800  }
0x56: {  	[sflag:s20] =	ssyncset.done $0x0  }
0x57: {  	s21 =	simm.s32 $0x100;
	[sflag:s20] =	ssyncadd.s32 $0xFFFFF800  }
0x58: {  	[tilespmem:s14], [sflag:$0x1] =	stream.indirect.gather [hbm4b:s3+s13], $0x80, s21, s13, $0xb8;
	[tilespmem:$0x1FC30] =	vst v63  }
0x59: {  	s25 =	rddreg [dreg:$0x14]  }
0x5a: {  	[tilespmem:s15], [sflag:$0x2] =	stream.linear.gather [hbm4b:s25+s1], $0x80, $0x38;
	[tilespmem:$0x1FC30] =	vst v63  }
0x5b: {  	_ = 	snop  }
0x5c: {  	[spmem:s22] =	stream.indirect.scatter.add.f32 [tilespmem:s16], [sflag:$0x3], $0x80, s17, s13, $0xb8;
	[tilespmem:$0x1FC30] =	vst v63  }
0x5d: {  	_ = 	snop  }
0x5e: {  	[spmem:s28] =	stream.indirect.scatter.add.f32 [tilespmem:s18], [sflag:$0x4], $0x10, s17, s13, $0xb8;
	[tilespmem:$0x1FC30] =	vst v63  }
0x5f: {  	_ =	swait.ge [sflag:s9], $0x4000  }
0x60: {  	[sflag:s9] =	ssyncset.done $0x0  }
0x61: {  	[sflag:s9] =	ssyncadd.s32 $0xFFFFC000  }
0x62: {  	_ =	swait.ge [sflag:s11], $0x80  }
0x63: {  	[sflag:s11] =	ssyncset.done $0x0  }
0x64: {  	[sflag:s11] =	ssyncadd.s32 $0xFFFFFF80  }
0x65: {  	_ =	swait.ge [sflag:s19], $0x4000  }
0x66: {  	[sflag:s19] =	ssyncset.done $0x0  }
0x67: {  	[sflag:s19] =	ssyncadd.s32 $0xFFFFC000  }
0x68: {  	_ =	swait.ge [sflag:s20], $0x800  }
0x69: {  	[sflag:s20] =	ssyncset.done $0x0  }
0x6a: {  	s5 =	simm.s32 $0x180;
	s25 =	sadd.s32 $0xFFFFFDC0, s26;
	[sflag:s20] =	ssyncadd.s32 $0xFFFFF800  }
0x6b: {  	[tilespmem:s16], [sflag:$0x1] =	stream.indirect.gather [hbm4b:s3+s13], $0x80, s5, s13, $0xb8;
	[tilespmem:$0x1FC30] =	vst v63  }
0x6c: {  	s0 =	sadd.s32 $0x5090, s25  }
0x6d: {  	[tilespmem:s17], [sflag:$0x2] =	stream.linear.gather [hbm4b:s0+s1], $0x80, $0x38;
	[tilespmem:$0x1FC30] =	vst v63  }
0x6e: {  	_ = 	snop  }
0x6f: {  	[spmem:s22] =	stream.indirect.scatter.add.f32 [tilespmem:s14], [sflag:$0x3], $0x80, s15, s13, $0xb8;
	[tilespmem:$0x1FC30] =	vst v63  }
0x70: {  	_ = 	snop  }
0x71: {  	[spmem:s28] =	stream.indirect.scatter.add.f32 [tilespmem:s18], [sflag:$0x4], $0x10, s15, s13, $0xb8;
	[tilespmem:$0x1FC30] =	vst v63  }
0x72: {  	_ =	swait.ge [sflag:s9], $0x4000  }
0x73: {  	[sflag:s9] =	ssyncset.done $0x0  }
0x74: {  	[sflag:s9] =	ssyncadd.s32 $0xFFFFC000  }
0x75: {  	_ =	swait.ge [sflag:s11], $0x80  }
0x76: {  	[sflag:s11] =	ssyncset.done $0x0  }
0x77: {  	[sflag:s11] =	ssyncadd.s32 $0xFFFFFF80  }
0x78: {  	_ =	swait.ge [sflag:s19], $0x4000  }
0x79: {  	[sflag:s19] =	ssyncset.done $0x0  }
0x7a: {  	[sflag:s19] =	ssyncadd.s32 $0xFFFFC000  }
0x7b: {  	_ =	swait.ge [sflag:s20], $0x800  }
0x7c: {  	[sflag:s20] =	ssyncset.done $0x0  }
0x7d: {  	s21 =	simm.s32 $0x200;
	[sflag:s20] =	ssyncadd.s32 $0xFFFFF800  }
0x7e: {  	[tilespmem:s14], [sflag:$0x1] =	stream.indirect.gather [hbm4b:s3+s13], $0x80, s21, s13, $0xb8;
	[tilespmem:$0x1FC30] =	vst v63  }
0x7f: {  	s25 =	sadd.s32 $0x50A0, s25  }
0x80: {  	[tilespmem:s15], [sflag:$0x2] =	stream.linear.gather [hbm4b:s25+s1], $0x80, $0x38;
	[tilespmem:$0x1FC30] =	vst v63  }
0x81: {  	s5 =	simm.s32 $0xFFFFFDE0;
	s25 =	simm.s32 $0x280  }
0x82: {  	[spmem:s22] =	stream.indirect.scatter.add.f32 [tilespmem:s16], [sflag:$0x3], $0x80, s17, s13, $0xb8;
	[tilespmem:$0x1FC30] =	vst v63  }
.LBB2_4:
0x83: {  	[spmem:s28] =	stream.indirect.scatter.add.f32 [tilespmem:s18], [sflag:$0x4], $0x10, s17, s13, $0xb8;
	[tilespmem:$0x1FC30] =	vst v63  }
0x84: {  	s0 =	smov.u32 s5  }
0x85: {  	p1 =	sne.s32 s5, $0xFFFFFFE0;
	s5 =	sadd.s32 $0x20, s5;
	_ =	swait.ge [sflag:s9], $0x4000  }
0x86: {  	[sflag:s9] =	ssyncset.done $0x0  }
0x87: {  	[sflag:s9] =	ssyncadd.s32 $0xFFFFC000  }
0x88: {  	_ =	swait.ge [sflag:s11], $0x80  }
0x89: {  	[sflag:s11] =	ssyncset.done $0x0  }
0x8a: {  	[sflag:s11] =	ssyncadd.s32 $0xFFFFFF80  }
0x8b: {  	_ =	swait.ge [sflag:s19], $0x4000  }
0x8c: {  	[sflag:s19] =	ssyncset.done $0x0  }
0x8d: {  	[sflag:s19] =	ssyncadd.s32 $0xFFFFC000  }
0x8e: {  	_ =	swait.ge [sflag:s20], $0x800  }
0x8f: {  	[sflag:s20] =	ssyncset.done $0x0  }
0x90: {  	s0 =	sadd.s32 s0, s26;
	[sflag:s20] =	ssyncadd.s32 $0xFFFFF800  }
0x91: {  	[tilespmem:s16], [sflag:$0x1] =	stream.indirect.gather [hbm4b:s3+s13], $0x80, s25, s13, $0xb8;
	[tilespmem:$0x1FC30] =	vst v63  }
0x92: {  	s21 =	sadd.s32 $0x5090, s0  }
0x93: {  	[tilespmem:s17], [sflag:$0x2] =	stream.linear.gather [hbm4b:s21+s1], $0x80, $0x38;
	[tilespmem:$0x1FC30] =	vst v63  }
0x94: {  	_ = 	snop  }
0x95: {  	[spmem:s22] =	stream.indirect.scatter.add.f32 [tilespmem:s14], [sflag:$0x3], $0x80, s15, s13, $0xb8;
	[tilespmem:$0x1FC30] =	vst v63  }
0x96: {  	_ = 	snop  }
0x97: {  	[spmem:s28] =	stream.indirect.scatter.add.f32 [tilespmem:s18], [sflag:$0x4], $0x10, s15, s13, $0xb8;
	[tilespmem:$0x1FC30] =	vst v63  }
0x98: {  	_ =	swait.ge [sflag:s9], $0x4000  }
0x99: {  	[sflag:s9] =	ssyncset.done $0x0  }
0x9a: {  	[sflag:s9] =	ssyncadd.s32 $0xFFFFC000  }
0x9b: {  	_ =	swait.ge [sflag:s11], $0x80  }
0x9c: {  	[sflag:s11] =	ssyncset.done $0x0  }
0x9d: {  	[sflag:s11] =	ssyncadd.s32 $0xFFFFFF80  }
0x9e: {  	_ =	swait.ge [sflag:s19], $0x4000  }
0x9f: {  	[sflag:s19] =	ssyncset.done $0x0  }
0xa0: {  	[sflag:s19] =	ssyncadd.s32 $0xFFFFC000  }
0xa1: {  	_ =	swait.ge [sflag:s20], $0x800  }
0xa2: {  	[sflag:s20] =	ssyncset.done $0x0  }
0xa3: {  	s21 =	sadd.s32 $0x80, s25;
	[sflag:s20] =	ssyncadd.s32 $0xFFFFF800  }
0xa4: {  	[tilespmem:s14], [sflag:$0x1] =	stream.indirect.gather [hbm4b:s3+s13], $0x80, s21, s13, $0xb8;
	[tilespmem:$0x1FC30] =	vst v63  }
.Ltmp1:
0xa5: {  	s0 =	sadd.s32 $0x50A0, s0;
	(pc) =	sbr.rel @p1 .LBB2_4-.Ltmp1, $4  }
0xa6: {  	[tilespmem:s15], [sflag:$0x2] =	stream.linear.gather [hbm4b:s0+s1], $0x80, $0x38;
	[tilespmem:$0x1FC30] =	vst v63  }
0xa7: {  	_ = 	snop  }
0xa8: {  	[spmem:s22] =	stream.indirect.scatter.add.f32 [tilespmem:s16], [sflag:$0x3], $0x80, s17, s13, $0xb8;
	[tilespmem:$0x1FC30] =	vst v63  }
0xa9: {  	s25 =	sadd.s32 $0x100, s25  }
0xaa: {  	[spmem:s28] =	stream.indirect.scatter.add.f32 [tilespmem:s18], [sflag:$0x4], $0x10, s17, s13, $0xb8;
	[tilespmem:$0x1FC30] =	vst v63  }
0xab: {  	_ =	swait.ge [sflag:s9], $0x4000  }
0xac: {  	[sflag:s9] =	ssyncset.done $0x0  }
0xad: {  	[sflag:s9] =	ssyncadd.s32 $0xFFFFC000  }
0xae: {  	_ =	swait.ge [sflag:s11], $0x80  }
0xaf: {  	[sflag:s11] =	ssyncset.done $0x0  }
0xb0: {  	[sflag:s11] =	ssyncadd.s32 $0xFFFFFF80  }
0xb1: {  	_ =	swait.ge [sflag:s19], $0x4000  }
0xb2: {  	[sflag:s19] =	ssyncset.done $0x0  }
0xb3: {  	[sflag:s19] =	ssyncadd.s32 $0xFFFFC000  }
0xb4: {  	_ =	swait.ge [sflag:s20], $0x800  }
0xb5: {  	[sflag:s20] =	ssyncset.done $0x0  }
0xb6: {  	[sflag:s20] =	ssyncadd.s32 $0xFFFFF800  }
0xb7: {  	[spmem:s22] =	stream.indirect.scatter.add.f32 [tilespmem:s14], [sflag:$0x5], $0x80, s15, s13, $0xb8;
	[tilespmem:$0x1FC30] =	vst v63  }
0xb8: {  	_ =	swait.ge [sflag:s8], $0x4000  }
0xb9: {  	[sflag:s8] =	ssyncset.done $0x0  }
0xba: {  	[sflag:s8] =	ssyncadd.s32 $0xFFFFC000  }
0xbb: {  	[spmem:s28] =	stream.indirect.scatter.add.f32 [tilespmem:s18], [sflag:$0x5], $0x10, s15, s13, $0xb8;
	[tilespmem:$0x1FC30] =	vst v63  }
0xbc: {  	_ =	swait.ge [sflag:s8], $0x800  }
0xbd: {  	[sflag:s8] =	ssyncset.done $0x0  }
0xbe: {  	s0 =	rddreg [dreg:$0x8];
	[sflag:s8] =	ssyncadd.s32 $0xFFFFF800  }
0xbf: {  	[tilespmem:s1], [sflag:$0x5] =	stream.linear.gather [hbm4b:s0+s1], $0x1390, $0x38;
	[tilespmem:$0x1FC30] =	vst v63  }
0xc0: {  	_ =	swait.ge [sflag:s8], $0x1390  }
0xc1: {  	[sflag:s8] =	ssyncset.done $0x0  }
0xc2: {  	[sflag:s8] =	ssyncadd.s32 $0xFFFFEC70  }
0xc3: {  	[tilespmem:s14], [sflag:$0x1] =	stream.indirect.gather [hbm4b:s3+s13], $0x80, s1, s13, $0xb8;
	[tilespmem:$0x1FC30] =	vst v63  }
0xc4: {  	s25 =	rddreg [dreg:$0x9]  }
0xc5: {  	[tilespmem:s15], [sflag:$0x2] =	stream.linear.gather [hbm4b:s25+s1], $0x80, $0x38;
	[tilespmem:$0x1FC30] =	vst v63  }
0xc6: {  	_ =	swait.ge [sflag:s9], $0x4000  }
0xc7: {  	[sflag:s9] =	ssyncset.done $0x0  }
0xc8: {  	[sflag:s9] =	ssyncadd.s32 $0xFFFFC000  }
0xc9: {  	_ =	swait.ge [sflag:s11], $0x80  }
0xca: {  	[sflag:s11] =	ssyncset.done $0x0  }
0xcb: {  	[sflag:s11] =	ssyncadd.s32 $0xFFFFFF80  }
0xcc: {  	[tilespmem:s16], [sflag:$0x1] =	stream.indirect.gather [hbm4b:s3+s13], $0x80, s13, s13, $0xb8;
	[tilespmem:$0x1FC30] =	vst v63  }
0xcd: {  	s5 =	rddreg [dreg:$0x16]  }
0xce: {  	[tilespmem:s17], [sflag:$0x2] =	stream.linear.gather [hbm4b:s5+s1], $0x80, $0x38;
	[tilespmem:$0x1FC30] =	vst v63  }
0xcf: {  	_ = 	snop  }
0xd0: {  	[spmem:s22] =	stream.indirect.scatter.add.f32 [tilespmem:s14], [sflag:$0x3], $0x80, s15, s13, $0xb8;
	[tilespmem:$0x1FC30] =	vst v63  }
0xd1: {  	_ = 	snop  }
0xd2: {  	[spmem:s28] =	stream.indirect.scatter.add.f32 [tilespmem:s18], [sflag:$0x4], $0x10, s15, s13, $0xb8;
	[tilespmem:$0x1FC30] =	vst v63  }
0xd3: {  	_ =	swait.ge [sflag:s9], $0x4000  }
0xd4: {  	[sflag:s9] =	ssyncset.done $0x0  }
0xd5: {  	[sflag:s9] =	ssyncadd.s32 $0xFFFFC000  }
0xd6: {  	_ =	swait.ge [sflag:s11], $0x80  }
0xd7: {  	[sflag:s11] =	ssyncset.done $0x0  }
0xd8: {  	[sflag:s11] =	ssyncadd.s32 $0xFFFFFF80  }
0xd9: {  	_ =	swait.ge [sflag:s19], $0x4000  }
0xda: {  	[sflag:s19] =	ssyncset.done $0x0  }
0xdb: {  	[sflag:s19] =	ssyncadd.s32 $0xFFFFC000  }
0xdc: {  	_ =	swait.ge [sflag:s20], $0x800  }
0xdd: {  	[sflag:s20] =	ssyncset.done $0x0  }
0xde: {  	s21 =	simm.s32 $0x100;
	[sflag:s20] =	ssyncadd.s32 $0xFFFFF800  }
0xdf: {  	[tilespmem:s14], [sflag:$0x1] =	stream.indirect.gather [hbm4b:s3+s13], $0x80, s21, s13, $0xb8;
	[tilespmem:$0x1FC30] =	vst v63  }
0xe0: {  	s25 =	rddreg [dreg:$0x18]  }
0xe1: {  	[tilespmem:s15], [sflag:$0x2] =	stream.linear.gather [hbm4b:s25+s1], $0x80, $0x38;
	[tilespmem:$0x1FC30] =	vst v63  }
0xe2: {  	_ = 	snop  }
0xe3: {  	[spmem:s22] =	stream.indirect.scatter.add.f32 [tilespmem:s16], [sflag:$0x3], $0x80, s17, s13, $0xb8;
	[tilespmem:$0x1FC30] =	vst v63  }
0xe4: {  	_ = 	snop  }
0xe5: {  	[spmem:s28] =	stream.indirect.scatter.add.f32 [tilespmem:s18], [sflag:$0x4], $0x10, s17, s13, $0xb8;
	[tilespmem:$0x1FC30] =	vst v63  }
0xe6: {  	_ =	swait.ge [sflag:s9], $0x4000  }
0xe7: {  	[sflag:s9] =	ssyncset.done $0x0  }
0xe8: {  	[sflag:s9] =	ssyncadd.s32 $0xFFFFC000  }
0xe9: {  	_ =	swait.ge [sflag:s11], $0x80  }
0xea: {  	[sflag:s11] =	ssyncset.done $0x0  }
0xeb: {  	[sflag:s11] =	ssyncadd.s32 $0xFFFFFF80  }
0xec: {  	_ =	swait.ge [sflag:s19], $0x4000  }
0xed: {  	[sflag:s19] =	ssyncset.done $0x0  }
0xee: {  	[sflag:s19] =	ssyncadd.s32 $0xFFFFC000  }
0xef: {  	_ =	swait.ge [sflag:s20], $0x800  }
0xf0: {  	[sflag:s20] =	ssyncset.done $0x0  }
0xf1: {  	s5 =	simm.s32 $0x180;
	[sflag:s20] =	ssyncadd.s32 $0xFFFFF800  }
0xf2: {  	[tilespmem:s16], [sflag:$0x1] =	stream.indirect.gather [hbm4b:s3+s13], $0x80, s5, s13, $0xb8;
	[tilespmem:$0x1FC30] =	vst v63  }
0xf3: {  	s21 =	sadd.s32 $0xFFFFFFF0, s6  }
0xf4: {  	[tilespmem:s17], [sflag:$0x2] =	stream.linear.gather [hbm4b:s21+s1], $0x80, $0x38;
	[tilespmem:$0x1FC30] =	vst v63  }
0xf5: {  	_ = 	snop  }
0xf6: {  	[spmem:s22] =	stream.indirect.scatter.add.f32 [tilespmem:s14], [sflag:$0x3], $0x80, s15, s13, $0xb8;
	[tilespmem:$0x1FC30] =	vst v63  }
0xf7: {  	_ = 	snop  }
0xf8: {  	[spmem:s28] =	stream.indirect.scatter.add.f32 [tilespmem:s18], [sflag:$0x4], $0x10, s15, s13, $0xb8;
	[tilespmem:$0x1FC30] =	vst v63  }
0xf9: {  	_ =	swait.ge [sflag:s9], $0x4000  }
0xfa: {  	[sflag:s9] =	ssyncset.done $0x0  }
0xfb: {  	[sflag:s9] =	ssyncadd.s32 $0xFFFFC000  }
0xfc: {  	_ =	swait.ge [sflag:s11], $0x80  }
0xfd: {  	[sflag:s11] =	ssyncset.done $0x0  }
0xfe: {  	[sflag:s11] =	ssyncadd.s32 $0xFFFFFF80  }
0xff: {  	_ =	swait.ge [sflag:s19], $0x4000  }
0x100: {  	[sflag:s19] =	ssyncset.done $0x0  }
0x101: {  	[sflag:s19] =	ssyncadd.s32 $0xFFFFC000  }
0x102: {  	_ =	swait.ge [sflag:s20], $0x800  }
0x103: {  	[sflag:s20] =	ssyncset.done $0x0  }
0x104: {  	s25 =	simm.s32 $0x200;
	[sflag:s20] =	ssyncadd.s32 $0xFFFFF800  }
0x105: {  	[tilespmem:s14], [sflag:$0x1] =	stream.indirect.gather [hbm4b:s3+s13], $0x80, s25, s13, $0xb8;
	[tilespmem:$0x1FC30] =	vst v63  }
0x106: {  	_ = 	snop  }
0x107: {  	[tilespmem:s15], [sflag:$0x2] =	stream.linear.gather [hbm4b:s6+s1], $0x80, $0x38;
	[tilespmem:$0x1FC30] =	vst v63  }
0x108: {  	s5 =	simm.s32 $0xFFFFBC00;
	s25 =	sadd.s32 $0x20, s6  }
0x109: {  	[spmem:s22] =	stream.indirect.scatter.add.f32 [tilespmem:s16], [sflag:$0x3], $0x80, s17, s13, $0xb8;
	[tilespmem:$0x1FC30] =	vst v63  }
.LBB2_6:
0x10a: {  	[spmem:s28] =	stream.indirect.scatter.add.f32 [tilespmem:s18], [sflag:$0x4], $0x10, s17, s13, $0xb8;
	[tilespmem:$0x1FC30] =	vst v63  }
0x10b: {  	s0 =	smov.u32 s5  }
0x10c: {  	p1 =	sne.s32 s5, $0xFFFFFC00;
	s5 =	sadd.s32 $0x400, s5;
	_ =	swait.ge [sflag:s9], $0x4000  }
0x10d: {  	[sflag:s9] =	ssyncset.done $0x0  }
0x10e: {  	[sflag:s9] =	ssyncadd.s32 $0xFFFFC000  }
0x10f: {  	_ =	swait.ge [sflag:s11], $0x80  }
0x110: {  	[sflag:s11] =	ssyncset.done $0x0  }
0x111: {  	[sflag:s11] =	ssyncadd.s32 $0xFFFFFF80  }
0x112: {  	_ =	swait.ge [sflag:s19], $0x4000  }
0x113: {  	[sflag:s19] =	ssyncset.done $0x0  }
0x114: {  	[sflag:s19] =	ssyncadd.s32 $0xFFFFC000  }
0x115: {  	_ =	swait.ge [sflag:s20], $0x800  }
0x116: {  	s0 =	sshra.s32 s0, $0x2;
	[sflag:s20] =	ssyncset.done $0x0  }
0x117: {  	s21 =	sadd.s32 $0x1380, s0;
	[sflag:s20] =	ssyncadd.s32 $0xFFFFF800  }
0x118: {  	[tilespmem:s16], [sflag:$0x1] =	stream.indirect.gather [hbm4b:s3+s13], $0x80, s21, s13, $0xb8;
	[tilespmem:$0x1FC30] =	vst v63  }
0x119: {  	s21 =	sadd.s32 $0xFFFFFFF0, s25  }
0x11a: {  	[tilespmem:s17], [sflag:$0x2] =	stream.linear.gather [hbm4b:s21+s1], $0x80, $0x38;
	[tilespmem:$0x1FC30] =	vst v63  }
0x11b: {  	_ = 	snop  }
0x11c: {  	[spmem:s22] =	stream.indirect.scatter.add.f32 [tilespmem:s14], [sflag:$0x3], $0x80, s15, s13, $0xb8;
	[tilespmem:$0x1FC30] =	vst v63  }
0x11d: {  	_ = 	snop  }
0x11e: {  	[spmem:s28] =	stream.indirect.scatter.add.f32 [tilespmem:s18], [sflag:$0x4], $0x10, s15, s13, $0xb8;
	[tilespmem:$0x1FC30] =	vst v63  }
0x11f: {  	_ =	swait.ge [sflag:s9], $0x4000  }
0x120: {  	[sflag:s9] =	ssyncset.done $0x0  }
0x121: {  	[sflag:s9] =	ssyncadd.s32 $0xFFFFC000  }
0x122: {  	_ =	swait.ge [sflag:s11], $0x80  }
0x123: {  	[sflag:s11] =	ssyncset.done $0x0  }
0x124: {  	[sflag:s11] =	ssyncadd.s32 $0xFFFFFF80  }
0x125: {  	_ =	swait.ge [sflag:s19], $0x4000  }
0x126: {  	[sflag:s19] =	ssyncset.done $0x0  }
0x127: {  	[sflag:s19] =	ssyncadd.s32 $0xFFFFC000  }
0x128: {  	_ =	swait.ge [sflag:s20], $0x800  }
0x129: {  	[sflag:s20] =	ssyncset.done $0x0  }
0x12a: {  	s0 =	sadd.s32 $0x1400, s0;
	[sflag:s20] =	ssyncadd.s32 $0xFFFFF800  }
0x12b: {  	[tilespmem:s14], [sflag:$0x1] =	stream.indirect.gather [hbm4b:s3+s13], $0x80, s0, s13, $0xb8;
	[tilespmem:$0x1FC30] =	vst v63  }
.Ltmp2:
0x12c: {  	(pc) =	sbr.rel @p1 .LBB2_6-.Ltmp2, $4  }
0x12d: {  	[tilespmem:s15], [sflag:$0x2] =	stream.linear.gather [hbm4b:s25+s1], $0x80, $0x38;
	[tilespmem:$0x1FC30] =	vst v63  }
0x12e: {  	_ = 	snop  }
0x12f: {  	[spmem:s22] =	stream.indirect.scatter.add.f32 [tilespmem:s16], [sflag:$0x3], $0x80, s17, s13, $0xb8;
	[tilespmem:$0x1FC30] =	vst v63  }
0x130: {  	s25 =	sadd.s32 $0x20, s25  }
0x131: {  	[spmem:s28] =	stream.indirect.scatter.add.f32 [tilespmem:s18], [sflag:$0x4], $0x10, s17, s13, $0xb8;
	[tilespmem:$0x1FC30] =	vst v63  }
0x132: {  	_ =	swait.ge [sflag:s9], $0x4000  }
0x133: {  	[sflag:s9] =	ssyncset.done $0x0  }
0x134: {  	[sflag:s9] =	ssyncadd.s32 $0xFFFFC000  }
0x135: {  	_ =	swait.ge [sflag:s11], $0x80  }
0x136: {  	[sflag:s11] =	ssyncset.done $0x0  }
0x137: {  	[sflag:s11] =	ssyncadd.s32 $0xFFFFFF80  }
0x138: {  	_ =	swait.ge [sflag:s19], $0x4000  }
0x139: {  	[sflag:s19] =	ssyncset.done $0x0  }
0x13a: {  	[sflag:s19] =	ssyncadd.s32 $0xFFFFC000  }
0x13b: {  	_ =	swait.ge [sflag:s20], $0x800  }
0x13c: {  	[sflag:s20] =	ssyncset.done $0x0  }
0x13d: {  	[sflag:s20] =	ssyncadd.s32 $0xFFFFF800  }
0x13e: {  	[spmem:s22] =	stream.indirect.scatter.add.f32 [tilespmem:s14], [sflag:$0x5], $0x80, s15, s13, $0xb8;
	[tilespmem:$0x1FC30] =	vst v63  }
0x13f: {  	_ =	swait.ge [sflag:s8], $0x4000  }
0x140: {  	[sflag:s8] =	ssyncset.done $0x0  }
0x141: {  	[sflag:s8] =	ssyncadd.s32 $0xFFFFC000  }
0x142: {  	[spmem:s28] =	stream.indirect.scatter.add.f32 [tilespmem:s18], [sflag:$0x5], $0x10, s15, s13, $0xb8;
	[tilespmem:$0x1FC30] =	vst v63  }
0x143: {  	_ =	swait.ge [sflag:s8], $0x800  }
0x144: {  	[sflag:s8] =	ssyncset.done $0x0  }
0x145: {  	s0 =	rddreg [dreg:$0xa];
	[sflag:s8] =	ssyncadd.s32 $0xFFFFF800  }
0x146: {  	[tilespmem:s24], [sflag:$0x5] =	stream.linear.gather [hbm4b:s0+s1], $0x10, $0x38;
	[tilespmem:$0x1FC30] =	vst v63  }
0x147: {  	_ =	swait.ge [sflag:s8], $0x10  }
0x148: {  	[sflag:s8] =	ssyncset.done $0x0  }
0x149: {  	s5 =	simm.s32 $0x1380;
	[sflag:s8] =	ssyncadd.s32 $0xFFFFFFF0  }
0x14a: {  	[tilespmem:s14], [sflag:$0x1] =	stream.indirect.gather [hbm4b:s3+s12], $0x80, s5, s12, $0xb8;
	[tilespmem:$0x1FC30] =	vst v63  }
0x14b: {  	_ =	swait.ge [sflag:s9], $0x800  }
0x14c: {  	[sflag:s9] =	ssyncset.done $0x0  }
0x14d: {  	[sflag:s9] =	ssyncadd.s32 $0xFFFFF800  }
0x14e: {  	[spmem:s22] =	stream.indirect.scatter.add.f32 [tilespmem:s14], [sflag:$0x5], $0x80, s24, s12, $0xb8;
	[tilespmem:$0x1FC30] =	vst v63  }
0x14f: {  	_ =	swait.ge [sflag:s8], $0x800  }
0x150: {  	[sflag:s8] =	ssyncset.done $0x0  }
0x151: {  	[sflag:s8] =	ssyncadd.s32 $0xFFFFF800  }
0x152: {  	[spmem:s28] =	stream.indirect.scatter.add.f32 [tilespmem:s18], [sflag:$0x5], $0x10, s24, s12, $0xb8;
	[tilespmem:$0x1FC30] =	vst v63  }
0x153: {  	_ =	swait.ge [sflag:s8], $0x100  }
0x154: {  	[sflag:s8] =	ssyncset.done $0x0  }
0x155: {  	[sflag:s8] =	ssyncadd.s32 $0xFFFFFF00  }
0x156: {  	[bflag:$0x0] =	sbarrier.arrive $0xFFFF  }
0x157: {  	s21 =	rddreg [dreg:$0x1c]  }
0x158: {  	[hbm:s21], [sflag:s23] =	dma.local [spmem:s2], $0x2710  }
0x159: {  	_ =	swait.ge [sflag:s8], $0x2710  }
0x15a: {  	[sflag:s8] =	ssyncset.done $0x0;
	s0 =	rddreg [dreg:$0x1b]  }
0x15b: {  	[sflag:s8] =	ssyncadd.s32 $0xFFFFD8F0;
	s5 =	sshrl.u32 @!p0 s0, $0x3;
	s0 =	rddreg [dreg:$0xb]  }
0x15c: {  	[hbm:s0], [sflag:s23] =	dma.local @!p0 [spmem:s5], $0x4E2  }
0x15d: {  	s0 =	simm.s32 @!p0 $0x5  }
0x15e: {  	_ =	swait.ge @!p0 [sflag:s0], $0x4E2  }
0x15f: {  	[sflag:s0] =	ssyncset.done @!p0 $0x0  }
0x160: {  	[sflag:s0] =	ssyncadd.s32 @!p0 $0xFFFFFB1E  }
0x161: {  	[bflag:$0x0] =	sbarrier.arrive $0xFFFF  }
0x162: {  	[spmem:s2], [sflag:s23] =	dma.local [hbm:s30], $0x2710  }
0x163: {  	_ =	swait.ge [sflag:s8], $0x2710  }
0x164: {  	[sflag:s8] =	ssyncset.done $0x0  }
0x165: {  	[sflag:s8] =	ssyncadd.s32 $0xFFFFD8F0  }
0x166: {  	[spmem:s4@s11], [sflag:s23] =	dma.strided [hbm:s30@s12], $0x4E2, s9, $0x2   }
0x167: {  	_ =	swait.ge [sflag:s8], $0x4E2  }
0x168: {  	[sflag:s8] =	ssyncset.done $0x0  }
0x169: {  	[sflag:s8] =	ssyncadd.s32 $0xFFFFFB1E  }
0x16a: {  	[bflag:$0x0] =	sbarrier.arrive $0xFFFF  }
0x16b: {  	s25 =	rddreg [dreg:$0xc]  }
0x16c: {  	[tilespmem:s1], [sflag:$0x5] =	stream.linear.gather [hbm4b:s25+s1], $0x1380, $0x38;
	[tilespmem:$0x1FC30] =	vst v63  }
0x16d: {  	_ =	swait.ge [sflag:s8], $0x1380  }
0x16e: {  	[sflag:s8] =	ssyncset.done $0x0  }
0x16f: {  	[sflag:s8] =	ssyncadd.s32 $0xFFFFEC80  }
0x170: {  	[tilespmem:s14], [sflag:$0x1] =	stream.indirect.gather [hbm4b:s10+s13], $0x80, s1, s13, $0xb8;
	[tilespmem:$0x1FC30] =	vst v63  }
0x171: {  	s4 =	rddreg [dreg:$0xd]  }
0x172: {  	[tilespmem:s15], [sflag:$0x2] =	stream.linear.gather [hbm4b:s4+s1], $0x80, $0x38;
	[tilespmem:$0x1FC30] =	vst v63  }
0x173: {  	_ =	swait.ge [sflag:s9], $0x4000  }
0x174: {  	[sflag:s9] =	ssyncset.done $0x0  }
0x175: {  	[sflag:s9] =	ssyncadd.s32 $0xFFFFC000  }
0x176: {  	_ =	swait.ge [sflag:s11], $0x80  }
0x177: {  	[sflag:s11] =	ssyncset.done $0x0  }
0x178: {  	[sflag:s11] =	ssyncadd.s32 $0xFFFFFF80  }
0x179: {  	[tilespmem:s16], [sflag:$0x1] =	stream.indirect.gather [hbm4b:s10+s13], $0x80, s13, s13, $0xb8;
	[tilespmem:$0x1FC30] =	vst v63  }
0x17a: {  	s21 =	rddreg [dreg:$0x13]  }
0x17b: {  	[tilespmem:s17], [sflag:$0x2] =	stream.linear.gather [hbm4b:s21+s1], $0x80, $0x38;
	[tilespmem:$0x1FC30] =	vst v63  }
0x17c: {  	_ = 	snop  }
0x17d: {  	[spmem:s22] =	stream.indirect.scatter.add.f32 [tilespmem:s14], [sflag:$0x3], $0x80, s15, s13, $0xb8;
	[tilespmem:$0x1FC30] =	vst v63  }
0x17e: {  	_ = 	snop  }
0x17f: {  	[spmem:s28] =	stream.indirect.scatter.add.f32 [tilespmem:s18], [sflag:$0x4], $0x10, s15, s13, $0xb8;
	[tilespmem:$0x1FC30] =	vst v63  }
0x180: {  	_ =	swait.ge [sflag:s9], $0x4000  }
0x181: {  	[sflag:s9] =	ssyncset.done $0x0  }
0x182: {  	[sflag:s9] =	ssyncadd.s32 $0xFFFFC000  }
0x183: {  	_ =	swait.ge [sflag:s11], $0x80  }
0x184: {  	[sflag:s11] =	ssyncset.done $0x0  }
0x185: {  	[sflag:s11] =	ssyncadd.s32 $0xFFFFFF80  }
0x186: {  	_ =	swait.ge [sflag:s19], $0x4000  }
0x187: {  	[sflag:s19] =	ssyncset.done $0x0  }
0x188: {  	[sflag:s19] =	ssyncadd.s32 $0xFFFFC000  }
0x189: {  	_ =	swait.ge [sflag:s20], $0x800  }
0x18a: {  	[sflag:s20] =	ssyncset.done $0x0  }
0x18b: {  	s25 =	simm.s32 $0x100;
	[sflag:s20] =	ssyncadd.s32 $0xFFFFF800  }
0x18c: {  	[tilespmem:s14], [sflag:$0x1] =	stream.indirect.gather [hbm4b:s10+s13], $0x80, s25, s13, $0xb8;
	[tilespmem:$0x1FC30] =	vst v63  }
0x18d: {  	s4 =	rddreg [dreg:$0x15]  }
0x18e: {  	[tilespmem:s15], [sflag:$0x2] =	stream.linear.gather [hbm4b:s4+s1], $0x80, $0x38;
	[tilespmem:$0x1FC30] =	vst v63  }
0x18f: {  	_ = 	snop  }
0x190: {  	[spmem:s22] =	stream.indirect.scatter.add.f32 [tilespmem:s16], [sflag:$0x3], $0x80, s17, s13, $0xb8;
	[tilespmem:$0x1FC30] =	vst v63  }
0x191: {  	_ = 	snop  }
0x192: {  	[spmem:s28] =	stream.indirect.scatter.add.f32 [tilespmem:s18], [sflag:$0x4], $0x10, s17, s13, $0xb8;
	[tilespmem:$0x1FC30] =	vst v63  }
0x193: {  	_ =	swait.ge [sflag:s9], $0x4000  }
0x194: {  	[sflag:s9] =	ssyncset.done $0x0  }
0x195: {  	[sflag:s9] =	ssyncadd.s32 $0xFFFFC000  }
0x196: {  	_ =	swait.ge [sflag:s11], $0x80  }
0x197: {  	[sflag:s11] =	ssyncset.done $0x0  }
0x198: {  	[sflag:s11] =	ssyncadd.s32 $0xFFFFFF80  }
0x199: {  	_ =	swait.ge [sflag:s19], $0x4000  }
0x19a: {  	[sflag:s19] =	ssyncset.done $0x0  }
0x19b: {  	[sflag:s19] =	ssyncadd.s32 $0xFFFFC000  }
0x19c: {  	_ =	swait.ge [sflag:s20], $0x800  }
0x19d: {  	[sflag:s20] =	ssyncset.done $0x0  }
0x19e: {  	s21 =	simm.s32 $0x180;
	s4 =	sadd.s32 $0xFFFFFDC0, s29;
	[sflag:s20] =	ssyncadd.s32 $0xFFFFF800  }
0x19f: {  	[tilespmem:s16], [sflag:$0x1] =	stream.indirect.gather [hbm4b:s10+s13], $0x80, s21, s13, $0xb8;
	[tilespmem:$0x1FC30] =	vst v63  }
0x1a0: {  	s25 =	sadd.s32 $0x5090, s4  }
0x1a1: {  	[tilespmem:s17], [sflag:$0x2] =	stream.linear.gather [hbm4b:s25+s1], $0x80, $0x38;
	[tilespmem:$0x1FC30] =	vst v63  }
0x1a2: {  	_ = 	snop  }
0x1a3: {  	[spmem:s22] =	stream.indirect.scatter.add.f32 [tilespmem:s14], [sflag:$0x3], $0x80, s15, s13, $0xb8;
	[tilespmem:$0x1FC30] =	vst v63  }
0x1a4: {  	_ = 	snop  }
0x1a5: {  	[spmem:s28] =	stream.indirect.scatter.add.f32 [tilespmem:s18], [sflag:$0x4], $0x10, s15, s13, $0xb8;
	[tilespmem:$0x1FC30] =	vst v63  }
0x1a6: {  	_ =	swait.ge [sflag:s9], $0x4000  }
0x1a7: {  	[sflag:s9] =	ssyncset.done $0x0  }
0x1a8: {  	[sflag:s9] =	ssyncadd.s32 $0xFFFFC000  }
0x1a9: {  	_ =	swait.ge [sflag:s11], $0x80  }
0x1aa: {  	[sflag:s11] =	ssyncset.done $0x0  }
0x1ab: {  	[sflag:s11] =	ssyncadd.s32 $0xFFFFFF80  }
0x1ac: {  	_ =	swait.ge [sflag:s19], $0x4000  }
0x1ad: {  	[sflag:s19] =	ssyncset.done $0x0  }
0x1ae: {  	[sflag:s19] =	ssyncadd.s32 $0xFFFFC000  }
0x1af: {  	_ =	swait.ge [sflag:s20], $0x800  }
0x1b0: {  	[sflag:s20] =	ssyncset.done $0x0  }
0x1b1: {  	s21 =	simm.s32 $0x200;
	[sflag:s20] =	ssyncadd.s32 $0xFFFFF800  }
0x1b2: {  	[tilespmem:s14], [sflag:$0x1] =	stream.indirect.gather [hbm4b:s10+s13], $0x80, s21, s13, $0xb8;
	[tilespmem:$0x1FC30] =	vst v63  }
0x1b3: {  	s25 =	sadd.s32 $0x50A0, s4  }
0x1b4: {  	[tilespmem:s15], [sflag:$0x2] =	stream.linear.gather [hbm4b:s25+s1], $0x80, $0x38;
	[tilespmem:$0x1FC30] =	vst v63  }
0x1b5: {  	s4 =	simm.s32 $0xFFFFFDE0;
	s25 =	simm.s32 $0x280  }
0x1b6: {  	[spmem:s22] =	stream.indirect.scatter.add.f32 [tilespmem:s16], [sflag:$0x3], $0x80, s17, s13, $0xb8;
	[tilespmem:$0x1FC30] =	vst v63  }
.LBB2_8:
0x1b7: {  	[spmem:s28] =	stream.indirect.scatter.add.f32 [tilespmem:s18], [sflag:$0x4], $0x10, s17, s13, $0xb8;
	[tilespmem:$0x1FC30] =	vst v63  }
0x1b8: {  	s0 =	smov.u32 s4  }
0x1b9: {  	p1 =	sne.s32 s4, $0xFFFFFFE0;
	s4 =	sadd.s32 $0x20, s4;
	_ =	swait.ge [sflag:s9], $0x4000  }
0x1ba: {  	[sflag:s9] =	ssyncset.done $0x0  }
0x1bb: {  	[sflag:s9] =	ssyncadd.s32 $0xFFFFC000  }
0x1bc: {  	_ =	swait.ge [sflag:s11], $0x80  }
0x1bd: {  	[sflag:s11] =	ssyncset.done $0x0  }
0x1be: {  	[sflag:s11] =	ssyncadd.s32 $0xFFFFFF80  }
0x1bf: {  	_ =	swait.ge [sflag:s19], $0x4000  }
0x1c0: {  	[sflag:s19] =	ssyncset.done $0x0  }
0x1c1: {  	[sflag:s19] =	ssyncadd.s32 $0xFFFFC000  }
0x1c2: {  	_ =	swait.ge [sflag:s20], $0x800  }
0x1c3: {  	[sflag:s20] =	ssyncset.done $0x0  }
0x1c4: {  	s0 =	sadd.s32 s0, s29;
	[sflag:s20] =	ssyncadd.s32 $0xFFFFF800  }
0x1c5: {  	[tilespmem:s16], [sflag:$0x1] =	stream.indirect.gather [hbm4b:s10+s13], $0x80, s25, s13, $0xb8;
	[tilespmem:$0x1FC30] =	vst v63  }
0x1c6: {  	s21 =	sadd.s32 $0x5090, s0  }
0x1c7: {  	[tilespmem:s17], [sflag:$0x2] =	stream.linear.gather [hbm4b:s21+s1], $0x80, $0x38;
	[tilespmem:$0x1FC30] =	vst v63  }
0x1c8: {  	_ = 	snop  }
0x1c9: {  	[spmem:s22] =	stream.indirect.scatter.add.f32 [tilespmem:s14], [sflag:$0x3], $0x80, s15, s13, $0xb8;
	[tilespmem:$0x1FC30] =	vst v63  }
0x1ca: {  	_ = 	snop  }
0x1cb: {  	[spmem:s28] =	stream.indirect.scatter.add.f32 [tilespmem:s18], [sflag:$0x4], $0x10, s15, s13, $0xb8;
	[tilespmem:$0x1FC30] =	vst v63  }
0x1cc: {  	_ =	swait.ge [sflag:s9], $0x4000  }
0x1cd: {  	[sflag:s9] =	ssyncset.done $0x0  }
0x1ce: {  	[sflag:s9] =	ssyncadd.s32 $0xFFFFC000  }
0x1cf: {  	_ =	swait.ge [sflag:s11], $0x80  }
0x1d0: {  	[sflag:s11] =	ssyncset.done $0x0  }
0x1d1: {  	[sflag:s11] =	ssyncadd.s32 $0xFFFFFF80  }
0x1d2: {  	_ =	swait.ge [sflag:s19], $0x4000  }
0x1d3: {  	[sflag:s19] =	ssyncset.done $0x0  }
0x1d4: {  	[sflag:s19] =	ssyncadd.s32 $0xFFFFC000  }
0x1d5: {  	_ =	swait.ge [sflag:s20], $0x800  }
0x1d6: {  	[sflag:s20] =	ssyncset.done $0x0  }
0x1d7: {  	s21 =	sadd.s32 $0x80, s25;
	[sflag:s20] =	ssyncadd.s32 $0xFFFFF800  }
0x1d8: {  	[tilespmem:s14], [sflag:$0x1] =	stream.indirect.gather [hbm4b:s10+s13], $0x80, s21, s13, $0xb8;
	[tilespmem:$0x1FC30] =	vst v63  }
.Ltmp3:
0x1d9: {  	s0 =	sadd.s32 $0x50A0, s0;
	(pc) =	sbr.rel @p1 .LBB2_8-.Ltmp3, $4  }
0x1da: {  	[tilespmem:s15], [sflag:$0x2] =	stream.linear.gather [hbm4b:s0+s1], $0x80, $0x38;
	[tilespmem:$0x1FC30] =	vst v63  }
0x1db: {  	_ = 	snop  }
0x1dc: {  	[spmem:s22] =	stream.indirect.scatter.add.f32 [tilespmem:s16], [sflag:$0x3], $0x80, s17, s13, $0xb8;
	[tilespmem:$0x1FC30] =	vst v63  }
0x1dd: {  	s25 =	sadd.s32 $0x100, s25  }
0x1de: {  	[spmem:s28] =	stream.indirect.scatter.add.f32 [tilespmem:s18], [sflag:$0x4], $0x10, s17, s13, $0xb8;
	[tilespmem:$0x1FC30] =	vst v63  }
0x1df: {  	_ =	swait.ge [sflag:s9], $0x4000  }
0x1e0: {  	[sflag:s9] =	ssyncset.done $0x0  }
0x1e1: {  	[sflag:s9] =	ssyncadd.s32 $0xFFFFC000  }
0x1e2: {  	_ =	swait.ge [sflag:s11], $0x80  }
0x1e3: {  	[sflag:s11] =	ssyncset.done $0x0  }
0x1e4: {  	[sflag:s11] =	ssyncadd.s32 $0xFFFFFF80  }
0x1e5: {  	_ =	swait.ge [sflag:s19], $0x4000  }
0x1e6: {  	[sflag:s19] =	ssyncset.done $0x0  }
0x1e7: {  	[sflag:s19] =	ssyncadd.s32 $0xFFFFC000  }
0x1e8: {  	_ =	swait.ge [sflag:s20], $0x800  }
0x1e9: {  	[sflag:s20] =	ssyncset.done $0x0  }
0x1ea: {  	[sflag:s20] =	ssyncadd.s32 $0xFFFFF800  }
0x1eb: {  	[spmem:s22] =	stream.indirect.scatter.add.f32 [tilespmem:s14], [sflag:$0x5], $0x80, s15, s13, $0xb8;
	[tilespmem:$0x1FC30] =	vst v63  }
0x1ec: {  	_ =	swait.ge [sflag:s8], $0x4000  }
0x1ed: {  	[sflag:s8] =	ssyncset.done $0x0  }
0x1ee: {  	[sflag:s8] =	ssyncadd.s32 $0xFFFFC000  }
0x1ef: {  	[spmem:s28] =	stream.indirect.scatter.add.f32 [tilespmem:s18], [sflag:$0x5], $0x10, s15, s13, $0xb8;
	[tilespmem:$0x1FC30] =	vst v63  }
0x1f0: {  	_ =	swait.ge [sflag:s8], $0x800  }
0x1f1: {  	[sflag:s8] =	ssyncset.done $0x0  }
0x1f2: {  	s0 =	rddreg [dreg:$0xe];
	[sflag:s8] =	ssyncadd.s32 $0xFFFFF800  }
0x1f3: {  	[tilespmem:s1], [sflag:$0x5] =	stream.linear.gather [hbm4b:s0+s1], $0x1390, $0x38;
	[tilespmem:$0x1FC30] =	vst v63  }
0x1f4: {  	_ =	swait.ge [sflag:s8], $0x1390  }
0x1f5: {  	[sflag:s8] =	ssyncset.done $0x0  }
0x1f6: {  	[sflag:s8] =	ssyncadd.s32 $0xFFFFEC70  }
0x1f7: {  	[tilespmem:s14], [sflag:$0x1] =	stream.indirect.gather [hbm4b:s10+s13], $0x80, s1, s13, $0xb8;
	[tilespmem:$0x1FC30] =	vst v63  }
0x1f8: {  	s25 =	rddreg [dreg:$0xf]  }
0x1f9: {  	[tilespmem:s15], [sflag:$0x2] =	stream.linear.gather [hbm4b:s25+s1], $0x80, $0x38;
	[tilespmem:$0x1FC30] =	vst v63  }
0x1fa: {  	_ =	swait.ge [sflag:s9], $0x4000  }
0x1fb: {  	[sflag:s9] =	ssyncset.done $0x0  }
0x1fc: {  	[sflag:s9] =	ssyncadd.s32 $0xFFFFC000  }
0x1fd: {  	_ =	swait.ge [sflag:s11], $0x80  }
0x1fe: {  	[sflag:s11] =	ssyncset.done $0x0  }
0x1ff: {  	[sflag:s11] =	ssyncadd.s32 $0xFFFFFF80  }
0x200: {  	[tilespmem:s16], [sflag:$0x1] =	stream.indirect.gather [hbm4b:s10+s13], $0x80, s13, s13, $0xb8;
	[tilespmem:$0x1FC30] =	vst v63  }
0x201: {  	s4 =	rddreg [dreg:$0x17]  }
0x202: {  	[tilespmem:s17], [sflag:$0x2] =	stream.linear.gather [hbm4b:s4+s1], $0x80, $0x38;
	[tilespmem:$0x1FC30] =	vst v63  }
0x203: {  	_ = 	snop  }
0x204: {  	[spmem:s22] =	stream.indirect.scatter.add.f32 [tilespmem:s14], [sflag:$0x3], $0x80, s15, s13, $0xb8;
	[tilespmem:$0x1FC30] =	vst v63  }
0x205: {  	_ = 	snop  }
0x206: {  	[spmem:s28] =	stream.indirect.scatter.add.f32 [tilespmem:s18], [sflag:$0x4], $0x10, s15, s13, $0xb8;
	[tilespmem:$0x1FC30] =	vst v63  }
0x207: {  	_ =	swait.ge [sflag:s9], $0x4000  }
0x208: {  	[sflag:s9] =	ssyncset.done $0x0  }
0x209: {  	[sflag:s9] =	ssyncadd.s32 $0xFFFFC000  }
0x20a: {  	_ =	swait.ge [sflag:s11], $0x80  }
0x20b: {  	[sflag:s11] =	ssyncset.done $0x0  }
0x20c: {  	[sflag:s11] =	ssyncadd.s32 $0xFFFFFF80  }
0x20d: {  	_ =	swait.ge [sflag:s19], $0x4000  }
0x20e: {  	[sflag:s19] =	ssyncset.done $0x0  }
0x20f: {  	[sflag:s19] =	ssyncadd.s32 $0xFFFFC000  }
0x210: {  	_ =	swait.ge [sflag:s20], $0x800  }
0x211: {  	[sflag:s20] =	ssyncset.done $0x0  }
0x212: {  	s21 =	simm.s32 $0x100;
	[sflag:s20] =	ssyncadd.s32 $0xFFFFF800  }
0x213: {  	[tilespmem:s14], [sflag:$0x1] =	stream.indirect.gather [hbm4b:s10+s13], $0x80, s21, s13, $0xb8;
	[tilespmem:$0x1FC30] =	vst v63  }
0x214: {  	s25 =	rddreg [dreg:$0x19]  }
0x215: {  	[tilespmem:s15], [sflag:$0x2] =	stream.linear.gather [hbm4b:s25+s1], $0x80, $0x38;
	[tilespmem:$0x1FC30] =	vst v63  }
0x216: {  	_ = 	snop  }
0x217: {  	[spmem:s22] =	stream.indirect.scatter.add.f32 [tilespmem:s16], [sflag:$0x3], $0x80, s17, s13, $0xb8;
	[tilespmem:$0x1FC30] =	vst v63  }
0x218: {  	_ = 	snop  }
0x219: {  	[spmem:s28] =	stream.indirect.scatter.add.f32 [tilespmem:s18], [sflag:$0x4], $0x10, s17, s13, $0xb8;
	[tilespmem:$0x1FC30] =	vst v63  }
0x21a: {  	_ =	swait.ge [sflag:s9], $0x4000  }
0x21b: {  	[sflag:s9] =	ssyncset.done $0x0  }
0x21c: {  	[sflag:s9] =	ssyncadd.s32 $0xFFFFC000  }
0x21d: {  	_ =	swait.ge [sflag:s11], $0x80  }
0x21e: {  	[sflag:s11] =	ssyncset.done $0x0  }
0x21f: {  	[sflag:s11] =	ssyncadd.s32 $0xFFFFFF80  }
0x220: {  	_ =	swait.ge [sflag:s19], $0x4000  }
0x221: {  	[sflag:s19] =	ssyncset.done $0x0  }
0x222: {  	[sflag:s19] =	ssyncadd.s32 $0xFFFFC000  }
0x223: {  	_ =	swait.ge [sflag:s20], $0x800  }
0x224: {  	[sflag:s20] =	ssyncset.done $0x0  }
0x225: {  	s4 =	simm.s32 $0x180;
	[sflag:s20] =	ssyncadd.s32 $0xFFFFF800  }
0x226: {  	[tilespmem:s16], [sflag:$0x1] =	stream.indirect.gather [hbm4b:s10+s13], $0x80, s4, s13, $0xb8;
	[tilespmem:$0x1FC30] =	vst v63  }
0x227: {  	s21 =	sadd.s32 $0xFFFFFFF0, s7  }
0x228: {  	[tilespmem:s17], [sflag:$0x2] =	stream.linear.gather [hbm4b:s21+s1], $0x80, $0x38;
	[tilespmem:$0x1FC30] =	vst v63  }
0x229: {  	_ = 	snop  }
0x22a: {  	[spmem:s22] =	stream.indirect.scatter.add.f32 [tilespmem:s14], [sflag:$0x3], $0x80, s15, s13, $0xb8;
	[tilespmem:$0x1FC30] =	vst v63  }
0x22b: {  	_ = 	snop  }
0x22c: {  	[spmem:s28] =	stream.indirect.scatter.add.f32 [tilespmem:s18], [sflag:$0x4], $0x10, s15, s13, $0xb8;
	[tilespmem:$0x1FC30] =	vst v63  }
0x22d: {  	_ =	swait.ge [sflag:s9], $0x4000  }
0x22e: {  	[sflag:s9] =	ssyncset.done $0x0  }
0x22f: {  	[sflag:s9] =	ssyncadd.s32 $0xFFFFC000  }
0x230: {  	_ =	swait.ge [sflag:s11], $0x80  }
0x231: {  	[sflag:s11] =	ssyncset.done $0x0  }
0x232: {  	[sflag:s11] =	ssyncadd.s32 $0xFFFFFF80  }
0x233: {  	_ =	swait.ge [sflag:s19], $0x4000  }
0x234: {  	[sflag:s19] =	ssyncset.done $0x0  }
0x235: {  	[sflag:s19] =	ssyncadd.s32 $0xFFFFC000  }
0x236: {  	_ =	swait.ge [sflag:s20], $0x800  }
0x237: {  	[sflag:s20] =	ssyncset.done $0x0  }
0x238: {  	s25 =	simm.s32 $0x200;
	[sflag:s20] =	ssyncadd.s32 $0xFFFFF800  }
0x239: {  	[tilespmem:s14], [sflag:$0x1] =	stream.indirect.gather [hbm4b:s10+s13], $0x80, s25, s13, $0xb8;
	[tilespmem:$0x1FC30] =	vst v63  }
0x23a: {  	_ = 	snop  }
0x23b: {  	[tilespmem:s15], [sflag:$0x2] =	stream.linear.gather [hbm4b:s7+s1], $0x80, $0x38;
	[tilespmem:$0x1FC30] =	vst v63  }
0x23c: {  	s4 =	simm.s32 $0xFFFFBC00;
	s25 =	sadd.s32 $0x20, s7  }
0x23d: {  	[spmem:s22] =	stream.indirect.scatter.add.f32 [tilespmem:s16], [sflag:$0x3], $0x80, s17, s13, $0xb8;
	[tilespmem:$0x1FC30] =	vst v63  }
.LBB2_10:
0x23e: {  	[spmem:s28] =	stream.indirect.scatter.add.f32 [tilespmem:s18], [sflag:$0x4], $0x10, s17, s13, $0xb8;
	[tilespmem:$0x1FC30] =	vst v63  }
0x23f: {  	s0 =	smov.u32 s4  }
0x240: {  	p1 =	sne.s32 s4, $0xFFFFFC00;
	s4 =	sadd.s32 $0x400, s4;
	_ =	swait.ge [sflag:s9], $0x4000  }
0x241: {  	[sflag:s9] =	ssyncset.done $0x0  }
0x242: {  	[sflag:s9] =	ssyncadd.s32 $0xFFFFC000  }
0x243: {  	_ =	swait.ge [sflag:s11], $0x80  }
0x244: {  	[sflag:s11] =	ssyncset.done $0x0  }
0x245: {  	[sflag:s11] =	ssyncadd.s32 $0xFFFFFF80  }
0x246: {  	_ =	swait.ge [sflag:s19], $0x4000  }
0x247: {  	[sflag:s19] =	ssyncset.done $0x0  }
0x248: {  	[sflag:s19] =	ssyncadd.s32 $0xFFFFC000  }
0x249: {  	_ =	swait.ge [sflag:s20], $0x800  }
0x24a: {  	s0 =	sshra.s32 s0, $0x2;
	[sflag:s20] =	ssyncset.done $0x0  }
0x24b: {  	s21 =	sadd.s32 $0x1380, s0;
	[sflag:s20] =	ssyncadd.s32 $0xFFFFF800  }
0x24c: {  	[tilespmem:s16], [sflag:$0x1] =	stream.indirect.gather [hbm4b:s10+s13], $0x80, s21, s13, $0xb8;
	[tilespmem:$0x1FC30] =	vst v63  }
0x24d: {  	s21 =	sadd.s32 $0xFFFFFFF0, s25  }
0x24e: {  	[tilespmem:s17], [sflag:$0x2] =	stream.linear.gather [hbm4b:s21+s1], $0x80, $0x38;
	[tilespmem:$0x1FC30] =	vst v63  }
0x24f: {  	_ = 	snop  }
0x250: {  	[spmem:s22] =	stream.indirect.scatter.add.f32 [tilespmem:s14], [sflag:$0x3], $0x80, s15, s13, $0xb8;
	[tilespmem:$0x1FC30] =	vst v63  }
0x251: {  	_ = 	snop  }
0x252: {  	[spmem:s28] =	stream.indirect.scatter.add.f32 [tilespmem:s18], [sflag:$0x4], $0x10, s15, s13, $0xb8;
	[tilespmem:$0x1FC30] =	vst v63  }
0x253: {  	_ =	swait.ge [sflag:s9], $0x4000  }
0x254: {  	[sflag:s9] =	ssyncset.done $0x0  }
0x255: {  	[sflag:s9] =	ssyncadd.s32 $0xFFFFC000  }
0x256: {  	_ =	swait.ge [sflag:s11], $0x80  }
0x257: {  	[sflag:s11] =	ssyncset.done $0x0  }
0x258: {  	[sflag:s11] =	ssyncadd.s32 $0xFFFFFF80  }
0x259: {  	_ =	swait.ge [sflag:s19], $0x4000  }
0x25a: {  	[sflag:s19] =	ssyncset.done $0x0  }
0x25b: {  	[sflag:s19] =	ssyncadd.s32 $0xFFFFC000  }
0x25c: {  	_ =	swait.ge [sflag:s20], $0x800  }
0x25d: {  	[sflag:s20] =	ssyncset.done $0x0  }
0x25e: {  	s0 =	sadd.s32 $0x1400, s0;
	[sflag:s20] =	ssyncadd.s32 $0xFFFFF800  }
0x25f: {  	[tilespmem:s14], [sflag:$0x1] =	stream.indirect.gather [hbm4b:s10+s13], $0x80, s0, s13, $0xb8;
	[tilespmem:$0x1FC30] =	vst v63  }
.Ltmp4:
0x260: {  	(pc) =	sbr.rel @p1 .LBB2_10-.Ltmp4, $4  }
0x261: {  	[tilespmem:s15], [sflag:$0x2] =	stream.linear.gather [hbm4b:s25+s1], $0x80, $0x38;
	[tilespmem:$0x1FC30] =	vst v63  }
0x262: {  	_ = 	snop  }
0x263: {  	[spmem:s22] =	stream.indirect.scatter.add.f32 [tilespmem:s16], [sflag:$0x3], $0x80, s17, s13, $0xb8;
	[tilespmem:$0x1FC30] =	vst v63  }
0x264: {  	s25 =	sadd.s32 $0x20, s25  }
0x265: {  	[spmem:s28] =	stream.indirect.scatter.add.f32 [tilespmem:s18], [sflag:$0x4], $0x10, s17, s13, $0xb8;
	[tilespmem:$0x1FC30] =	vst v63  }
0x266: {  	_ =	swait.ge [sflag:s9], $0x4000  }
0x267: {  	[sflag:s9] =	ssyncset.done $0x0  }
0x268: {  	[sflag:s9] =	ssyncadd.s32 $0xFFFFC000  }
0x269: {  	_ =	swait.ge [sflag:s11], $0x80  }
0x26a: {  	[sflag:s11] =	ssyncset.done $0x0  }
0x26b: {  	[sflag:s11] =	ssyncadd.s32 $0xFFFFFF80  }
0x26c: {  	_ =	swait.ge [sflag:s19], $0x4000  }
0x26d: {  	[sflag:s19] =	ssyncset.done $0x0  }
0x26e: {  	[sflag:s19] =	ssyncadd.s32 $0xFFFFC000  }
0x26f: {  	_ =	swait.ge [sflag:s20], $0x800  }
0x270: {  	[sflag:s20] =	ssyncset.done $0x0  }
0x271: {  	[sflag:s20] =	ssyncadd.s32 $0xFFFFF800  }
0x272: {  	[spmem:s22] =	stream.indirect.scatter.add.f32 [tilespmem:s14], [sflag:$0x5], $0x80, s15, s13, $0xb8;
	[tilespmem:$0x1FC30] =	vst v63  }
0x273: {  	_ =	swait.ge [sflag:s8], $0x4000  }
0x274: {  	[sflag:s8] =	ssyncset.done $0x0  }
0x275: {  	[sflag:s8] =	ssyncadd.s32 $0xFFFFC000  }
0x276: {  	[spmem:s28] =	stream.indirect.scatter.add.f32 [tilespmem:s18], [sflag:$0x5], $0x10, s15, s13, $0xb8;
	[tilespmem:$0x1FC30] =	vst v63  }
0x277: {  	_ =	swait.ge [sflag:s8], $0x800  }
0x278: {  	[sflag:s8] =	ssyncset.done $0x0  }
0x279: {  	s0 =	rddreg [dreg:$0x10];
	[sflag:s8] =	ssyncadd.s32 $0xFFFFF800  }
0x27a: {  	[tilespmem:s24], [sflag:$0x5] =	stream.linear.gather [hbm4b:s0+s1], $0x10, $0x38;
	[tilespmem:$0x1FC30] =	vst v63  }
0x27b: {  	_ =	swait.ge [sflag:s8], $0x10  }
0x27c: {  	[sflag:s8] =	ssyncset.done $0x0  }
0x27d: {  	s4 =	simm.s32 $0x1380;
	[sflag:s8] =	ssyncadd.s32 $0xFFFFFFF0  }
0x27e: {  	[tilespmem:s14], [sflag:$0x1] =	stream.indirect.gather [hbm4b:s10+s12], $0x80, s4, s12, $0xb8;
	[tilespmem:$0x1FC30] =	vst v63  }
0x27f: {  	_ =	swait.ge [sflag:s9], $0x800  }
0x280: {  	[sflag:s9] =	ssyncset.done $0x0  }
0x281: {  	[sflag:s9] =	ssyncadd.s32 $0xFFFFF800  }
0x282: {  	[spmem:s22] =	stream.indirect.scatter.add.f32 [tilespmem:s14], [sflag:$0x5], $0x80, s24, s12, $0xb8;
	[tilespmem:$0x1FC30] =	vst v63  }
0x283: {  	_ =	swait.ge [sflag:s8], $0x800  }
0x284: {  	[sflag:s8] =	ssyncset.done $0x0  }
0x285: {  	[sflag:s8] =	ssyncadd.s32 $0xFFFFF800  }
0x286: {  	[spmem:s28] =	stream.indirect.scatter.add.f32 [tilespmem:s18], [sflag:$0x5], $0x10, s24, s12, $0xb8;
	[tilespmem:$0x1FC30] =	vst v63  }
0x287: {  	_ =	swait.ge [sflag:s8], $0x100  }
0x288: {  	[sflag:s8] =	ssyncset.done $0x0  }
0x289: {  	[sflag:s8] =	ssyncadd.s32 $0xFFFFFF00  }
0x28a: {  	[bflag:$0x0] =	sbarrier.arrive $0xFFFF  }
0x28b: {  	s21 =	rddreg [dreg:$0x1d]  }
0x28c: {  	[hbm:s21], [sflag:s23] =	dma.local [spmem:s2], $0x2710  }
0x28d: {  	_ =	swait.ge [sflag:s8], $0x2710  }
0x28e: {  	[sflag:s8] =	ssyncset.done $0x0  }
0x28f: {  	s0 =	rddreg [dreg:$0x11];
	[sflag:s8] =	ssyncadd.s32 $0xFFFFD8F0  }
0x290: {  	[hbm:s0], [sflag:s23] =	dma.local @!p0 [spmem:s5], $0x4E2  }
0x291: {  	s0 =	simm.s32 @!p0 $0x5  }
0x292: {  	_ =	swait.ge @!p0 [sflag:s0], $0x4E2  }
0x293: {  	s31 =	sadd.s32 $0x1, s31;
	s25 =	rddreg [dreg:$0x1e]  }
0x294: {  	p1 =	sne.s32 s31, s25  }
.Ltmp5:
0x295: {  	_ = 	snop;
	(pc) =	sbr.rel @p1 .LBB2_1-.Ltmp5, $3  }
0x296: {  	[sflag:s0] =	ssyncset.done @!p0 $0x0  }
0x297: {  	[sflag:s0] =	ssyncadd.s32 @!p0 $0xFFFFFB1E  }
0x298: {  	[bflag:$0x0] =	sbarrier.arrive $0xFFFF;
	_ =	sdelay $0x1  }
0x299: {  	_ =	sfence.sel $0x180000  }
0x29a: {  	[bflag:$0x0] =	sbarrier.arrive $0xFFFF  }
0x29b: {  	_ =	strace $0x90000047  }
0x29c: {  	s0 =	stileid.u32;
	[bflag:$0x2] =	sbarrier.arrive $0xFFFF  }
0x29d: {  	p0 =	sne.s32 s0, $0x0;
	s0 =	rddreg [dreg:$0x5]  }
0x29e: {  	s0 =	sadd.s32 @!p0 $0x100000, s0  }
0x29f: {  	[sflag:s0] =	ssyncadd.tile.s32 @!p0 $0x1;
	_ =	shalt  }
.Lfunc_end2:
_tile_overlayer_lowered:
.L_overlay_start_2:
0x2a0: {  	(tag) =	ssettag $0x2  }
0x2a1: {  	s0 =	rddreg [dreg:$0x0];
	s2 =	stileid.u32  }
0x2a2: {  	s1 =	rddreg [dreg:$0x1];
	p0 =	sne.s32 s2, $0x0  }
0x2a3: {  	s3 =	rddreg [dreg:$0x2];
	[bflag:$0x3] =	sbarrier.arrive $0xFFFF;
	s2 =	simm.s32 @!p0 $0x1C05  }
0x2a4: {  	[timem:s3], [sflag:s2] =	dma.local @!p0 [hbm:s0], s1  }
0x2a5: {  	s0 =	simm.s32 @!p0 $0x5  }
0x2a6: {  	_ =	swait.ge @!p0 [sflag:s0], s1  }
0x2a7: {  	s1 =	ssub.s32 @!p0 $0x0, s1;
	[sflag:s0] =	ssyncset.done @!p0 $0x0  }
0x2a8: {  	[sflag:s0] =	ssyncadd.s32 @!p0 s1  }
0x2a9: {  	[bflag:$0x3] =	sbarrier.arrive $0xFFFF  }
0x2aa: {  	_ =	shalt  }

</sc_bundles>
